<compile_context>
chip_gen: v7x
topology: tpu7x:2x2x1
jax: 0.10.2.dev20260603
libtpu: 0.0.44.dev20260713+nightly
codegen_flags: <defaults>
</compile_context>

<pallas_src>
import functools

import jax
import jax.numpy as jnp
from jax import lax
from jax.experimental import pallas as pl
from jax.experimental.pallas import tpu as pltpu
from jax.experimental.pallas import tpu_sc as plsc

N = 10000
D = 128
E = 320000
NC = 2
NS = 16
NW = NC * NS
N_PAD = 10240
E_PAD = 327680
EPT = E_PAD // NW
CH = 128
NCHUNK = EPT // CH
ECH = 128
ENCHUNK = EPT // ECH
RPT = N_PAD // NS
ZB = 128

BLK = 1280
GRID = N_PAD // BLK


def _sc_mesh():
    return plsc.VectorSubcoreMesh(core_axis_name="c", subcore_axis_name="s",
                                  num_cores=NC, num_subcores=NS)



def _fill_zeros(buf):
    def outer(i, _):
        def inner(j, _):
            buf[i, pl.ds(j * 16, 16)] = jnp.zeros((16,), jnp.float32)
            return 0

        lax.fori_loop(0, D // 16, inner, 0)
        return 0

    lax.fori_loop(0, ZB, outer, 0)


def _zero_acc(zeros_v, acc_sh, s):
    def body(j, _):
        pltpu.sync_copy(zeros_v, acc_sh.at[pl.ds(s * RPT + j * ZB, ZB)])
        return 0

    lax.fori_loop(0, RPT // ZB, body, 0)


def _write_out(acc_sh, out_hbm, c, s):
    def body(j, _):
        r0 = s * RPT + j * ZB
        pltpu.sync_copy(acc_sh.at[pl.ds(r0, ZB)], out_hbm.at[c, pl.ds(r0, ZB)])
        return 0

    lax.fori_loop(0, RPT // ZB, body, 0)


def _deg_body(col_hbm, out_hbm, idx_v, ones_v, zeros_v, acc_sh):
    c = lax.axis_index("c")
    s = lax.axis_index("s")
    wid = s * NC + c

    _fill_zeros(zeros_v)

    def fill_ones(i, _):
        def inner(j, _):
            ones_v[i, pl.ds(j * 16, 16)] = jnp.full((16,), 1.0, jnp.float32)
            return 0

        lax.fori_loop(0, D // 16, inner, 0)
        return 0

    lax.fori_loop(0, CH, fill_ones, 0)
    _zero_acc(zeros_v, acc_sh, s)
    plsc.subcore_barrier()

    base = wid * EPT

    def body(i, _):
        pltpu.sync_copy(col_hbm.at[pl.ds(base + i * CH, CH)], idx_v)
        pltpu.sync_copy(ones_v, acc_sh.at[idx_v], add=True)
        return 0

    lax.fori_loop(0, NCHUNK, body, 0)

    plsc.subcore_barrier()
    _write_out(acc_sh, out_hbm, c, s)


@functools.cache
def _make_deg_kernel():
    return functools.partial(
        pl.kernel,
        out_type=jax.ShapeDtypeStruct((NC, N_PAD, D), jnp.float32),
        mesh=_sc_mesh(),
        scratch_types=[
            pltpu.VMEM((CH,), jnp.int32),
            pltpu.VMEM((CH, D), jnp.float32),
            pltpu.VMEM((ZB, D), jnp.float32),
            pltpu.VMEM_SHARED((N_PAD, D), jnp.float32),
        ],
    )(_deg_body)


NBUF = 2


def _edge_body(h_hbm, row_hbm, col_hbm, out_hbm,
               colv, rowv, rows_v, acc_sh, gsem, isem, ssem):
    c = lax.axis_index("c")
    s = lax.axis_index("s")
    wid = s * NC + c

    def fz(i, _):
        def inner(j, _):
            rows_v[0][i, pl.ds(j * 16, 16)] = jnp.zeros((16,), jnp.float32)
            return 0
        lax.fori_loop(0, D // 16, inner, 0)
        return 0
    lax.fori_loop(0, ECH, fz, 0)

    def zc(j, _):
        pltpu.sync_copy(rows_v[0], acc_sh.at[pl.ds(s * RPT + j * ECH, ECH)])
        return 0
    lax.fori_loop(0, RPT // ECH, zc, 0)
    plsc.subcore_barrier()

    base = wid * EPT

    def idx_start(i, b):
        off = base + i * ECH
        pltpu.async_copy(col_hbm.at[pl.ds(off, ECH)], colv[b], isem[b])
        pltpu.async_copy(row_hbm.at[pl.ds(off, ECH)], rowv[b], isem[b])

    def idx_wait(b):
        pltpu.make_async_copy(col_hbm.at[pl.ds(0, ECH)], colv[b],
                              isem[b]).wait()
        pltpu.make_async_copy(row_hbm.at[pl.ds(0, ECH)], rowv[b],
                              isem[b]).wait()

    def gather_start(b):
        pltpu.async_copy(h_hbm.at[colv[b]], rows_v[b], gsem[b])

    def gather_wait(b):
        pltpu.make_async_copy(h_hbm.at[colv[b]], rows_v[b],
                              gsem[b]).wait()

    def scatter_start(b):
        pltpu.async_copy(rows_v[b], acc_sh.at[rowv[b]], ssem[b],
                         add=True)

    def scatter_wait(b):
        pltpu.make_async_copy(rows_v[b], acc_sh.at[rowv[b]],
                              ssem[b]).wait()

    idx_start(0, 0)
    idx_wait(0)
    gather_start(0)

    def quad(k2, _):
        for j in range(NBUF):
            k = NBUF * k2 + j
            nxt = (j + 1) % NBUF

            if j < NBUF - 1:
                @pl.when(k2 > 0)
                def _():
                    scatter_wait(nxt)
            else:
                scatter_wait(nxt)

            if j < NBUF - 1:
                idx_start(k + 1, nxt)
                gather_wait(j)
                scatter_start(j)
                idx_wait(nxt)
                gather_start(nxt)
            else:
                @pl.when(k2 < ENCHUNK // NBUF - 1)
                def _():
                    idx_start(k + 1, nxt)
                gather_wait(j)
                scatter_start(j)

                @pl.when(k2 < ENCHUNK // NBUF - 1)
                def _():
                    idx_wait(nxt)
                    gather_start(nxt)
        return 0

    lax.fori_loop(0, ENCHUNK // NBUF, quad, 0)

    for b in range(1, NBUF):
        scatter_wait(b)

    plsc.subcore_barrier()

    def wo(j, _):
        r0 = s * RPT + j * ECH
        pltpu.sync_copy(acc_sh.at[pl.ds(r0, ECH)],
                        out_hbm.at[c, pl.ds(r0, ECH)])
        return 0

    lax.fori_loop(0, RPT // ECH, wo, 0)


@functools.cache
def _make_edge_kernel():
    return functools.partial(
        pl.kernel,
        out_type=jax.ShapeDtypeStruct((NC, N_PAD, D), jnp.float32),
        mesh=_sc_mesh(),
        scratch_types=[
            [pltpu.VMEM((ECH,), jnp.int32)] * NBUF,
            [pltpu.VMEM((ECH,), jnp.int32)] * NBUF,
            [pltpu.VMEM((ECH, D), jnp.float32)] * NBUF,
            pltpu.VMEM_SHARED((N_PAD, D), jnp.float32),
            [pltpu.SemaphoreType.DMA] * NBUF,
            [pltpu.SemaphoreType.DMA] * NBUF,
            [pltpu.SemaphoreType.DMA] * NBUF,
        ],
    )(_edge_body)



def _build_dense(n_parts):
    def body(p_ref, wt_ref, b_ref, degp_ref, out_ref):
        h = p_ref[0]
        for q in range(1, n_parts):
            h = h + p_ref[q]
        g = jnp.dot(h, wt_ref[...], preferred_element_type=jnp.float32)
        g = jnp.maximum(g + b_ref[...], 0.0)
        deg = degp_ref[0] + degp_ref[1]
        deg = jnp.maximum(deg, 1.0)
        out_ref[...] = g / deg

    return pl.pallas_call(
        body,
        grid=(GRID,),
        in_specs=[
            pl.BlockSpec((n_parts, BLK, D), lambda i: (0, i, 0)),
            pl.BlockSpec((D, D), lambda i: (0, 0)),
            pl.BlockSpec((1, D), lambda i: (0, 0)),
            pl.BlockSpec((NC, BLK, D), lambda i: (0, i, 0)),
        ],
        out_specs=pl.BlockSpec((BLK, D), lambda i: (i, 0)),
        out_shape=jax.ShapeDtypeStruct((N_PAD, D), jnp.float32),
    )


_dense_1 = _build_dense(1)
_dense_2 = _build_dense(NC)


def _head_body(p_ref, pw0, pb0, fw0, fb0, pw1, pb1, fw1, fb1, ow, ob, out_ref):
    h3 = p_ref[0] + p_ref[1]
    inj0 = jnp.dot(h3, pw0[...], preferred_element_type=jnp.float32) + pb0[...]
    h = jnp.dot(jnp.maximum(h3, 0.0), fw0[...],
                preferred_element_type=jnp.float32) + fb0[...] + inj0
    inj1 = jnp.dot(h3, pw1[...], preferred_element_type=jnp.float32) + pb1[...]
    h = jnp.dot(jnp.maximum(h, 0.0), fw1[...],
                preferred_element_type=jnp.float32) + fb1[...] + inj1
    out_ref[...] = jnp.dot(h, ow[...], preferred_element_type=jnp.float32) + ob[...]


_mat_spec = pl.BlockSpec((D, D), lambda i: (0, 0))
_vec_spec = pl.BlockSpec((1, D), lambda i: (0, 0))

_head = pl.pallas_call(
    _head_body,
    grid=(GRID,),
    in_specs=[pl.BlockSpec((NC, BLK, D), lambda i: (0, i, 0)),
              _mat_spec, _vec_spec, _mat_spec, _vec_spec,
              _mat_spec, _vec_spec, _mat_spec, _vec_spec,
              _mat_spec, _vec_spec],
    out_specs=pl.BlockSpec((BLK, D), lambda i: (i, 0)),
    out_shape=jax.ShapeDtypeStruct((N_PAD, D), jnp.float32),
)



def kernel(x, edge_index, mp_W0, mp_b0, mp_W1, mp_b1, mp_W2, mp_b2,
           fc_W0, fc_b0, fc_W1, fc_b1, proj_W0, proj_b0, proj_W1, proj_b1,
           out_W, out_b, alpha):
    row = edge_index[0]
    col = edge_index[1]

    x_pad = jnp.concatenate(
        [x, jnp.zeros((N_PAD - N, D), jnp.float32)], axis=0)
    ppt = EPT - E // NW
    pad_blk = jnp.broadcast_to(
        N + jnp.arange(ppt, dtype=jnp.int32), (NW, ppt))
    row_p = jnp.concatenate(
        [row.reshape(NW, E // NW), pad_blk], axis=1).reshape(-1)
    col_p = jnp.concatenate(
        [col.reshape(NW, E // NW), pad_blk], axis=1).reshape(-1)

    deg_kernel = _make_deg_kernel()
    edge_kernel = _make_edge_kernel()

    degp = deg_kernel(col_p)

    g = _dense_1(x_pad[None], mp_W0.T, mp_b0[None], degp)
    p = edge_kernel(g, row_p, col_p)
    g = _dense_2(p, mp_W1.T, mp_b1[None], degp)
    p = edge_kernel(g, row_p, col_p)
    g = _dense_2(p, mp_W2.T, mp_b2[None], degp)
    p = edge_kernel(g, row_p, col_p)

    out = _head(p,
                proj_W0.T, proj_b0[None],
                (alpha * fc_W0).T, (alpha * fc_b0)[None],
                proj_W1.T, proj_b1[None],
                (alpha * fc_W1).T, (alpha * fc_b1)[None],
                out_W.T, out_b[None])
    return out[:N]

# --- scband reference (transcript-rebuilt; emitter-appended) ---
"""Pipeline reference for scband-decouple-model-20873541059014 (READ-ONLY COPY).

The authoritative reference and input builder live on the scoring server;
editing this copy changes nothing except your own understanding.
"""

import jax, jax.numpy as jnp
import numpy as np

N = 10000
E = 320000
D_IN = 128
MP_W = 128
FL_W = 128
D_OUT = 128

def setup_inputs(seed: int = 0):
    key = jax.random.key(seed)
    ks = jax.random.split(key, 24)
    x = jax.random.normal(ks[0], (N, D_IN), dtype=jnp.float32)
    ei = jax.random.randint(ks[1], (2, E), 0, N, dtype=jnp.int32)
    # ensure every node appears at least once as a col (gather source) so that
    # zero-degree rows (which would be inf after division in torch but are never
    # gathered) do not appear; matches effective torch behavior
    col = jnp.concatenate([jnp.arange(N, dtype=jnp.int32), ei[1, N:]])
    edge_index = jnp.stack([ei[0], col])
    inp = {"x": x, "edge_index": edge_index}
    mp_dims = [(D_IN, MP_W), (MP_W, MP_W), (MP_W, MP_W)]
    for i, (din, dout) in enumerate(mp_dims):
        inp["mp_W%d" % i] = jax.random.normal(ks[2 + 2 * i], (dout, din), dtype=jnp.float32)
        bnd = 1.0 / np.sqrt(din)
        inp["mp_b%d" % i] = jax.random.uniform(ks[3 + 2 * i], (dout,), minval=-bnd, maxval=bnd, dtype=jnp.float32)
    def lin(kw, kb, din, dout):
        bnd = 1.0 / np.sqrt(din)
        W = jax.random.uniform(kw, (dout, din), minval=-bnd, maxval=bnd, dtype=jnp.float32)
        b = jax.random.uniform(kb, (dout,), minval=-bnd, maxval=bnd, dtype=jnp.float32)
        return W, b
    inp["fc_W0"], inp["fc_b0"] = lin(ks[8], ks[9], MP_W, FL_W)
    inp["fc_W1"], inp["fc_b1"] = lin(ks[10], ks[11], FL_W, FL_W)
    inp["proj_W0"], inp["proj_b0"] = lin(ks[12], ks[13], MP_W, FL_W)
    inp["proj_W1"], inp["proj_b1"] = lin(ks[14], ks[15], MP_W, FL_W)
    inp["out_W"], inp["out_b"] = lin(ks[16], ks[17], FL_W, D_OUT)
    inp["alpha"] = jnp.array(1.0, dtype=jnp.float32)
    return inp

def reference(x, edge_index, mp_W0, mp_b0, mp_W1, mp_b1, mp_W2, mp_b2, fc_W0, fc_b0, fc_W1, fc_b1, proj_W0, proj_b0, proj_W1, proj_b1, out_W, out_b, alpha):
    row = edge_index[0]
    col = edge_index[1]
    num_nodes = x.shape[0]
    deg = jnp.zeros((num_nodes,), jnp.float32).at[col].add(1.0)
    # zero-degree rows are never gathered via h[col]; clamp avoids inf with identical output
    deg = jnp.maximum(deg, 1.0)
    def mp(h_in, W, b):
        h = jax.nn.relu(h_in @ W.T + b)
        h = h / deg[:, None]
        return jnp.zeros_like(h).at[row].add(h[col])
    h = mp(x, mp_W0, mp_b0)
    h = mp(h, mp_W1, mp_b1)
    h = mp(h, mp_W2, mp_b2)
    x_inject = h
    for Wf, bf, Wp, bp in ((fc_W0, fc_b0, proj_W0, proj_b0), (fc_W1, fc_b1, proj_W1, proj_b1)):
        injected = x_inject @ Wp.T + bp
        h = alpha * (jax.nn.relu(h) @ Wf.T + bf) + injected
    return h @ out_W.T + out_b

if __name__ == "__main__":
    import jax
    _d = setup_inputs()
    print(jax.jit(kernel)(*tuple(_d.values())))

</pallas_src>

<mosaic_0001>
#map = affine_map<(d0, d1) -> (0, 0)>
#map1 = affine_map<(d0, d1) -> (0)>
#map2 = affine_map<(d0, d1) -> (0, 0, 0)>
module attributes {stable_mosaic.version = 14 : i64} {
  func.func @_edge_body(%arg0: i32, %arg1: i32, %arg2: memref<10240x128xf32, #tpu.memory_space<hbm>>, %arg3: memref<327680xi32, #tpu.memory_space<hbm>>, %arg4: memref<327680xi32, #tpu.memory_space<hbm>>, %arg5: memref<2x10240x128xf32, #tpu.memory_space<hbm>>, %arg6: memref<128xi32, #tpu.memory_space<vmem>>, %arg7: memref<128xi32, #tpu.memory_space<vmem>>, %arg8: memref<128xi32, #tpu.memory_space<vmem>>, %arg9: memref<128xi32, #tpu.memory_space<vmem>>, %arg10: memref<128x128xf32, #tpu.memory_space<vmem>>, %arg11: memref<128x128xf32, #tpu.memory_space<vmem>>, %arg12: memref<10240x128xf32, #tpu.memory_space<vmem_shared>>, %arg13: memref<!tpu.dma_semaphore, #tpu.memory_space<semaphore_mem>>, %arg14: memref<!tpu.dma_semaphore, #tpu.memory_space<semaphore_mem>>, %arg15: memref<!tpu.dma_semaphore, #tpu.memory_space<semaphore_mem>>, %arg16: memref<!tpu.dma_semaphore, #tpu.memory_space<semaphore_mem>>, %arg17: memref<!tpu.dma_semaphore, #tpu.memory_space<semaphore_mem>>, %arg18: memref<!tpu.dma_semaphore, #tpu.memory_space<semaphore_mem>>) attributes {dimension_semantics = [#tpu.dimension_semantics<core_parallel>, #tpu.dimension_semantics<subcore_parallel>], iteration_bounds = array<i64: 2, 16>, scalar_prefetch = 0 : i64, scratch_operands = 13 : i64, tpu.core_type = #tpu.core_type<sc_vector_subcore>, window_params = [{transform_indices = #map}, {transform_indices = #map1}, {transform_indices = #map1}, {transform_indices = #map2}]} {
    %mul3A = arith.constant 2 : i32
    %mul3A_0 = arith.muli %arg1, %mul3A : i32
    %add3A = arith.addi %mul3A_0, %arg0 : i32
    %scan3A = arith.constant 0 : i32
    %scan3A_1 = arith.constant 0 : i32
    %scan3A_2 = arith.constant 128 : i32
    %scan3A_3 = arith.addi %scan3A_1, %scan3A_2 : i32
    %scan3A_4 = arith.constant 1 : i32
    %scan3A_5 = scf.for %scan3A_49 = %scan3A_1 to %scan3A_3 step %scan3A_4 iter_args(%scan3A_50 = %scan3A) -> (i32)  : i32 {
      %scan3A_51 = arith.constant 0 : i32
      %scan3A_52 = arith.constant 0 : i32
      %scan3A_53 = arith.constant 8 : i32
      %scan3A_54 = arith.addi %scan3A_52, %scan3A_53 : i32
      %scan3A_55 = arith.constant 1 : i32
      %scan3A_56 = scf.for %scan3A_59 = %scan3A_52 to %scan3A_54 step %scan3A_55 iter_args(%scan3A_60 = %scan3A_51) -> (i32)  : i32 {
        %broadcast_in_dim3A = arith.constant 0.000000e+00 : f32
        %broadcast_in_dim3A_61 = vector.broadcast %broadcast_in_dim3A : f32 to vector<16xf32>
        %mul3A_62 = arith.constant 16 : i32
        %mul3A_63 = arith.muli %scan3A_59, %mul3A_62 : i32
        %swap3A = arith.index_cast %scan3A_49 : i32 to index
        %swap3A_64 = arith.index_cast %mul3A_63 : i32 to index
        %swap3A_65 = tpu.vector_load %arg10[%swap3A, %swap3A_64] {strides = array<i32>} : memref<128x128xf32, #tpu.memory_space<vmem>>, vector<1x16xf32>,
        %swap3A_66 = vector.shape_cast %swap3A_65 : vector<1x16xf32> to vector<16xf32>
        %swap3A_67 = vector.shape_cast %broadcast_in_dim3A_61 : vector<16xf32> to vector<1x16xf32>
        tpu.vector_store %arg10[%swap3A, %swap3A_64], %swap3A_67 {strides = array<i32>} : memref<128x128xf32, #tpu.memory_space<vmem>>, vector<1x16xf32>,
        %scan3A_68 = arith.constant 0 : i32
        scf.yield %scan3A_68 : i32
      }
      %scan3A_57 = arith.constant 8 : i32
      %scan3A_58 = arith.constant 0 : i32
      scf.yield %scan3A_58 : i32
    }
    %scan3A_6 = arith.constant 128 : i32
    %scan3A_7 = arith.constant 0 : i32
    %scan3A_8 = arith.constant 0 : i32
    %scan3A_9 = arith.constant 5 : i32
    %scan3A_10 = arith.addi %scan3A_8, %scan3A_9 : i32
    %scan3A_11 = arith.constant 1 : i32
    %scan3A_12 = scf.for %scan3A_49 = %scan3A_8 to %scan3A_10 step %scan3A_11 iter_args(%scan3A_50 = %scan3A_7) -> (i32)  : i32 {
      %mul3A_51 = arith.constant 640 : i32
      %mul3A_52 = arith.muli %arg1, %mul3A_51 : i32
      %mul3A_53 = arith.constant 128 : i32
      %mul3A_54 = arith.muli %scan3A_49, %mul3A_53 : i32
      %add3A_55 = arith.addi %mul3A_52, %mul3A_54 : i32
      "tpu.region"() ({
        %run_scoped3A = tpu.sem_alloc : memref<!tpu.dma_semaphore, #tpu.memory_space<semaphore_mem>>
        %dma_start3A_57 = arith.constant 0 : i32
        %dma_start3A_58 = tpu.memref_slice %arg12[%add3A_55, %dma_start3A_57] : memref<10240x128xf32, #tpu.memory_space<vmem_shared>> -> memref<128x128xf32, #tpu.memory_space<vmem_shared>>
        %dma_start3A_59 = arith.constant 0 : i32
        %dma_start3A_60 = tpu.memref_slice %arg12[%add3A_55, %dma_start3A_59] : memref<10240x128xf32, #tpu.memory_space<vmem_shared>> -> memref<128x128xf32, #tpu.memory_space<vmem_shared>>
        tpu.enqueue_dma source(%arg10 : memref<128x128xf32, #tpu.memory_space<vmem>>) target(%dma_start3A_60 : memref<128x128xf32, #tpu.memory_space<vmem_shared>>) target_semaphore(%run_scoped3A : memref<!tpu.dma_semaphore, #tpu.memory_space<semaphore_mem>>)
        %dma_wait3A_61 = arith.constant 0 : i32
        %dma_wait3A_62 = tpu.memref_slice %arg12[%add3A_55, %dma_wait3A_61] : memref<10240x128xf32, #tpu.memory_space<vmem_shared>> -> memref<128x128xf32, #tpu.memory_space<vmem_shared>>
        %dma_wait3A_63 = arith.constant 0 : i32
        %dma_wait3A_64 = tpu.memref_slice %arg12[%add3A_55, %dma_wait3A_63] : memref<10240x128xf32, #tpu.memory_space<vmem_shared>> -> memref<128x128xf32, #tpu.memory_space<vmem_shared>>
        tpu.wait_dma2 semaphore(%run_scoped3A : memref<!tpu.dma_semaphore, #tpu.memory_space<semaphore_mem>>) src(%arg10 : memref<128x128xf32, #tpu.memory_space<vmem>>) dst(%dma_wait3A_64 : memref<128x128xf32, #tpu.memory_space<vmem_shared>>)
        tpu.yield
      }) : () -> ()
      %scan3A_56 = arith.constant 0 : i32
      scf.yield %scan3A_56 : i32
    }
    %scan3A_13 = arith.constant 5 : i32
    %barrier3A = arith.constant 0 : index
    tpu.barrier barrier_id(%barrier3A)
    %mul3A_14 = arith.constant 10240 : i32
    %mul3A_15 = arith.muli %add3A, %mul3A_14 : i32
    %add3A_16 = arith.constant 0 : i32
    %add3A_17 = arith.addi %mul3A_15, %add3A_16 : i32
    %dma_start3A = tpu.memref_slice %arg4[%add3A_17] : memref<327680xi32, #tpu.memory_space<hbm>> -> memref<128xi32, #tpu.memory_space<hbm>>
    %dma_start3A_18 = tpu.memref_slice %arg4[%add3A_17] : memref<327680xi32, #tpu.memory_space<hbm>> -> memref<128xi32, #tpu.memory_space<hbm>>
    tpu.enqueue_dma source(%dma_start3A_18 : memref<128xi32, #tpu.memory_space<hbm>>) target(%arg6 : memref<128xi32, #tpu.memory_space<vmem>>) target_semaphore(%arg15 : memref<!tpu.dma_semaphore, #tpu.memory_space<semaphore_mem>>)
    %dma_start3A_19 = tpu.memref_slice %arg3[%add3A_17] : memref<327680xi32, #tpu.memory_space<hbm>> -> memref<128xi32, #tpu.memory_space<hbm>>
    %dma_start3A_20 = tpu.memref_slice %arg3[%add3A_17] : memref<327680xi32, #tpu.memory_space<hbm>> -> memref<128xi32, #tpu.memory_space<hbm>>
    tpu.enqueue_dma source(%dma_start3A_20 : memref<128xi32, #tpu.memory_space<hbm>>) target(%arg8 : memref<128xi32, #tpu.memory_space<vmem>>) target_semaphore(%arg15 : memref<!tpu.dma_semaphore, #tpu.memory_space<semaphore_mem>>)
    %dma_wait3A = arith.constant 0 : i32
    %dma_wait3A_21 = tpu.memref_slice %arg4[%dma_wait3A] : memref<327680xi32, #tpu.memory_space<hbm>> -> memref<128xi32, #tpu.memory_space<hbm>>
    %dma_wait3A_22 = arith.constant 0 : i32
    %dma_wait3A_23 = tpu.memref_slice %arg4[%dma_wait3A_22] : memref<327680xi32, #tpu.memory_space<hbm>> -> memref<128xi32, #tpu.memory_space<hbm>>
    tpu.wait_dma2 semaphore(%arg15 : memref<!tpu.dma_semaphore, #tpu.memory_space<semaphore_mem>>) src(%dma_wait3A_23 : memref<128xi32, #tpu.memory_space<hbm>>) dst(%arg6 : memref<128xi32, #tpu.memory_space<vmem>>)
    %dma_wait3A_24 = arith.constant 0 : i32
    %dma_wait3A_25 = tpu.memref_slice %arg3[%dma_wait3A_24] : memref<327680xi32, #tpu.memory_space<hbm>> -> memref<128xi32, #tpu.memory_space<hbm>>
    %dma_wait3A_26 = arith.constant 0 : i32
    %dma_wait3A_27 = tpu.memref_slice %arg3[%dma_wait3A_26] : memref<327680xi32, #tpu.memory_space<hbm>> -> memref<128xi32, #tpu.memory_space<hbm>>
    tpu.wait_dma2 semaphore(%arg15 : memref<!tpu.dma_semaphore, #tpu.memory_space<semaphore_mem>>) src(%dma_wait3A_27 : memref<128xi32, #tpu.memory_space<hbm>>) dst(%arg8 : memref<128xi32, #tpu.memory_space<vmem>>)
    %dma_start3A_28 = arith.constant 0 : i32
    %dma_start3A_29 = arith.constant 0 : i32
    %dma_start3A_30 = tpu.memref_slice %arg2[%dma_start3A_28, %dma_start3A_29] : memref<10240x128xf32, #tpu.memory_space<hbm>> -> memref<10240x128xf32, #tpu.memory_space<hbm>>
    tpu.enqueue_indirect_dma source(%dma_start3A_30 : memref<10240x128xf32, #tpu.memory_space<hbm>>) target(%arg10 : memref<128x128xf32, #tpu.memory_space<vmem>>) offsets(%arg6 : memref<128xi32, #tpu.memory_space<vmem>>) semaphore(%arg13 : memref<!tpu.dma_semaphore, #tpu.memory_space<semaphore_mem>>)
    %scan3A_31 = arith.constant 0 : i32
    %scan3A_32 = arith.constant 0 : i32
    %scan3A_33 = arith.constant 40 : i32
    %scan3A_34 = arith.addi %scan3A_32, %scan3A_33 : i32
    %scan3A_35 = arith.constant 1 : i32
    %scan3A_36 = scf.for %scan3A_49 = %scan3A_32 to %scan3A_34 step %scan3A_35 iter_args(%scan3A_50 = %scan3A_31) -> (i32)  : i32 {
      %mul3A_51 = arith.constant 2 : i32
      %mul3A_52 = arith.muli %mul3A_51, %scan3A_49 : i32
      %add3A_53 = arith.constant 0 : i32
      %add3A_54 = arith.addi %mul3A_52, %add3A_53 : i32
      %gt3A = arith.constant 0 : i32
      %gt3A_55 = arith.cmpi sgt, %scan3A_49, %gt3A : i32
      %convert_element_type3A = arith.extui %gt3A_55 : i1 to i32
      %cond3A = arith.constant 0 : i32
      %cond3A_56 = arith.cmpi ne, %convert_element_type3A, %cond3A : i32
      scf.if %cond3A_56 {
        %dma_wait3A_106 = arith.constant 0 : i32
        %dma_wait3A_107 = arith.constant 0 : i32
        %dma_wait3A_108 = tpu.memref_slice %arg12[%dma_wait3A_106, %dma_wait3A_107] : memref<10240x128xf32, #tpu.memory_space<vmem_shared>> -> memref<10240x128xf32, #tpu.memory_space<vmem_shared>>
        tpu.wait_indirect_dma semaphore(%arg18 : memref<!tpu.dma_semaphore, #tpu.memory_space<semaphore_mem>>) src(%arg11 : memref<128x128xf32, #tpu.memory_space<vmem>>) dst(%dma_wait3A_108 : memref<10240x128xf32, #tpu.memory_space<vmem_shared>>)
      } else {
      }
      %add3A_57 = arith.constant 1 : i32
      %add3A_58 = arith.addi %add3A_54, %add3A_57 : i32
      %mul3A_59 = arith.constant 128 : i32
      %mul3A_60 = arith.muli %add3A_58, %mul3A_59 : i32
      %add3A_61 = arith.addi %mul3A_15, %mul3A_60 : i32
      %dma_start3A_62 = tpu.memref_slice %arg4[%add3A_61] : memref<327680xi32, #tpu.memory_space<hbm>> -> memref<128xi32, #tpu.memory_space<hbm>>
      %dma_start3A_63 = tpu.memref_slice %arg4[%add3A_61] : memref<327680xi32, #tpu.memory_space<hbm>> -> memref<128xi32, #tpu.memory_space<hbm>>
      tpu.enqueue_dma source(%dma_start3A_63 : memref<128xi32, #tpu.memory_space<hbm>>) target(%arg7 : memref<128xi32, #tpu.memory_space<vmem>>) target_semaphore(%arg16 : memref<!tpu.dma_semaphore, #tpu.memory_space<semaphore_mem>>)
      %dma_start3A_64 = tpu.memref_slice %arg3[%add3A_61] : memref<327680xi32, #tpu.memory_space<hbm>> -> memref<128xi32, #tpu.memory_space<hbm>>
      %dma_start3A_65 = tpu.memref_slice %arg3[%add3A_61] : memref<327680xi32, #tpu.memory_space<hbm>> -> memref<128xi32, #tpu.memory_space<hbm>>
      tpu.enqueue_dma source(%dma_start3A_65 : memref<128xi32, #tpu.memory_space<hbm>>) target(%arg9 : memref<128xi32, #tpu.memory_space<vmem>>) target_semaphore(%arg16 : memref<!tpu.dma_semaphore, #tpu.memory_space<semaphore_mem>>)
      %dma_wait3A_66 = arith.constant 0 : i32
      %dma_wait3A_67 = arith.constant 0 : i32
      %dma_wait3A_68 = tpu.memref_slice %arg2[%dma_wait3A_66, %dma_wait3A_67] : memref<10240x128xf32, #tpu.memory_space<hbm>> -> memref<10240x128xf32, #tpu.memory_space<hbm>>
      tpu.wait_indirect_dma semaphore(%arg13 : memref<!tpu.dma_semaphore, #tpu.memory_space<semaphore_mem>>) src(%dma_wait3A_68 : memref<10240x128xf32, #tpu.memory_space<hbm>>) dst(%arg10 : memref<128x128xf32, #tpu.memory_space<vmem>>)
      %dma_start3A_69 = arith.constant 0 : i32
      %dma_start3A_70 = arith.constant 0 : i32
      %dma_start3A_71 = tpu.memref_slice %arg12[%dma_start3A_69, %dma_start3A_70] : memref<10240x128xf32, #tpu.memory_space<vmem_shared>> -> memref<10240x128xf32, #tpu.memory_space<vmem_shared>>
      tpu.enqueue_indirect_dma source(%arg10 : memref<128x128xf32, #tpu.memory_space<vmem>>) target(%dma_start3A_71 : memref<10240x128xf32, #tpu.memory_space<vmem_shared>>) offsets(%arg8 : memref<128xi32, #tpu.memory_space<vmem>>) semaphore(%arg17 : memref<!tpu.dma_semaphore, #tpu.memory_space<semaphore_mem>>) {add = true}
      %dma_wait3A_72 = arith.constant 0 : i32
      %dma_wait3A_73 = tpu.memref_slice %arg4[%dma_wait3A_72] : memref<327680xi32, #tpu.memory_space<hbm>> -> memref<128xi32, #tpu.memory_space<hbm>>
      %dma_wait3A_74 = arith.constant 0 : i32
      %dma_wait3A_75 = tpu.memref_slice %arg4[%dma_wait3A_74] : memref<327680xi32, #tpu.memory_space<hbm>> -> memref<128xi32, #tpu.memory_space<hbm>>
      tpu.wait_dma2 semaphore(%arg16 : memref<!tpu.dma_semaphore, #tpu.memory_space<semaphore_mem>>) src(%dma_wait3A_75 : memref<128xi32, #tpu.memory_space<hbm>>) dst(%arg7 : memref<128xi32, #tpu.memory_space<vmem>>)
      %dma_wait3A_76 = arith.constant 0 : i32
      %dma_wait3A_77 = tpu.memref_slice %arg3[%dma_wait3A_76] : memref<327680xi32, #tpu.memory_space<hbm>> -> memref<128xi32, #tpu.memory_space<hbm>>
      %dma_wait3A_78 = arith.constant 0 : i32
      %dma_wait3A_79 = tpu.memref_slice %arg3[%dma_wait3A_78] : memref<327680xi32, #tpu.memory_space<hbm>> -> memref<128xi32, #tpu.memory_space<hbm>>
      tpu.wait_dma2 semaphore(%arg16 : memref<!tpu.dma_semaphore, #tpu.memory_space<semaphore_mem>>) src(%dma_wait3A_79 : memref<128xi32, #tpu.memory_space<hbm>>) dst(%arg9 : memref<128xi32, #tpu.memory_space<vmem>>)
      %dma_start3A_80 = arith.constant 0 : i32
      %dma_start3A_81 = arith.constant 0 : i32
      %dma_start3A_82 = tpu.memref_slice %arg2[%dma_start3A_80, %dma_start3A_81] : memref<10240x128xf32, #tpu.memory_space<hbm>> -> memref<10240x128xf32, #tpu.memory_space<hbm>>
      tpu.enqueue_indirect_dma source(%dma_start3A_82 : memref<10240x128xf32, #tpu.memory_space<hbm>>) target(%arg11 : memref<128x128xf32, #tpu.memory_space<vmem>>) offsets(%arg7 : memref<128xi32, #tpu.memory_space<vmem>>) semaphore(%arg14 : memref<!tpu.dma_semaphore, #tpu.memory_space<semaphore_mem>>)
      %mul3A_83 = arith.constant 2 : i32
      %mul3A_84 = arith.muli %mul3A_83, %scan3A_49 : i32
      %add3A_85 = arith.constant 1 : i32
      %add3A_86 = arith.addi %mul3A_84, %add3A_85 : i32
      %dma_wait3A_87 = arith.constant 0 : i32
      %dma_wait3A_88 = arith.constant 0 : i32
      %dma_wait3A_89 = tpu.memref_slice %arg12[%dma_wait3A_87, %dma_wait3A_88] : memref<10240x128xf32, #tpu.memory_space<vmem_shared>> -> memref<10240x128xf32, #tpu.memory_space<vmem_shared>>
      tpu.wait_indirect_dma semaphore(%arg17 : memref<!tpu.dma_semaphore, #tpu.memory_space<semaphore_mem>>) src(%arg10 : memref<128x128xf32, #tpu.memory_space<vmem>>) dst(%dma_wait3A_89 : memref<10240x128xf32, #tpu.memory_space<vmem_shared>>)
      %lt3A = arith.constant 39 : i32
      %lt3A_90 = arith.cmpi slt, %scan3A_49, %lt3A : i32
      %convert_element_type3A_91 = arith.extui %lt3A_90 : i1 to i32
      %cond3A_92 = arith.constant 0 : i32
      %cond3A_93 = arith.cmpi ne, %convert_element_type3A_91, %cond3A_92 : i32
      scf.if %cond3A_93 {
        %add3A_106 = arith.constant 1 : i32
        %add3A_107 = arith.addi %add3A_86, %add3A_106 : i32
        %mul3A_108 = arith.constant 128 : i32
        %mul3A_109 = arith.muli %add3A_107, %mul3A_108 : i32
        %add3A_110 = arith.addi %mul3A_15, %mul3A_109 : i32
        %dma_start3A_111 = tpu.memref_slice %arg4[%add3A_110] : memref<327680xi32, #tpu.memory_space<hbm>> -> memref<128xi32, #tpu.memory_space<hbm>>
        %dma_start3A_112 = tpu.memref_slice %arg4[%add3A_110] : memref<327680xi32, #tpu.memory_space<hbm>> -> memref<128xi32, #tpu.memory_space<hbm>>
        tpu.enqueue_dma source(%dma_start3A_112 : memref<128xi32, #tpu.memory_space<hbm>>) target(%arg6 : memref<128xi32, #tpu.memory_space<vmem>>) target_semaphore(%arg15 : memref<!tpu.dma_semaphore, #tpu.memory_space<semaphore_mem>>)
        %dma_start3A_113 = tpu.memref_slice %arg3[%add3A_110] : memref<327680xi32, #tpu.memory_space<hbm>> -> memref<128xi32, #tpu.memory_space<hbm>>
        %dma_start3A_114 = tpu.memref_slice %arg3[%add3A_110] : memref<327680xi32, #tpu.memory_space<hbm>> -> memref<128xi32, #tpu.memory_space<hbm>>
        tpu.enqueue_dma source(%dma_start3A_114 : memref<128xi32, #tpu.memory_space<hbm>>) target(%arg8 : memref<128xi32, #tpu.memory_space<vmem>>) target_semaphore(%arg15 : memref<!tpu.dma_semaphore, #tpu.memory_space<semaphore_mem>>)
      } else {
      }
      %dma_wait3A_94 = arith.constant 0 : i32
      %dma_wait3A_95 = arith.constant 0 : i32
      %dma_wait3A_96 = tpu.memref_slice %arg2[%dma_wait3A_94, %dma_wait3A_95] : memref<10240x128xf32, #tpu.memory_space<hbm>> -> memref<10240x128xf32, #tpu.memory_space<hbm>>
      tpu.wait_indirect_dma semaphore(%arg14 : memref<!tpu.dma_semaphore, #tpu.memory_space<semaphore_mem>>) src(%dma_wait3A_96 : memref<10240x128xf32, #tpu.memory_space<hbm>>) dst(%arg11 : memref<128x128xf32, #tpu.memory_space<vmem>>)
      %dma_start3A_97 = arith.constant 0 : i32
      %dma_start3A_98 = arith.constant 0 : i32
      %dma_start3A_99 = tpu.memref_slice %arg12[%dma_start3A_97, %dma_start3A_98] : memref<10240x128xf32, #tpu.memory_space<vmem_shared>> -> memref<10240x128xf32, #tpu.memory_space<vmem_shared>>
      tpu.enqueue_indirect_dma source(%arg11 : memref<128x128xf32, #tpu.memory_space<vmem>>) target(%dma_start3A_99 : memref<10240x128xf32, #tpu.memory_space<vmem_shared>>) offsets(%arg9 : memref<128xi32, #tpu.memory_space<vmem>>) semaphore(%arg18 : memref<!tpu.dma_semaphore, #tpu.memory_space<semaphore_mem>>) {add = true}
      %lt3A_100 = arith.constant 39 : i32
      %lt3A_101 = arith.cmpi slt, %scan3A_49, %lt3A_100 : i32
      %convert_element_type3A_102 = arith.extui %lt3A_101 : i1 to i32
      %cond3A_103 = arith.constant 0 : i32
      %cond3A_104 = arith.cmpi ne, %convert_element_type3A_102, %cond3A_103 : i32
      scf.if %cond3A_104 {
        %dma_wait3A_106 = arith.constant 0 : i32
        %dma_wait3A_107 = tpu.memref_slice %arg4[%dma_wait3A_106] : memref<327680xi32, #tpu.memory_space<hbm>> -> memref<128xi32, #tpu.memory_space<hbm>>
        %dma_wait3A_108 = arith.constant 0 : i32
        %dma_wait3A_109 = tpu.memref_slice %arg4[%dma_wait3A_108] : memref<327680xi32, #tpu.memory_space<hbm>> -> memref<128xi32, #tpu.memory_space<hbm>>
        tpu.wait_dma2 semaphore(%arg15 : memref<!tpu.dma_semaphore, #tpu.memory_space<semaphore_mem>>) src(%dma_wait3A_109 : memref<128xi32, #tpu.memory_space<hbm>>) dst(%arg6 : memref<128xi32, #tpu.memory_space<vmem>>)
        %dma_wait3A_110 = arith.constant 0 : i32
        %dma_wait3A_111 = tpu.memref_slice %arg3[%dma_wait3A_110] : memref<327680xi32, #tpu.memory_space<hbm>> -> memref<128xi32, #tpu.memory_space<hbm>>
        %dma_wait3A_112 = arith.constant 0 : i32
        %dma_wait3A_113 = tpu.memref_slice %arg3[%dma_wait3A_112] : memref<327680xi32, #tpu.memory_space<hbm>> -> memref<128xi32, #tpu.memory_space<hbm>>
        tpu.wait_dma2 semaphore(%arg15 : memref<!tpu.dma_semaphore, #tpu.memory_space<semaphore_mem>>) src(%dma_wait3A_113 : memref<128xi32, #tpu.memory_space<hbm>>) dst(%arg8 : memref<128xi32, #tpu.memory_space<vmem>>)
        %dma_start3A_114 = arith.constant 0 : i32
        %dma_start3A_115 = arith.constant 0 : i32
        %dma_start3A_116 = tpu.memref_slice %arg2[%dma_start3A_114, %dma_start3A_115] : memref<10240x128xf32, #tpu.memory_space<hbm>> -> memref<10240x128xf32, #tpu.memory_space<hbm>>
        tpu.enqueue_indirect_dma source(%dma_start3A_116 : memref<10240x128xf32, #tpu.memory_space<hbm>>) target(%arg10 : memref<128x128xf32, #tpu.memory_space<vmem>>) offsets(%arg6 : memref<128xi32, #tpu.memory_space<vmem>>) semaphore(%arg13 : memref<!tpu.dma_semaphore, #tpu.memory_space<semaphore_mem>>)
      } else {
      }
      %scan3A_105 = arith.constant 0 : i32
      scf.yield %scan3A_105 : i32
    }
    %scan3A_37 = arith.constant 40 : i32
    %dma_wait3A_38 = arith.constant 0 : i32
    %dma_wait3A_39 = arith.constant 0 : i32
    %dma_wait3A_40 = tpu.memref_slice %arg12[%dma_wait3A_38, %dma_wait3A_39] : memref<10240x128xf32, #tpu.memory_space<vmem_shared>> -> memref<10240x128xf32, #tpu.memory_space<vmem_shared>>
    tpu.wait_indirect_dma semaphore(%arg18 : memref<!tpu.dma_semaphore, #tpu.memory_space<semaphore_mem>>) src(%arg11 : memref<128x128xf32, #tpu.memory_space<vmem>>) dst(%dma_wait3A_40 : memref<10240x128xf32, #tpu.memory_space<vmem_shared>>)
    %barrier3A_41 = arith.constant 0 : index
    tpu.barrier barrier_id(%barrier3A_41)
    %scan3A_42 = arith.constant 0 : i32
    %scan3A_43 = arith.constant 0 : i32
    %scan3A_44 = arith.constant 5 : i32
    %scan3A_45 = arith.addi %scan3A_43, %scan3A_44 : i32
    %scan3A_46 = arith.constant 1 : i32
    %scan3A_47 = scf.for %scan3A_49 = %scan3A_43 to %scan3A_45 step %scan3A_46 iter_args(%scan3A_50 = %scan3A_42) -> (i32)  : i32 {
      %mul3A_51 = arith.constant 640 : i32
      %mul3A_52 = arith.muli %arg1, %mul3A_51 : i32
      %mul3A_53 = arith.constant 128 : i32
      %mul3A_54 = arith.muli %scan3A_49, %mul3A_53 : i32
      %add3A_55 = arith.addi %mul3A_52, %mul3A_54 : i32
      "tpu.region"() ({
        %run_scoped3A = tpu.sem_alloc : memref<!tpu.dma_semaphore, #tpu.memory_space<semaphore_mem>>
        %dma_start3A_57 = arith.constant 0 : i32
        %dma_start3A_58 = tpu.memref_slice %arg5[%arg0, %add3A_55, %dma_start3A_57] : memref<2x10240x128xf32, #tpu.memory_space<hbm>> -> memref<1x128x128xf32, #tpu.memory_space<hbm>>
        %dma_start3A_59 = tpu.memref_squeeze %dma_start3A_58 : memref<1x128x128xf32, #tpu.memory_space<hbm>> -> memref<128x128xf32, #tpu.memory_space<hbm>>
        %dma_start3A_60 = arith.constant 0 : i32
        %dma_start3A_61 = tpu.memref_slice %arg12[%add3A_55, %dma_start3A_60] : memref<10240x128xf32, #tpu.memory_space<vmem_shared>> -> memref<128x128xf32, #tpu.memory_space<vmem_shared>>
        tpu.enqueue_dma source(%dma_start3A_61 : memref<128x128xf32, #tpu.memory_space<vmem_shared>>) target(%dma_start3A_59 : memref<128x128xf32, #tpu.memory_space<hbm>>) target_semaphore(%run_scoped3A : memref<!tpu.dma_semaphore, #tpu.memory_space<semaphore_mem>>)
        %dma_wait3A_62 = arith.constant 0 : i32
        %dma_wait3A_63 = tpu.memref_slice %arg5[%arg0, %add3A_55, %dma_wait3A_62] : memref<2x10240x128xf32, #tpu.memory_space<hbm>> -> memref<1x128x128xf32, #tpu.memory_space<hbm>>
        %dma_wait3A_64 = tpu.memref_squeeze %dma_wait3A_63 : memref<1x128x128xf32, #tpu.memory_space<hbm>> -> memref<128x128xf32, #tpu.memory_space<hbm>>
        %dma_wait3A_65 = arith.constant 0 : i32
        %dma_wait3A_66 = tpu.memref_slice %arg12[%add3A_55, %dma_wait3A_65] : memref<10240x128xf32, #tpu.memory_space<vmem_shared>> -> memref<128x128xf32, #tpu.memory_space<vmem_shared>>
        tpu.wait_dma2 semaphore(%run_scoped3A : memref<!tpu.dma_semaphore, #tpu.memory_space<semaphore_mem>>) src(%dma_wait3A_66 : memref<128x128xf32, #tpu.memory_space<vmem_shared>>) dst(%dma_wait3A_64 : memref<128x128xf32, #tpu.memory_space<hbm>>)
        tpu.yield
      }) : () -> ()
      %scan3A_56 = arith.constant 0 : i32
      scf.yield %scan3A_56 : i32
    }
    %scan3A_48 = arith.constant 5 : i32
    return
  }
}

#map = affine_map<(d0, d1) -> (0, 0)>
#map1 = affine_map<(d0, d1) -> (0)>
#map2 = affine_map<(d0, d1) -> (0, 0, 0)>
module attributes {stable_mosaic.version = 14 : i64} {
  func.func @_edge_body(%arg0: i32, %arg1: i32, %arg2: memref<10240x128xf32, #tpu.memory_space<hbm>>, %arg3: memref<327680xi32, #tpu.memory_space<hbm>>, %arg4: memref<327680xi32, #tpu.memory_space<hbm>>, %arg5: memref<2x10240x128xf32, #tpu.memory_space<hbm>>, %arg6: memref<128xi32, #tpu.memory_space<vmem>>, %arg7: memref<128xi32, #tpu.memory_space<vmem>>, %arg8: memref<128xi32, #tpu.memory_space<vmem>>, %arg9: memref<128xi32, #tpu.memory_space<vmem>>, %arg10: memref<128x128xf32, #tpu.memory_space<vmem>>, %arg11: memref<128x128xf32, #tpu.memory_space<vmem>>, %arg12: memref<10240x128xf32, #tpu.memory_space<vmem_shared>>, %arg13: memref<!tpu.dma_semaphore, #tpu.memory_space<semaphore_mem>>, %arg14: memref<!tpu.dma_semaphore, #tpu.memory_space<semaphore_mem>>, %arg15: memref<!tpu.dma_semaphore, #tpu.memory_space<semaphore_mem>>, %arg16: memref<!tpu.dma_semaphore, #tpu.memory_space<semaphore_mem>>, %arg17: memref<!tpu.dma_semaphore, #tpu.memory_space<semaphore_mem>>, %arg18: memref<!tpu.dma_semaphore, #tpu.memory_space<semaphore_mem>>) attributes {dimension_semantics = [#tpu.dimension_semantics<core_parallel>, #tpu.dimension_semantics<subcore_parallel>], iteration_bounds = array<i64: 2, 16>, scalar_prefetch = 0 : i64, scratch_operands = 13 : i64, tpu.core_type = #tpu.core_type<sc_vector_subcore>, window_params = [{transform_indices = #map}, {transform_indices = #map1}, {transform_indices = #map1}, {transform_indices = #map2}]} {
    %mul3A = arith.constant 2 : i32
    %mul3A_0 = arith.muli %arg1, %mul3A : i32
    %add3A = arith.addi %mul3A_0, %arg0 : i32
    %scan3A = arith.constant 0 : i32
    %scan3A_1 = arith.constant 0 : i32
    %scan3A_2 = arith.constant 128 : i32
    %scan3A_3 = arith.addi %scan3A_1, %scan3A_2 : i32
    %scan3A_4 = arith.constant 1 : i32
    %scan3A_5 = scf.for %scan3A_49 = %scan3A_1 to %scan3A_3 step %scan3A_4 iter_args(%scan3A_50 = %scan3A) -> (i32)  : i32 {
      %scan3A_51 = arith.constant 0 : i32
      %scan3A_52 = arith.constant 0 : i32
      %scan3A_53 = arith.constant 8 : i32
      %scan3A_54 = arith.addi %scan3A_52, %scan3A_53 : i32
      %scan3A_55 = arith.constant 1 : i32
      %scan3A_56 = scf.for %scan3A_59 = %scan3A_52 to %scan3A_54 step %scan3A_55 iter_args(%scan3A_60 = %scan3A_51) -> (i32)  : i32 {
        %broadcast_in_dim3A = arith.constant 0.000000e+00 : f32
        %broadcast_in_dim3A_61 = vector.broadcast %broadcast_in_dim3A : f32 to vector<16xf32>
        %mul3A_62 = arith.constant 16 : i32
        %mul3A_63 = arith.muli %scan3A_59, %mul3A_62 : i32
        %swap3A = arith.index_cast %scan3A_49 : i32 to index
        %swap3A_64 = arith.index_cast %mul3A_63 : i32 to index
        %swap3A_65 = tpu.vector_load %arg10[%swap3A, %swap3A_64] {strides = array<i32>} : memref<128x128xf32, #tpu.memory_space<vmem>>, vector<1x16xf32>,
        %swap3A_66 = vector.shape_cast %swap3A_65 : vector<1x16xf32> to vector<16xf32>
        %swap3A_67 = vector.shape_cast %broadcast_in_dim3A_61 : vector<16xf32> to vector<1x16xf32>
        tpu.vector_store %arg10[%swap3A, %swap3A_64], %swap3A_67 {strides = array<i32>} : memref<128x128xf32, #tpu.memory_space<vmem>>, vector<1x16xf32>,
        %scan3A_68 = arith.constant 0 : i32
        scf.yield %scan3A_68 : i32
      }
      %scan3A_57 = arith.constant 8 : i32
      %scan3A_58 = arith.constant 0 : i32
      scf.yield %scan3A_58 : i32
    }
    %scan3A_6 = arith.constant 128 : i32
    %scan3A_7 = arith.constant 0 : i32
    %scan3A_8 = arith.constant 0 : i32
    %scan3A_9 = arith.constant 5 : i32
    %scan3A_10 = arith.addi %scan3A_8, %scan3A_9 : i32
    %scan3A_11 = arith.constant 1 : i32
    %scan3A_12 = scf.for %scan3A_49 = %scan3A_8 to %scan3A_10 step %scan3A_11 iter_args(%scan3A_50 = %scan3A_7) -> (i32)  : i32 {
      %mul3A_51 = arith.constant 640 : i32
      %mul3A_52 = arith.muli %arg1, %mul3A_51 : i32
      %mul3A_53 = arith.constant 128 : i32
      %mul3A_54 = arith.muli %scan3A_49, %mul3A_53 : i32
      %add3A_55 = arith.addi %mul3A_52, %mul3A_54 : i32
      "tpu.region"() ({
        %run_scoped3A = tpu.sem_alloc : memref<!tpu.dma_semaphore, #tpu.memory_space<semaphore_mem>>
        %dma_start3A_57 = arith.constant 0 : i32
        %dma_start3A_58 = tpu.memref_slice %arg12[%add3A_55, %dma_start3A_57] : memref<10240x128xf32, #tpu.memory_space<vmem_shared>> -> memref<128x128xf32, #tpu.memory_space<vmem_shared>>
        %dma_start3A_59 = arith.constant 0 : i32
        %dma_start3A_60 = tpu.memref_slice %arg12[%add3A_55, %dma_start3A_59] : memref<10240x128xf32, #tpu.memory_space<vmem_shared>> -> memref<128x128xf32, #tpu.memory_space<vmem_shared>>
        tpu.enqueue_dma source(%arg10 : memref<128x128xf32, #tpu.memory_space<vmem>>) target(%dma_start3A_60 : memref<128x128xf32, #tpu.memory_space<vmem_shared>>) target_semaphore(%run_scoped3A : memref<!tpu.dma_semaphore, #tpu.memory_space<semaphore_mem>>)
        %dma_wait3A_61 = arith.constant 0 : i32
        %dma_wait3A_62 = tpu.memref_slice %arg12[%add3A_55, %dma_wait3A_61] : memref<10240x128xf32, #tpu.memory_space<vmem_shared>> -> memref<128x128xf32, #tpu.memory_space<vmem_shared>>
        %dma_wait3A_63 = arith.constant 0 : i32
        %dma_wait3A_64 = tpu.memref_slice %arg12[%add3A_55, %dma_wait3A_63] : memref<10240x128xf32, #tpu.memory_space<vmem_shared>> -> memref<128x128xf32, #tpu.memory_space<vmem_shared>>
        tpu.wait_dma2 semaphore(%run_scoped3A : memref<!tpu.dma_semaphore, #tpu.memory_space<semaphore_mem>>) src(%arg10 : memref<128x128xf32, #tpu.memory_space<vmem>>) dst(%dma_wait3A_64 : memref<128x128xf32, #tpu.memory_space<vmem_shared>>)
        tpu.yield
      }) : () -> ()
      %scan3A_56 = arith.constant 0 : i32
      scf.yield %scan3A_56 : i32
    }
    %scan3A_13 = arith.constant 5 : i32
    %barrier3A = arith.constant 0 : index
    tpu.barrier barrier_id(%barrier3A)
    %mul3A_14 = arith.constant 10240 : i32
    %mul3A_15 = arith.muli %add3A, %mul3A_14 : i32
    %add3A_16 = arith.constant 0 : i32
    %add3A_17 = arith.addi %mul3A_15, %add3A_16 : i32
    %dma_start3A = tpu.memref_slice %arg4[%add3A_17] : memref<327680xi32, #tpu.memory_space<hbm>> -> memref<128xi32, #tpu.memory_space<hbm>>
    %dma_start3A_18 = tpu.memref_slice %arg4[%add3A_17] : memref<327680xi32, #tpu.memory_space<hbm>> -> memref<128xi32, #tpu.memory_space<hbm>>
    tpu.enqueue_dma source(%dma_start3A_18 : memref<128xi32, #tpu.memory_space<hbm>>) target(%arg6 : memref<128xi32, #tpu.memory_space<vmem>>) target_semaphore(%arg15 : memref<!tpu.dma_semaphore, #tpu.memory_space<semaphore_mem>>)
    %dma_start3A_19 = tpu.memref_slice %arg3[%add3A_17] : memref<327680xi32, #tpu.memory_space<hbm>> -> memref<128xi32, #tpu.memory_space<hbm>>
    %dma_start3A_20 = tpu.memref_slice %arg3[%add3A_17] : memref<327680xi32, #tpu.memory_space<hbm>> -> memref<128xi32, #tpu.memory_space<hbm>>
    tpu.enqueue_dma source(%dma_start3A_20 : memref<128xi32, #tpu.memory_space<hbm>>) target(%arg8 : memref<128xi32, #tpu.memory_space<vmem>>) target_semaphore(%arg15 : memref<!tpu.dma_semaphore, #tpu.memory_space<semaphore_mem>>)
    %dma_wait3A = arith.constant 0 : i32
    %dma_wait3A_21 = tpu.memref_slice %arg4[%dma_wait3A] : memref<327680xi32, #tpu.memory_space<hbm>> -> memref<128xi32, #tpu.memory_space<hbm>>
    %dma_wait3A_22 = arith.constant 0 : i32
    %dma_wait3A_23 = tpu.memref_slice %arg4[%dma_wait3A_22] : memref<327680xi32, #tpu.memory_space<hbm>> -> memref<128xi32, #tpu.memory_space<hbm>>
    tpu.wait_dma2 semaphore(%arg15 : memref<!tpu.dma_semaphore, #tpu.memory_space<semaphore_mem>>) src(%dma_wait3A_23 : memref<128xi32, #tpu.memory_space<hbm>>) dst(%arg6 : memref<128xi32, #tpu.memory_space<vmem>>)
    %dma_wait3A_24 = arith.constant 0 : i32
    %dma_wait3A_25 = tpu.memref_slice %arg3[%dma_wait3A_24] : memref<327680xi32, #tpu.memory_space<hbm>> -> memref<128xi32, #tpu.memory_space<hbm>>
    %dma_wait3A_26 = arith.constant 0 : i32
    %dma_wait3A_27 = tpu.memref_slice %arg3[%dma_wait3A_26] : memref<327680xi32, #tpu.memory_space<hbm>> -> memref<128xi32, #tpu.memory_space<hbm>>
    tpu.wait_dma2 semaphore(%arg15 : memref<!tpu.dma_semaphore, #tpu.memory_space<semaphore_mem>>) src(%dma_wait3A_27 : memref<128xi32, #tpu.memory_space<hbm>>) dst(%arg8 : memref<128xi32, #tpu.memory_space<vmem>>)
    %dma_start3A_28 = arith.constant 0 : i32
    %dma_start3A_29 = arith.constant 0 : i32
    %dma_start3A_30 = tpu.memref_slice %arg2[%dma_start3A_28, %dma_start3A_29] : memref<10240x128xf32, #tpu.memory_space<hbm>> -> memref<10240x128xf32, #tpu.memory_space<hbm>>
    tpu.enqueue_indirect_dma source(%dma_start3A_30 : memref<10240x128xf32, #tpu.memory_space<hbm>>) target(%arg10 : memref<128x128xf32, #tpu.memory_space<vmem>>) offsets(%arg6 : memref<128xi32, #tpu.memory_space<vmem>>) semaphore(%arg13 : memref<!tpu.dma_semaphore, #tpu.memory_space<semaphore_mem>>)
    %scan3A_31 = arith.constant 0 : i32
    %scan3A_32 = arith.constant 0 : i32
    %scan3A_33 = arith.constant 40 : i32
    %scan3A_34 = arith.addi %scan3A_32, %scan3A_33 : i32
    %scan3A_35 = arith.constant 1 : i32
    %scan3A_36 = scf.for %scan3A_49 = %scan3A_32 to %scan3A_34 step %scan3A_35 iter_args(%scan3A_50 = %scan3A_31) -> (i32)  : i32 {
      %mul3A_51 = arith.constant 2 : i32
      %mul3A_52 = arith.muli %mul3A_51, %scan3A_49 : i32
      %add3A_53 = arith.constant 0 : i32
      %add3A_54 = arith.addi %mul3A_52, %add3A_53 : i32
      %gt3A = arith.constant 0 : i32
      %gt3A_55 = arith.cmpi sgt, %scan3A_49, %gt3A : i32
      %convert_element_type3A = arith.extui %gt3A_55 : i1 to i32
      %cond3A = arith.constant 0 : i32
      %cond3A_56 = arith.cmpi ne, %convert_element_type3A, %cond3A : i32
      scf.if %cond3A_56 {
        %dma_wait3A_106 = arith.constant 0 : i32
        %dma_wait3A_107 = arith.constant 0 : i32
        %dma_wait3A_108 = tpu.memref_slice %arg12[%dma_wait3A_106, %dma_wait3A_107] : memref<10240x128xf32, #tpu.memory_space<vmem_shared>> -> memref<10240x128xf32, #tpu.memory_space<vmem_shared>>
        tpu.wait_indirect_dma semaphore(%arg18 : memref<!tpu.dma_semaphore, #tpu.memory_space<semaphore_mem>>) src(%arg11 : memref<128x128xf32, #tpu.memory_space<vmem>>) dst(%dma_wait3A_108 : memref<10240x128xf32, #tpu.memory_space<vmem_shared>>)
      } else {
      }
      %add3A_57 = arith.constant 1 : i32
      %add3A_58 = arith.addi %add3A_54, %add3A_57 : i32
      %mul3A_59 = arith.constant 128 : i32
      %mul3A_60 = arith.muli %add3A_58, %mul3A_59 : i32
      %add3A_61 = arith.addi %mul3A_15, %mul3A_60 : i32
      %dma_start3A_62 = tpu.memref_slice %arg4[%add3A_61] : memref<327680xi32, #tpu.memory_space<hbm>> -> memref<128xi32, #tpu.memory_space<hbm>>
      %dma_start3A_63 = tpu.memref_slice %arg4[%add3A_61] : memref<327680xi32, #tpu.memory_space<hbm>> -> memref<128xi32, #tpu.memory_space<hbm>>
      tpu.enqueue_dma source(%dma_start3A_63 : memref<128xi32, #tpu.memory_space<hbm>>) target(%arg7 : memref<128xi32, #tpu.memory_space<vmem>>) target_semaphore(%arg16 : memref<!tpu.dma_semaphore, #tpu.memory_space<semaphore_mem>>)
      %dma_start3A_64 = tpu.memref_slice %arg3[%add3A_61] : memref<327680xi32, #tpu.memory_space<hbm>> -> memref<128xi32, #tpu.memory_space<hbm>>
      %dma_start3A_65 = tpu.memref_slice %arg3[%add3A_61] : memref<327680xi32, #tpu.memory_space<hbm>> -> memref<128xi32, #tpu.memory_space<hbm>>
      tpu.enqueue_dma source(%dma_start3A_65 : memref<128xi32, #tpu.memory_space<hbm>>) target(%arg9 : memref<128xi32, #tpu.memory_space<vmem>>) target_semaphore(%arg16 : memref<!tpu.dma_semaphore, #tpu.memory_space<semaphore_mem>>)
      %dma_wait3A_66 = arith.constant 0 : i32
      %dma_wait3A_67 = arith.constant 0 : i32
      %dma_wait3A_68 = tpu.memref_slice %arg2[%dma_wait3A_66, %dma_wait3A_67] : memref<10240x128xf32, #tpu.memory_space<hbm>> -> memref<10240x128xf32, #tpu.memory_space<hbm>>
      tpu.wait_indirect_dma semaphore(%arg13 : memref<!tpu.dma_semaphore, #tpu.memory_space<semaphore_mem>>) src(%dma_wait3A_68 : memref<10240x128xf32, #tpu.memory_space<hbm>>) dst(%arg10 : memref<128x128xf32, #tpu.memory_space<vmem>>)
      %dma_start3A_69 = arith.constant 0 : i32
      %dma_start3A_70 = arith.constant 0 : i32
      %dma_start3A_71 = tpu.memref_slice %arg12[%dma_start3A_69, %dma_start3A_70] : memref<10240x128xf32, #tpu.memory_space<vmem_shared>> -> memref<10240x128xf32, #tpu.memory_space<vmem_shared>>
      tpu.enqueue_indirect_dma source(%arg10 : memref<128x128xf32, #tpu.memory_space<vmem>>) target(%dma_start3A_71 : memref<10240x128xf32, #tpu.memory_space<vmem_shared>>) offsets(%arg8 : memref<128xi32, #tpu.memory_space<vmem>>) semaphore(%arg17 : memref<!tpu.dma_semaphore, #tpu.memory_space<semaphore_mem>>) {add = true}
      %dma_wait3A_72 = arith.constant 0 : i32
      %dma_wait3A_73 = tpu.memref_slice %arg4[%dma_wait3A_72] : memref<327680xi32, #tpu.memory_space<hbm>> -> memref<128xi32, #tpu.memory_space<hbm>>
      %dma_wait3A_74 = arith.constant 0 : i32
      %dma_wait3A_75 = tpu.memref_slice %arg4[%dma_wait3A_74] : memref<327680xi32, #tpu.memory_space<hbm>> -> memref<128xi32, #tpu.memory_space<hbm>>
      tpu.wait_dma2 semaphore(%arg16 : memref<!tpu.dma_semaphore, #tpu.memory_space<semaphore_mem>>) src(%dma_wait3A_75 : memref<128xi32, #tpu.memory_space<hbm>>) dst(%arg7 : memref<128xi32, #tpu.memory_space<vmem>>)
      %dma_wait3A_76 = arith.constant 0 : i32
      %dma_wait3A_77 = tpu.memref_slice %arg3[%dma_wait3A_76] : memref<327680xi32, #tpu.memory_space<hbm>> -> memref<128xi32, #tpu.memory_space<hbm>>
      %dma_wait3A_78 = arith.constant 0 : i32
      %dma_wait3A_79 = tpu.memref_slice %arg3[%dma_wait3A_78] : memref<327680xi32, #tpu.memory_space<hbm>> -> memref<128xi32, #tpu.memory_space<hbm>>
      tpu.wait_dma2 semaphore(%arg16 : memref<!tpu.dma_semaphore, #tpu.memory_space<semaphore_mem>>) src(%dma_wait3A_79 : memref<128xi32, #tpu.memory_space<hbm>>) dst(%arg9 : memref<128xi32, #tpu.memory_space<vmem>>)
      %dma_start3A_80 = arith.constant 0 : i32
      %dma_start3A_81 = arith.constant 0 : i32
      %dma_start3A_82 = tpu.memref_slice %arg2[%dma_start3A_80, %dma_start3A_81] : memref<10240x128xf32, #tpu.memory_space<hbm>> -> memref<10240x128xf32, #tpu.memory_space<hbm>>
      tpu.enqueue_indirect_dma source(%dma_start3A_82 : memref<10240x128xf32, #tpu.memory_space<hbm>>) target(%arg11 : memref<128x128xf32, #tpu.memory_space<vmem>>) offsets(%arg7 : memref<128xi32, #tpu.memory_space<vmem>>) semaphore(%arg14 : memref<!tpu.dma_semaphore, #tpu.memory_space<semaphore_mem>>)
      %mul3A_83 = arith.constant 2 : i32
      %mul3A_84 = arith.muli %mul3A_83, %scan3A_49 : i32
      %add3A_85 = arith.constant 1 : i32
      %add3A_86 = arith.addi %mul3A_84, %add3A_85 : i32
      %dma_wait3A_87 = arith.constant 0 : i32
      %dma_wait3A_88 = arith.constant 0 : i32
      %dma_wait3A_89 = tpu.memref_slice %arg12[%dma_wait3A_87, %dma_wait3A_88] : memref<10240x128xf32, #tpu.memory_space<vmem_shared>> -> memref<10240x128xf32, #tpu.memory_space<vmem_shared>>
      tpu.wait_indirect_dma semaphore(%arg17 : memref<!tpu.dma_semaphore, #tpu.memory_space<semaphore_mem>>) src(%arg10 : memref<128x128xf32, #tpu.memory_space<vmem>>) dst(%dma_wait3A_89 : memref<10240x128xf32, #tpu.memory_space<vmem_shared>>)
      %lt3A = arith.constant 39 : i32
      %lt3A_90 = arith.cmpi slt, %scan3A_49, %lt3A : i32
      %convert_element_type3A_91 = arith.extui %lt3A_90 : i1 to i32
      %cond3A_92 = arith.constant 0 : i32
      %cond3A_93 = arith.cmpi ne, %convert_element_type3A_91, %cond3A_92 : i32
      scf.if %cond3A_93 {
        %add3A_106 = arith.constant 1 : i32
        %add3A_107 = arith.addi %add3A_86, %add3A_106 : i32
        %mul3A_108 = arith.constant 128 : i32
        %mul3A_109 = arith.muli %add3A_107, %mul3A_108 : i32
        %add3A_110 = arith.addi %mul3A_15, %mul3A_109 : i32
        %dma_start3A_111 = tpu.memref_slice %arg4[%add3A_110] : memref<327680xi32, #tpu.memory_space<hbm>> -> memref<128xi32, #tpu.memory_space<hbm>>
        %dma_start3A_112 = tpu.memref_slice %arg4[%add3A_110] : memref<327680xi32, #tpu.memory_space<hbm>> -> memref<128xi32, #tpu.memory_space<hbm>>
        tpu.enqueue_dma source(%dma_start3A_112 : memref<128xi32, #tpu.memory_space<hbm>>) target(%arg6 : memref<128xi32, #tpu.memory_space<vmem>>) target_semaphore(%arg15 : memref<!tpu.dma_semaphore, #tpu.memory_space<semaphore_mem>>)
        %dma_start3A_113 = tpu.memref_slice %arg3[%add3A_110] : memref<327680xi32, #tpu.memory_space<hbm>> -> memref<128xi32, #tpu.memory_space<hbm>>
        %dma_start3A_114 = tpu.memref_slice %arg3[%add3A_110] : memref<327680xi32, #tpu.memory_space<hbm>> -> memref<128xi32, #tpu.memory_space<hbm>>
        tpu.enqueue_dma source(%dma_start3A_114 : memref<128xi32, #tpu.memory_space<hbm>>) target(%arg8 : memref<128xi32, #tpu.memory_space<vmem>>) target_semaphore(%arg15 : memref<!tpu.dma_semaphore, #tpu.memory_space<semaphore_mem>>)
      } else {
      }
      %dma_wait3A_94 = arith.constant 0 : i32
      %dma_wait3A_95 = arith.constant 0 : i32
      %dma_wait3A_96 = tpu.memref_slice %arg2[%dma_wait3A_94, %dma_wait3A_95] : memref<10240x128xf32, #tpu.memory_space<hbm>> -> memref<10240x128xf32, #tpu.memory_space<hbm>>
      tpu.wait_indirect_dma semaphore(%arg14 : memref<!tpu.dma_semaphore, #tpu.memory_space<semaphore_mem>>) src(%dma_wait3A_96 : memref<10240x128xf32, #tpu.memory_space<hbm>>) dst(%arg11 : memref<128x128xf32, #tpu.memory_space<vmem>>)
      %dma_start3A_97 = arith.constant 0 : i32
      %dma_start3A_98 = arith.constant 0 : i32
      %dma_start3A_99 = tpu.memref_slice %arg12[%dma_start3A_97, %dma_start3A_98] : memref<10240x128xf32, #tpu.memory_space<vmem_shared>> -> memref<10240x128xf32, #tpu.memory_space<vmem_shared>>
      tpu.enqueue_indirect_dma source(%arg11 : memref<128x128xf32, #tpu.memory_space<vmem>>) target(%dma_start3A_99 : memref<10240x128xf32, #tpu.memory_space<vmem_shared>>) offsets(%arg9 : memref<128xi32, #tpu.memory_space<vmem>>) semaphore(%arg18 : memref<!tpu.dma_semaphore, #tpu.memory_space<semaphore_mem>>) {add = true}
      %lt3A_100 = arith.constant 39 : i32
      %lt3A_101 = arith.cmpi slt, %scan3A_49, %lt3A_100 : i32
      %convert_element_type3A_102 = arith.extui %lt3A_101 : i1 to i32
      %cond3A_103 = arith.constant 0 : i32
      %cond3A_104 = arith.cmpi ne, %convert_element_type3A_102, %cond3A_103 : i32
      scf.if %cond3A_104 {
        %dma_wait3A_106 = arith.constant 0 : i32
        %dma_wait3A_107 = tpu.memref_slice %arg4[%dma_wait3A_106] : memref<327680xi32, #tpu.memory_space<hbm>> -> memref<128xi32, #tpu.memory_space<hbm>>
        %dma_wait3A_108 = arith.constant 0 : i32
        %dma_wait3A_109 = tpu.memref_slice %arg4[%dma_wait3A_108] : memref<327680xi32, #tpu.memory_space<hbm>> -> memref<128xi32, #tpu.memory_space<hbm>>
        tpu.wait_dma2 semaphore(%arg15 : memref<!tpu.dma_semaphore, #tpu.memory_space<semaphore_mem>>) src(%dma_wait3A_109 : memref<128xi32, #tpu.memory_space<hbm>>) dst(%arg6 : memref<128xi32, #tpu.memory_space<vmem>>)
        %dma_wait3A_110 = arith.constant 0 : i32
        %dma_wait3A_111 = tpu.memref_slice %arg3[%dma_wait3A_110] : memref<327680xi32, #tpu.memory_space<hbm>> -> memref<128xi32, #tpu.memory_space<hbm>>
        %dma_wait3A_112 = arith.constant 0 : i32
        %dma_wait3A_113 = tpu.memref_slice %arg3[%dma_wait3A_112] : memref<327680xi32, #tpu.memory_space<hbm>> -> memref<128xi32, #tpu.memory_space<hbm>>
        tpu.wait_dma2 semaphore(%arg15 : memref<!tpu.dma_semaphore, #tpu.memory_space<semaphore_mem>>) src(%dma_wait3A_113 : memref<128xi32, #tpu.memory_space<hbm>>) dst(%arg8 : memref<128xi32, #tpu.memory_space<vmem>>)
        %dma_start3A_114 = arith.constant 0 : i32
        %dma_start3A_115 = arith.constant 0 : i32
        %dma_start3A_116 = tpu.memref_slice %arg2[%dma_start3A_114, %dma_start3A_115] : memref<10240x128xf32, #tpu.memory_space<hbm>> -> memref<10240x128xf32, #tpu.memory_space<hbm>>
        tpu.enqueue_indirect_dma source(%dma_start3A_116 : memref<10240x128xf32, #tpu.memory_space<hbm>>) target(%arg10 : memref<128x128xf32, #tpu.memory_space<vmem>>) offsets(%arg6 : memref<128xi32, #tpu.memory_space<vmem>>) semaphore(%arg13 : memref<!tpu.dma_semaphore, #tpu.memory_space<semaphore_mem>>)
      } else {
      }
      %scan3A_105 = arith.constant 0 : i32
      scf.yield %scan3A_105 : i32
    }
    %scan3A_37 = arith.constant 40 : i32
    %dma_wait3A_38 = arith.constant 0 : i32
    %dma_wait3A_39 = arith.constant 0 : i32
    %dma_wait3A_40 = tpu.memref_slice %arg12[%dma_wait3A_38, %dma_wait3A_39] : memref<10240x128xf32, #tpu.memory_space<vmem_shared>> -> memref<10240x128xf32, #tpu.memory_space<vmem_shared>>
    tpu.wait_indirect_dma semaphore(%arg18 : memref<!tpu.dma_semaphore, #tpu.memory_space<semaphore_mem>>) src(%arg11 : memref<128x128xf32, #tpu.memory_space<vmem>>) dst(%dma_wait3A_40 : memref<10240x128xf32, #tpu.memory_space<vmem_shared>>)
    %barrier3A_41 = arith.constant 0 : index
    tpu.barrier barrier_id(%barrier3A_41)
    %scan3A_42 = arith.constant 0 : i32
    %scan3A_43 = arith.constant 0 : i32
    %scan3A_44 = arith.constant 5 : i32
    %scan3A_45 = arith.addi %scan3A_43, %scan3A_44 : i32
    %scan3A_46 = arith.constant 1 : i32
    %scan3A_47 = scf.for %scan3A_49 = %scan3A_43 to %scan3A_45 step %scan3A_46 iter_args(%scan3A_50 = %scan3A_42) -> (i32)  : i32 {
      %mul3A_51 = arith.constant 640 : i32
      %mul3A_52 = arith.muli %arg1, %mul3A_51 : i32
      %mul3A_53 = arith.constant 128 : i32
      %mul3A_54 = arith.muli %scan3A_49, %mul3A_53 : i32
      %add3A_55 = arith.addi %mul3A_52, %mul3A_54 : i32
      "tpu.region"() ({
        %run_scoped3A = tpu.sem_alloc : memref<!tpu.dma_semaphore, #tpu.memory_space<semaphore_mem>>
        %dma_start3A_57 = arith.constant 0 : i32
        %dma_start3A_58 = tpu.memref_slice %arg5[%arg0, %add3A_55, %dma_start3A_57] : memref<2x10240x128xf32, #tpu.memory_space<hbm>> -> memref<1x128x128xf32, #tpu.memory_space<hbm>>
        %dma_start3A_59 = tpu.memref_squeeze %dma_start3A_58 : memref<1x128x128xf32, #tpu.memory_space<hbm>> -> memref<128x128xf32, #tpu.memory_space<hbm>>
        %dma_start3A_60 = arith.constant 0 : i32
        %dma_start3A_61 = tpu.memref_slice %arg12[%add3A_55, %dma_start3A_60] : memref<10240x128xf32, #tpu.memory_space<vmem_shared>> -> memref<128x128xf32, #tpu.memory_space<vmem_shared>>
        tpu.enqueue_dma source(%dma_start3A_61 : memref<128x128xf32, #tpu.memory_space<vmem_shared>>) target(%dma_start3A_59 : memref<128x128xf32, #tpu.memory_space<hbm>>) target_semaphore(%run_scoped3A : memref<!tpu.dma_semaphore, #tpu.memory_space<semaphore_mem>>)
        %dma_wait3A_62 = arith.constant 0 : i32
        %dma_wait3A_63 = tpu.memref_slice %arg5[%arg0, %add3A_55, %dma_wait3A_62] : memref<2x10240x128xf32, #tpu.memory_space<hbm>> -> memref<1x128x128xf32, #tpu.memory_space<hbm>>
        %dma_wait3A_64 = tpu.memref_squeeze %dma_wait3A_63 : memref<1x128x128xf32, #tpu.memory_space<hbm>> -> memref<128x128xf32, #tpu.memory_space<hbm>>
        %dma_wait3A_65 = arith.constant 0 : i32
        %dma_wait3A_66 = tpu.memref_slice %arg12[%add3A_55, %dma_wait3A_65] : memref<10240x128xf32, #tpu.memory_space<vmem_shared>> -> memref<128x128xf32, #tpu.memory_space<vmem_shared>>
        tpu.wait_dma2 semaphore(%run_scoped3A : memref<!tpu.dma_semaphore, #tpu.memory_space<semaphore_mem>>) src(%dma_wait3A_66 : memref<128x128xf32, #tpu.memory_space<vmem_shared>>) dst(%dma_wait3A_64 : memref<128x128xf32, #tpu.memory_space<hbm>>)
        tpu.yield
      }) : () -> ()
      %scan3A_56 = arith.constant 0 : i32
      scf.yield %scan3A_56 : i32
    }
    %scan3A_48 = arith.constant 5 : i32
    return
  }
}

#map = affine_map<(d0, d1) -> (0)>
#map1 = affine_map<(d0, d1) -> (0, 0, 0)>
module attributes {stable_mosaic.version = 14 : i64} {
  func.func @_deg_body(%arg0: i32, %arg1: i32, %arg2: memref<327680xi32, #tpu.memory_space<hbm>>, %arg3: memref<2x10240x128xf32, #tpu.memory_space<hbm>>, %arg4: memref<128xi32, #tpu.memory_space<vmem>>, %arg5: memref<128x128xf32, #tpu.memory_space<vmem>>, %arg6: memref<128x128xf32, #tpu.memory_space<vmem>>, %arg7: memref<10240x128xf32, #tpu.memory_space<vmem_shared>>) attributes {dimension_semantics = [#tpu.dimension_semantics<core_parallel>, #tpu.dimension_semantics<subcore_parallel>], iteration_bounds = array<i64: 2, 16>, scalar_prefetch = 0 : i64, scratch_operands = 4 : i64, tpu.core_type = #tpu.core_type<sc_vector_subcore>, window_params = [{transform_indices = #map}, {transform_indices = #map1}]} {
    %mul3A = arith.constant 2 : i32
    %mul3A_0 = arith.muli %arg1, %mul3A : i32
    %add3A = arith.addi %mul3A_0, %arg0 : i32
    %scan3A = arith.constant 0 : i32
    %scan3A_1 = arith.constant 0 : i32
    %scan3A_2 = arith.constant 128 : i32
    %scan3A_3 = arith.addi %scan3A_1, %scan3A_2 : i32
    %scan3A_4 = arith.constant 1 : i32
    %scan3A_5 = scf.for %scan3A_38 = %scan3A_1 to %scan3A_3 step %scan3A_4 iter_args(%scan3A_39 = %scan3A) -> (i32)  : i32 {
      %scan3A_40 = arith.constant 0 : i32
      %scan3A_41 = arith.constant 0 : i32
      %scan3A_42 = arith.constant 8 : i32
      %scan3A_43 = arith.addi %scan3A_41, %scan3A_42 : i32
      %scan3A_44 = arith.constant 1 : i32
      %scan3A_45 = scf.for %scan3A_48 = %scan3A_41 to %scan3A_43 step %scan3A_44 iter_args(%scan3A_49 = %scan3A_40) -> (i32)  : i32 {
        %broadcast_in_dim3A = arith.constant 0.000000e+00 : f32
        %broadcast_in_dim3A_50 = vector.broadcast %broadcast_in_dim3A : f32 to vector<16xf32>
        %mul3A_51 = arith.constant 16 : i32
        %mul3A_52 = arith.muli %scan3A_48, %mul3A_51 : i32
        %swap3A = arith.index_cast %scan3A_38 : i32 to index
        %swap3A_53 = arith.index_cast %mul3A_52 : i32 to index
        %swap3A_54 = tpu.vector_load %arg6[%swap3A, %swap3A_53] {strides = array<i32>} : memref<128x128xf32, #tpu.memory_space<vmem>>, vector<1x16xf32>,
        %swap3A_55 = vector.shape_cast %swap3A_54 : vector<1x16xf32> to vector<16xf32>
        %swap3A_56 = vector.shape_cast %broadcast_in_dim3A_50 : vector<16xf32> to vector<1x16xf32>
        tpu.vector_store %arg6[%swap3A, %swap3A_53], %swap3A_56 {strides = array<i32>} : memref<128x128xf32, #tpu.memory_space<vmem>>, vector<1x16xf32>,
        %scan3A_57 = arith.constant 0 : i32
        scf.yield %scan3A_57 : i32
      }
      %scan3A_46 = arith.constant 8 : i32
      %scan3A_47 = arith.constant 0 : i32
      scf.yield %scan3A_47 : i32
    }
    %scan3A_6 = arith.constant 128 : i32
    %scan3A_7 = arith.constant 0 : i32
    %scan3A_8 = arith.constant 0 : i32
    %scan3A_9 = arith.constant 128 : i32
    %scan3A_10 = arith.addi %scan3A_8, %scan3A_9 : i32
    %scan3A_11 = arith.constant 1 : i32
    %scan3A_12 = scf.for %scan3A_38 = %scan3A_8 to %scan3A_10 step %scan3A_11 iter_args(%scan3A_39 = %scan3A_7) -> (i32)  : i32 {
      %scan3A_40 = arith.constant 0 : i32
      %scan3A_41 = arith.constant 0 : i32
      %scan3A_42 = arith.constant 8 : i32
      %scan3A_43 = arith.addi %scan3A_41, %scan3A_42 : i32
      %scan3A_44 = arith.constant 1 : i32
      %scan3A_45 = scf.for %scan3A_48 = %scan3A_41 to %scan3A_43 step %scan3A_44 iter_args(%scan3A_49 = %scan3A_40) -> (i32)  : i32 {
        %broadcast_in_dim3A = arith.constant 1.000000e+00 : f32
        %broadcast_in_dim3A_50 = vector.broadcast %broadcast_in_dim3A : f32 to vector<16xf32>
        %mul3A_51 = arith.constant 16 : i32
        %mul3A_52 = arith.muli %scan3A_48, %mul3A_51 : i32
        %swap3A = arith.index_cast %scan3A_38 : i32 to index
        %swap3A_53 = arith.index_cast %mul3A_52 : i32 to index
        %swap3A_54 = tpu.vector_load %arg5[%swap3A, %swap3A_53] {strides = array<i32>} : memref<128x128xf32, #tpu.memory_space<vmem>>, vector<1x16xf32>,
        %swap3A_55 = vector.shape_cast %swap3A_54 : vector<1x16xf32> to vector<16xf32>
        %swap3A_56 = vector.shape_cast %broadcast_in_dim3A_50 : vector<16xf32> to vector<1x16xf32>
        tpu.vector_store %arg5[%swap3A, %swap3A_53], %swap3A_56 {strides = array<i32>} : memref<128x128xf32, #tpu.memory_space<vmem>>, vector<1x16xf32>,
        %scan3A_57 = arith.constant 0 : i32
        scf.yield %scan3A_57 : i32
      }
      %scan3A_46 = arith.constant 8 : i32
      %scan3A_47 = arith.constant 0 : i32
      scf.yield %scan3A_47 : i32
    }
    %scan3A_13 = arith.constant 128 : i32
    %scan3A_14 = arith.constant 0 : i32
    %scan3A_15 = arith.constant 0 : i32
    %scan3A_16 = arith.constant 5 : i32
    %scan3A_17 = arith.addi %scan3A_15, %scan3A_16 : i32
    %scan3A_18 = arith.constant 1 : i32
    %scan3A_19 = scf.for %scan3A_38 = %scan3A_15 to %scan3A_17 step %scan3A_18 iter_args(%scan3A_39 = %scan3A_14) -> (i32)  : i32 {
      %mul3A_40 = arith.constant 640 : i32
      %mul3A_41 = arith.muli %arg1, %mul3A_40 : i32
      %mul3A_42 = arith.constant 128 : i32
      %mul3A_43 = arith.muli %scan3A_38, %mul3A_42 : i32
      %add3A_44 = arith.addi %mul3A_41, %mul3A_43 : i32
      "tpu.region"() ({
        %run_scoped3A = tpu.sem_alloc : memref<!tpu.dma_semaphore, #tpu.memory_space<semaphore_mem>>
        %dma_start3A = arith.constant 0 : i32
        %dma_start3A_46 = tpu.memref_slice %arg7[%add3A_44, %dma_start3A] : memref<10240x128xf32, #tpu.memory_space<vmem_shared>> -> memref<128x128xf32, #tpu.memory_space<vmem_shared>>
        %dma_start3A_47 = arith.constant 0 : i32
        %dma_start3A_48 = tpu.memref_slice %arg7[%add3A_44, %dma_start3A_47] : memref<10240x128xf32, #tpu.memory_space<vmem_shared>> -> memref<128x128xf32, #tpu.memory_space<vmem_shared>>
        tpu.enqueue_dma source(%arg6 : memref<128x128xf32, #tpu.memory_space<vmem>>) target(%dma_start3A_48 : memref<128x128xf32, #tpu.memory_space<vmem_shared>>) target_semaphore(%run_scoped3A : memref<!tpu.dma_semaphore, #tpu.memory_space<semaphore_mem>>)
        %dma_wait3A = arith.constant 0 : i32
        %dma_wait3A_49 = tpu.memref_slice %arg7[%add3A_44, %dma_wait3A] : memref<10240x128xf32, #tpu.memory_space<vmem_shared>> -> memref<128x128xf32, #tpu.memory_space<vmem_shared>>
        %dma_wait3A_50 = arith.constant 0 : i32
        %dma_wait3A_51 = tpu.memref_slice %arg7[%add3A_44, %dma_wait3A_50] : memref<10240x128xf32, #tpu.memory_space<vmem_shared>> -> memref<128x128xf32, #tpu.memory_space<vmem_shared>>
        tpu.wait_dma2 semaphore(%run_scoped3A : memref<!tpu.dma_semaphore, #tpu.memory_space<semaphore_mem>>) src(%arg6 : memref<128x128xf32, #tpu.memory_space<vmem>>) dst(%dma_wait3A_51 : memref<128x128xf32, #tpu.memory_space<vmem_shared>>)
        tpu.yield
      }) : () -> ()
      %scan3A_45 = arith.constant 0 : i32
      scf.yield %scan3A_45 : i32
    }
    %scan3A_20 = arith.constant 5 : i32
    %barrier3A = arith.constant 0 : index
    tpu.barrier barrier_id(%barrier3A)
    %mul3A_21 = arith.constant 10240 : i32
    %mul3A_22 = arith.muli %add3A, %mul3A_21 : i32
    %scan3A_23 = arith.constant 0 : i32
    %scan3A_24 = arith.constant 0 : i32
    %scan3A_25 = arith.constant 80 : i32
    %scan3A_26 = arith.addi %scan3A_24, %scan3A_25 : i32
    %scan3A_27 = arith.constant 1 : i32
    %scan3A_28 = scf.for %scan3A_38 = %scan3A_24 to %scan3A_26 step %scan3A_27 iter_args(%scan3A_39 = %scan3A_23) -> (i32)  : i32 {
      %mul3A_40 = arith.constant 128 : i32
      %mul3A_41 = arith.muli %scan3A_38, %mul3A_40 : i32
      %add3A_42 = arith.addi %mul3A_22, %mul3A_41 : i32
      "tpu.region"() ({
        %run_scoped3A = tpu.sem_alloc : memref<!tpu.dma_semaphore, #tpu.memory_space<semaphore_mem>>
        %dma_start3A = tpu.memref_slice %arg2[%add3A_42] : memref<327680xi32, #tpu.memory_space<hbm>> -> memref<128xi32, #tpu.memory_space<hbm>>
        %dma_start3A_44 = tpu.memref_slice %arg2[%add3A_42] : memref<327680xi32, #tpu.memory_space<hbm>> -> memref<128xi32, #tpu.memory_space<hbm>>
        tpu.enqueue_dma source(%dma_start3A_44 : memref<128xi32, #tpu.memory_space<hbm>>) target(%arg4 : memref<128xi32, #tpu.memory_space<vmem>>) target_semaphore(%run_scoped3A : memref<!tpu.dma_semaphore, #tpu.memory_space<semaphore_mem>>)
        %dma_wait3A = tpu.memref_slice %arg2[%add3A_42] : memref<327680xi32, #tpu.memory_space<hbm>> -> memref<128xi32, #tpu.memory_space<hbm>>
        %dma_wait3A_45 = tpu.memref_slice %arg2[%add3A_42] : memref<327680xi32, #tpu.memory_space<hbm>> -> memref<128xi32, #tpu.memory_space<hbm>>
        tpu.wait_dma2 semaphore(%run_scoped3A : memref<!tpu.dma_semaphore, #tpu.memory_space<semaphore_mem>>) src(%dma_wait3A_45 : memref<128xi32, #tpu.memory_space<hbm>>) dst(%arg4 : memref<128xi32, #tpu.memory_space<vmem>>)
        tpu.yield
      }) : () -> ()
      "tpu.region"() ({
        %run_scoped3A = tpu.sem_alloc : memref<!tpu.dma_semaphore, #tpu.memory_space<semaphore_mem>>
        %dma_start3A = arith.constant 0 : i32
        %dma_start3A_44 = arith.constant 0 : i32
        %dma_start3A_45 = tpu.memref_slice %arg7[%dma_start3A, %dma_start3A_44] : memref<10240x128xf32, #tpu.memory_space<vmem_shared>> -> memref<10240x128xf32, #tpu.memory_space<vmem_shared>>
        tpu.enqueue_indirect_dma source(%arg5 : memref<128x128xf32, #tpu.memory_space<vmem>>) target(%dma_start3A_45 : memref<10240x128xf32, #tpu.memory_space<vmem_shared>>) offsets(%arg4 : memref<128xi32, #tpu.memory_space<vmem>>) semaphore(%run_scoped3A : memref<!tpu.dma_semaphore, #tpu.memory_space<semaphore_mem>>) {add = true}
        %dma_wait3A = arith.constant 0 : i32
        %dma_wait3A_46 = arith.constant 0 : i32
        %dma_wait3A_47 = tpu.memref_slice %arg7[%dma_wait3A, %dma_wait3A_46] : memref<10240x128xf32, #tpu.memory_space<vmem_shared>> -> memref<10240x128xf32, #tpu.memory_space<vmem_shared>>
        tpu.wait_indirect_dma semaphore(%run_scoped3A : memref<!tpu.dma_semaphore, #tpu.memory_space<semaphore_mem>>) src(%arg5 : memref<128x128xf32, #tpu.memory_space<vmem>>) dst(%dma_wait3A_47 : memref<10240x128xf32, #tpu.memory_space<vmem_shared>>)
        tpu.yield
      }) : () -> ()
      %scan3A_43 = arith.constant 0 : i32
      scf.yield %scan3A_43 : i32
    }
    %scan3A_29 = arith.constant 80 : i32
    %barrier3A_30 = arith.constant 0 : index
    tpu.barrier barrier_id(%barrier3A_30)
    %scan3A_31 = arith.constant 0 : i32
    %scan3A_32 = arith.constant 0 : i32
    %scan3A_33 = arith.constant 5 : i32
    %scan3A_34 = arith.addi %scan3A_32, %scan3A_33 : i32
    %scan3A_35 = arith.constant 1 : i32
    %scan3A_36 = scf.for %scan3A_38 = %scan3A_32 to %scan3A_34 step %scan3A_35 iter_args(%scan3A_39 = %scan3A_31) -> (i32)  : i32 {
      %mul3A_40 = arith.constant 640 : i32
      %mul3A_41 = arith.muli %arg1, %mul3A_40 : i32
      %mul3A_42 = arith.constant 128 : i32
      %mul3A_43 = arith.muli %scan3A_38, %mul3A_42 : i32
      %add3A_44 = arith.addi %mul3A_41, %mul3A_43 : i32
      "tpu.region"() ({
        %run_scoped3A = tpu.sem_alloc : memref<!tpu.dma_semaphore, #tpu.memory_space<semaphore_mem>>
        %dma_start3A = arith.constant 0 : i32
        %dma_start3A_46 = tpu.memref_slice %arg3[%arg0, %add3A_44, %dma_start3A] : memref<2x10240x128xf32, #tpu.memory_space<hbm>> -> memref<1x128x128xf32, #tpu.memory_space<hbm>>
        %dma_start3A_47 = tpu.memref_squeeze %dma_start3A_46 : memref<1x128x128xf32, #tpu.memory_space<hbm>> -> memref<128x128xf32, #tpu.memory_space<hbm>>
        %dma_start3A_48 = arith.constant 0 : i32
        %dma_start3A_49 = tpu.memref_slice %arg7[%add3A_44, %dma_start3A_48] : memref<10240x128xf32, #tpu.memory_space<vmem_shared>> -> memref<128x128xf32, #tpu.memory_space<vmem_shared>>
        tpu.enqueue_dma source(%dma_start3A_49 : memref<128x128xf32, #tpu.memory_space<vmem_shared>>) target(%dma_start3A_47 : memref<128x128xf32, #tpu.memory_space<hbm>>) target_semaphore(%run_scoped3A : memref<!tpu.dma_semaphore, #tpu.memory_space<semaphore_mem>>)
        %dma_wait3A = arith.constant 0 : i32
        %dma_wait3A_50 = tpu.memref_slice %arg3[%arg0, %add3A_44, %dma_wait3A] : memref<2x10240x128xf32, #tpu.memory_space<hbm>> -> memref<1x128x128xf32, #tpu.memory_space<hbm>>
        %dma_wait3A_51 = tpu.memref_squeeze %dma_wait3A_50 : memref<1x128x128xf32, #tpu.memory_space<hbm>> -> memref<128x128xf32, #tpu.memory_space<hbm>>
        %dma_wait3A_52 = arith.constant 0 : i32
        %dma_wait3A_53 = tpu.memref_slice %arg7[%add3A_44, %dma_wait3A_52] : memref<10240x128xf32, #tpu.memory_space<vmem_shared>> -> memref<128x128xf32, #tpu.memory_space<vmem_shared>>
        tpu.wait_dma2 semaphore(%run_scoped3A : memref<!tpu.dma_semaphore, #tpu.memory_space<semaphore_mem>>) src(%dma_wait3A_53 : memref<128x128xf32, #tpu.memory_space<vmem_shared>>) dst(%dma_wait3A_51 : memref<128x128xf32, #tpu.memory_space<hbm>>)
        tpu.yield
      }) : () -> ()
      %scan3A_45 = arith.constant 0 : i32
      scf.yield %scan3A_45 : i32
    }
    %scan3A_37 = arith.constant 5 : i32
    return
  }
}

#map = affine_map<(d0, d1) -> (0, 0)>
#map1 = affine_map<(d0, d1) -> (0)>
#map2 = affine_map<(d0, d1) -> (0, 0, 0)>
module attributes {stable_mosaic.version = 14 : i64} {
  func.func @_edge_body(%arg0: i32, %arg1: i32, %arg2: memref<10240x128xf32, #tpu.memory_space<hbm>>, %arg3: memref<327680xi32, #tpu.memory_space<hbm>>, %arg4: memref<327680xi32, #tpu.memory_space<hbm>>, %arg5: memref<2x10240x128xf32, #tpu.memory_space<hbm>>, %arg6: memref<128xi32, #tpu.memory_space<vmem>>, %arg7: memref<128xi32, #tpu.memory_space<vmem>>, %arg8: memref<128xi32, #tpu.memory_space<vmem>>, %arg9: memref<128xi32, #tpu.memory_space<vmem>>, %arg10: memref<128x128xf32, #tpu.memory_space<vmem>>, %arg11: memref<128x128xf32, #tpu.memory_space<vmem>>, %arg12: memref<10240x128xf32, #tpu.memory_space<vmem_shared>>, %arg13: memref<!tpu.dma_semaphore, #tpu.memory_space<semaphore_mem>>, %arg14: memref<!tpu.dma_semaphore, #tpu.memory_space<semaphore_mem>>, %arg15: memref<!tpu.dma_semaphore, #tpu.memory_space<semaphore_mem>>, %arg16: memref<!tpu.dma_semaphore, #tpu.memory_space<semaphore_mem>>, %arg17: memref<!tpu.dma_semaphore, #tpu.memory_space<semaphore_mem>>, %arg18: memref<!tpu.dma_semaphore, #tpu.memory_space<semaphore_mem>>) attributes {dimension_semantics = [#tpu.dimension_semantics<core_parallel>, #tpu.dimension_semantics<subcore_parallel>], iteration_bounds = array<i64: 2, 16>, scalar_prefetch = 0 : i64, scratch_operands = 13 : i64, tpu.core_type = #tpu.core_type<sc_vector_subcore>, window_params = [{transform_indices = #map}, {transform_indices = #map1}, {transform_indices = #map1}, {transform_indices = #map2}]} {
    %mul3A = arith.constant 2 : i32
    %mul3A_0 = arith.muli %arg1, %mul3A : i32
    %add3A = arith.addi %mul3A_0, %arg0 : i32
    %scan3A = arith.constant 0 : i32
    %scan3A_1 = arith.constant 0 : i32
    %scan3A_2 = arith.constant 128 : i32
    %scan3A_3 = arith.addi %scan3A_1, %scan3A_2 : i32
    %scan3A_4 = arith.constant 1 : i32
    %scan3A_5 = scf.for %scan3A_49 = %scan3A_1 to %scan3A_3 step %scan3A_4 iter_args(%scan3A_50 = %scan3A) -> (i32)  : i32 {
      %scan3A_51 = arith.constant 0 : i32
      %scan3A_52 = arith.constant 0 : i32
      %scan3A_53 = arith.constant 8 : i32
      %scan3A_54 = arith.addi %scan3A_52, %scan3A_53 : i32
      %scan3A_55 = arith.constant 1 : i32
      %scan3A_56 = scf.for %scan3A_59 = %scan3A_52 to %scan3A_54 step %scan3A_55 iter_args(%scan3A_60 = %scan3A_51) -> (i32)  : i32 {
        %broadcast_in_dim3A = arith.constant 0.000000e+00 : f32
        %broadcast_in_dim3A_61 = vector.broadcast %broadcast_in_dim3A : f32 to vector<16xf32>
        %mul3A_62 = arith.constant 16 : i32
        %mul3A_63 = arith.muli %scan3A_59, %mul3A_62 : i32
        %swap3A = arith.index_cast %scan3A_49 : i32 to index
        %swap3A_64 = arith.index_cast %mul3A_63 : i32 to index
        %swap3A_65 = tpu.vector_load %arg10[%swap3A, %swap3A_64] {strides = array<i32>} : memref<128x128xf32, #tpu.memory_space<vmem>>, vector<1x16xf32>,
        %swap3A_66 = vector.shape_cast %swap3A_65 : vector<1x16xf32> to vector<16xf32>
        %swap3A_67 = vector.shape_cast %broadcast_in_dim3A_61 : vector<16xf32> to vector<1x16xf32>
        tpu.vector_store %arg10[%swap3A, %swap3A_64], %swap3A_67 {strides = array<i32>} : memref<128x128xf32, #tpu.memory_space<vmem>>, vector<1x16xf32>,
        %scan3A_68 = arith.constant 0 : i32
        scf.yield %scan3A_68 : i32
      }
      %scan3A_57 = arith.constant 8 : i32
      %scan3A_58 = arith.constant 0 : i32
      scf.yield %scan3A_58 : i32
    }
    %scan3A_6 = arith.constant 128 : i32
    %scan3A_7 = arith.constant 0 : i32
    %scan3A_8 = arith.constant 0 : i32
    %scan3A_9 = arith.constant 5 : i32
    %scan3A_10 = arith.addi %scan3A_8, %scan3A_9 : i32
    %scan3A_11 = arith.constant 1 : i32
    %scan3A_12 = scf.for %scan3A_49 = %scan3A_8 to %scan3A_10 step %scan3A_11 iter_args(%scan3A_50 = %scan3A_7) -> (i32)  : i32 {
      %mul3A_51 = arith.constant 640 : i32
      %mul3A_52 = arith.muli %arg1, %mul3A_51 : i32
      %mul3A_53 = arith.constant 128 : i32
      %mul3A_54 = arith.muli %scan3A_49, %mul3A_53 : i32
      %add3A_55 = arith.addi %mul3A_52, %mul3A_54 : i32
      "tpu.region"() ({
        %run_scoped3A = tpu.sem_alloc : memref<!tpu.dma_semaphore, #tpu.memory_space<semaphore_mem>>
        %dma_start3A_57 = arith.constant 0 : i32
        %dma_start3A_58 = tpu.memref_slice %arg12[%add3A_55, %dma_start3A_57] : memref<10240x128xf32, #tpu.memory_space<vmem_shared>> -> memref<128x128xf32, #tpu.memory_space<vmem_shared>>
        %dma_start3A_59 = arith.constant 0 : i32
        %dma_start3A_60 = tpu.memref_slice %arg12[%add3A_55, %dma_start3A_59] : memref<10240x128xf32, #tpu.memory_space<vmem_shared>> -> memref<128x128xf32, #tpu.memory_space<vmem_shared>>
        tpu.enqueue_dma source(%arg10 : memref<128x128xf32, #tpu.memory_space<vmem>>) target(%dma_start3A_60 : memref<128x128xf32, #tpu.memory_space<vmem_shared>>) target_semaphore(%run_scoped3A : memref<!tpu.dma_semaphore, #tpu.memory_space<semaphore_mem>>)
        %dma_wait3A_61 = arith.constant 0 : i32
        %dma_wait3A_62 = tpu.memref_slice %arg12[%add3A_55, %dma_wait3A_61] : memref<10240x128xf32, #tpu.memory_space<vmem_shared>> -> memref<128x128xf32, #tpu.memory_space<vmem_shared>>
        %dma_wait3A_63 = arith.constant 0 : i32
        %dma_wait3A_64 = tpu.memref_slice %arg12[%add3A_55, %dma_wait3A_63] : memref<10240x128xf32, #tpu.memory_space<vmem_shared>> -> memref<128x128xf32, #tpu.memory_space<vmem_shared>>
        tpu.wait_dma2 semaphore(%run_scoped3A : memref<!tpu.dma_semaphore, #tpu.memory_space<semaphore_mem>>) src(%arg10 : memref<128x128xf32, #tpu.memory_space<vmem>>) dst(%dma_wait3A_64 : memref<128x128xf32, #tpu.memory_space<vmem_shared>>)
        tpu.yield
      }) : () -> ()
      %scan3A_56 = arith.constant 0 : i32
      scf.yield %scan3A_56 : i32
    }
    %scan3A_13 = arith.constant 5 : i32
    %barrier3A = arith.constant 0 : index
    tpu.barrier barrier_id(%barrier3A)
    %mul3A_14 = arith.constant 10240 : i32
    %mul3A_15 = arith.muli %add3A, %mul3A_14 : i32
    %add3A_16 = arith.constant 0 : i32
    %add3A_17 = arith.addi %mul3A_15, %add3A_16 : i32
    %dma_start3A = tpu.memref_slice %arg4[%add3A_17] : memref<327680xi32, #tpu.memory_space<hbm>> -> memref<128xi32, #tpu.memory_space<hbm>>
    %dma_start3A_18 = tpu.memref_slice %arg4[%add3A_17] : memref<327680xi32, #tpu.memory_space<hbm>> -> memref<128xi32, #tpu.memory_space<hbm>>
    tpu.enqueue_dma source(%dma_start3A_18 : memref<128xi32, #tpu.memory_space<hbm>>) target(%arg6 : memref<128xi32, #tpu.memory_space<vmem>>) target_semaphore(%arg15 : memref<!tpu.dma_semaphore, #tpu.memory_space<semaphore_mem>>)
    %dma_start3A_19 = tpu.memref_slice %arg3[%add3A_17] : memref<327680xi32, #tpu.memory_space<hbm>> -> memref<128xi32, #tpu.memory_space<hbm>>
    %dma_start3A_20 = tpu.memref_slice %arg3[%add3A_17] : memref<327680xi32, #tpu.memory_space<hbm>> -> memref<128xi32, #tpu.memory_space<hbm>>
    tpu.enqueue_dma source(%dma_start3A_20 : memref<128xi32, #tpu.memory_space<hbm>>) target(%arg8 : memref<128xi32, #tpu.memory_space<vmem>>) target_semaphore(%arg15 : memref<!tpu.dma_semaphore, #tpu.memory_space<semaphore_mem>>)
    %dma_wait3A = arith.constant 0 : i32
    %dma_wait3A_21 = tpu.memref_slice %arg4[%dma_wait3A] : memref<327680xi32, #tpu.memory_space<hbm>> -> memref<128xi32, #tpu.memory_space<hbm>>
    %dma_wait3A_22 = arith.constant 0 : i32
    %dma_wait3A_23 = tpu.memref_slice %arg4[%dma_wait3A_22] : memref<327680xi32, #tpu.memory_space<hbm>> -> memref<128xi32, #tpu.memory_space<hbm>>
    tpu.wait_dma2 semaphore(%arg15 : memref<!tpu.dma_semaphore, #tpu.memory_space<semaphore_mem>>) src(%dma_wait3A_23 : memref<128xi32, #tpu.memory_space<hbm>>) dst(%arg6 : memref<128xi32, #tpu.memory_space<vmem>>)
    %dma_wait3A_24 = arith.constant 0 : i32
    %dma_wait3A_25 = tpu.memref_slice %arg3[%dma_wait3A_24] : memref<327680xi32, #tpu.memory_space<hbm>> -> memref<128xi32, #tpu.memory_space<hbm>>
    %dma_wait3A_26 = arith.constant 0 : i32
    %dma_wait3A_27 = tpu.memref_slice %arg3[%dma_wait3A_26] : memref<327680xi32, #tpu.memory_space<hbm>> -> memref<128xi32, #tpu.memory_space<hbm>>
    tpu.wait_dma2 semaphore(%arg15 : memref<!tpu.dma_semaphore, #tpu.memory_space<semaphore_mem>>) src(%dma_wait3A_27 : memref<128xi32, #tpu.memory_space<hbm>>) dst(%arg8 : memref<128xi32, #tpu.memory_space<vmem>>)
    %dma_start3A_28 = arith.constant 0 : i32
    %dma_start3A_29 = arith.constant 0 : i32
    %dma_start3A_30 = tpu.memref_slice %arg2[%dma_start3A_28, %dma_start3A_29] : memref<10240x128xf32, #tpu.memory_space<hbm>> -> memref<10240x128xf32, #tpu.memory_space<hbm>>
    tpu.enqueue_indirect_dma source(%dma_start3A_30 : memref<10240x128xf32, #tpu.memory_space<hbm>>) target(%arg10 : memref<128x128xf32, #tpu.memory_space<vmem>>) offsets(%arg6 : memref<128xi32, #tpu.memory_space<vmem>>) semaphore(%arg13 : memref<!tpu.dma_semaphore, #tpu.memory_space<semaphore_mem>>)
    %scan3A_31 = arith.constant 0 : i32
    %scan3A_32 = arith.constant 0 : i32
    %scan3A_33 = arith.constant 40 : i32
    %scan3A_34 = arith.addi %scan3A_32, %scan3A_33 : i32
    %scan3A_35 = arith.constant 1 : i32
    %scan3A_36 = scf.for %scan3A_49 = %scan3A_32 to %scan3A_34 step %scan3A_35 iter_args(%scan3A_50 = %scan3A_31) -> (i32)  : i32 {
      %mul3A_51 = arith.constant 2 : i32
      %mul3A_52 = arith.muli %mul3A_51, %scan3A_49 : i32
      %add3A_53 = arith.constant 0 : i32
      %add3A_54 = arith.addi %mul3A_52, %add3A_53 : i32
      %gt3A = arith.constant 0 : i32
      %gt3A_55 = arith.cmpi sgt, %scan3A_49, %gt3A : i32
      %convert_element_type3A = arith.extui %gt3A_55 : i1 to i32
      %cond3A = arith.constant 0 : i32
      %cond3A_56 = arith.cmpi ne, %convert_element_type3A, %cond3A : i32
      scf.if %cond3A_56 {
        %dma_wait3A_106 = arith.constant 0 : i32
        %dma_wait3A_107 = arith.constant 0 : i32
        %dma_wait3A_108 = tpu.memref_slice %arg12[%dma_wait3A_106, %dma_wait3A_107] : memref<10240x128xf32, #tpu.memory_space<vmem_shared>> -> memref<10240x128xf32, #tpu.memory_space<vmem_shared>>
        tpu.wait_indirect_dma semaphore(%arg18 : memref<!tpu.dma_semaphore, #tpu.memory_space<semaphore_mem>>) src(%arg11 : memref<128x128xf32, #tpu.memory_space<vmem>>) dst(%dma_wait3A_108 : memref<10240x128xf32, #tpu.memory_space<vmem_shared>>)
      } else {
      }
      %add3A_57 = arith.constant 1 : i32
      %add3A_58 = arith.addi %add3A_54, %add3A_57 : i32
      %mul3A_59 = arith.constant 128 : i32
      %mul3A_60 = arith.muli %add3A_58, %mul3A_59 : i32
      %add3A_61 = arith.addi %mul3A_15, %mul3A_60 : i32
      %dma_start3A_62 = tpu.memref_slice %arg4[%add3A_61] : memref<327680xi32, #tpu.memory_space<hbm>> -> memref<128xi32, #tpu.memory_space<hbm>>
      %dma_start3A_63 = tpu.memref_slice %arg4[%add3A_61] : memref<327680xi32, #tpu.memory_space<hbm>> -> memref<128xi32, #tpu.memory_space<hbm>>
      tpu.enqueue_dma source(%dma_start3A_63 : memref<128xi32, #tpu.memory_space<hbm>>) target(%arg7 : memref<128xi32, #tpu.memory_space<vmem>>) target_semaphore(%arg16 : memref<!tpu.dma_semaphore, #tpu.memory_space<semaphore_mem>>)
      %dma_start3A_64 = tpu.memref_slice %arg3[%add3A_61] : memref<327680xi32, #tpu.memory_space<hbm>> -> memref<128xi32, #tpu.memory_space<hbm>>
      %dma_start3A_65 = tpu.memref_slice %arg3[%add3A_61] : memref<327680xi32, #tpu.memory_space<hbm>> -> memref<128xi32, #tpu.memory_space<hbm>>
      tpu.enqueue_dma source(%dma_start3A_65 : memref<128xi32, #tpu.memory_space<hbm>>) target(%arg9 : memref<128xi32, #tpu.memory_space<vmem>>) target_semaphore(%arg16 : memref<!tpu.dma_semaphore, #tpu.memory_space<semaphore_mem>>)
      %dma_wait3A_66 = arith.constant 0 : i32
      %dma_wait3A_67 = arith.constant 0 : i32
      %dma_wait3A_68 = tpu.memref_slice %arg2[%dma_wait3A_66, %dma_wait3A_67] : memref<10240x128xf32, #tpu.memory_space<hbm>> -> memref<10240x128xf32, #tpu.memory_space<hbm>>
      tpu.wait_indirect_dma semaphore(%arg13 : memref<!tpu.dma_semaphore, #tpu.memory_space<semaphore_mem>>) src(%dma_wait3A_68 : memref<10240x128xf32, #tpu.memory_space<hbm>>) dst(%arg10 : memref<128x128xf32, #tpu.memory_space<vmem>>)
      %dma_start3A_69 = arith.constant 0 : i32
      %dma_start3A_70 = arith.constant 0 : i32
      %dma_start3A_71 = tpu.memref_slice %arg12[%dma_start3A_69, %dma_start3A_70] : memref<10240x128xf32, #tpu.memory_space<vmem_shared>> -> memref<10240x128xf32, #tpu.memory_space<vmem_shared>>
      tpu.enqueue_indirect_dma source(%arg10 : memref<128x128xf32, #tpu.memory_space<vmem>>) target(%dma_start3A_71 : memref<10240x128xf32, #tpu.memory_space<vmem_shared>>) offsets(%arg8 : memref<128xi32, #tpu.memory_space<vmem>>) semaphore(%arg17 : memref<!tpu.dma_semaphore, #tpu.memory_space<semaphore_mem>>) {add = true}
      %dma_wait3A_72 = arith.constant 0 : i32
      %dma_wait3A_73 = tpu.memref_slice %arg4[%dma_wait3A_72] : memref<327680xi32, #tpu.memory_space<hbm>> -> memref<128xi32, #tpu.memory_space<hbm>>
      %dma_wait3A_74 = arith.constant 0 : i32
      %dma_wait3A_75 = tpu.memref_slice %arg4[%dma_wait3A_74] : memref<327680xi32, #tpu.memory_space<hbm>> -> memref<128xi32, #tpu.memory_space<hbm>>
      tpu.wait_dma2 semaphore(%arg16 : memref<!tpu.dma_semaphore, #tpu.memory_space<semaphore_mem>>) src(%dma_wait3A_75 : memref<128xi32, #tpu.memory_space<hbm>>) dst(%arg7 : memref<128xi32, #tpu.memory_space<vmem>>)
      %dma_wait3A_76 = arith.constant 0 : i32
      %dma_wait3A_77 = tpu.memref_slice %arg3[%dma_wait3A_76] : memref<327680xi32, #tpu.memory_space<hbm>> -> memref<128xi32, #tpu.memory_space<hbm>>
      %dma_wait3A_78 = arith.constant 0 : i32
      %dma_wait3A_79 = tpu.memref_slice %arg3[%dma_wait3A_78] : memref<327680xi32, #tpu.memory_space<hbm>> -> memref<128xi32, #tpu.memory_space<hbm>>
      tpu.wait_dma2 semaphore(%arg16 : memref<!tpu.dma_semaphore, #tpu.memory_space<semaphore_mem>>) src(%dma_wait3A_79 : memref<128xi32, #tpu.memory_space<hbm>>) dst(%arg9 : memref<128xi32, #tpu.memory_space<vmem>>)
      %dma_start3A_80 = arith.constant 0 : i32
      %dma_start3A_81 = arith.constant 0 : i32
      %dma_start3A_82 = tpu.memref_slice %arg2[%dma_start3A_80, %dma_start3A_81] : memref<10240x128xf32, #tpu.memory_space<hbm>> -> memref<10240x128xf32, #tpu.memory_space<hbm>>
      tpu.enqueue_indirect_dma source(%dma_start3A_82 : memref<10240x128xf32, #tpu.memory_space<hbm>>) target(%arg11 : memref<128x128xf32, #tpu.memory_space<vmem>>) offsets(%arg7 : memref<128xi32, #tpu.memory_space<vmem>>) semaphore(%arg14 : memref<!tpu.dma_semaphore, #tpu.memory_space<semaphore_mem>>)
      %mul3A_83 = arith.constant 2 : i32
      %mul3A_84 = arith.muli %mul3A_83, %scan3A_49 : i32
      %add3A_85 = arith.constant 1 : i32
      %add3A_86 = arith.addi %mul3A_84, %add3A_85 : i32
      %dma_wait3A_87 = arith.constant 0 : i32
      %dma_wait3A_88 = arith.constant 0 : i32
      %dma_wait3A_89 = tpu.memref_slice %arg12[%dma_wait3A_87, %dma_wait3A_88] : memref<10240x128xf32, #tpu.memory_space<vmem_shared>> -> memref<10240x128xf32, #tpu.memory_space<vmem_shared>>
      tpu.wait_indirect_dma semaphore(%arg17 : memref<!tpu.dma_semaphore, #tpu.memory_space<semaphore_mem>>) src(%arg10 : memref<128x128xf32, #tpu.memory_space<vmem>>) dst(%dma_wait3A_89 : memref<10240x128xf32, #tpu.memory_space<vmem_shared>>)
      %lt3A = arith.constant 39 : i32
      %lt3A_90 = arith.cmpi slt, %scan3A_49, %lt3A : i32
      %convert_element_type3A_91 = arith.extui %lt3A_90 : i1 to i32
      %cond3A_92 = arith.constant 0 : i32
      %cond3A_93 = arith.cmpi ne, %convert_element_type3A_91, %cond3A_92 : i32
      scf.if %cond3A_93 {
        %add3A_106 = arith.constant 1 : i32
        %add3A_107 = arith.addi %add3A_86, %add3A_106 : i32
        %mul3A_108 = arith.constant 128 : i32
        %mul3A_109 = arith.muli %add3A_107, %mul3A_108 : i32
        %add3A_110 = arith.addi %mul3A_15, %mul3A_109 : i32
        %dma_start3A_111 = tpu.memref_slice %arg4[%add3A_110] : memref<327680xi32, #tpu.memory_space<hbm>> -> memref<128xi32, #tpu.memory_space<hbm>>
        %dma_start3A_112 = tpu.memref_slice %arg4[%add3A_110] : memref<327680xi32, #tpu.memory_space<hbm>> -> memref<128xi32, #tpu.memory_space<hbm>>
        tpu.enqueue_dma source(%dma_start3A_112 : memref<128xi32, #tpu.memory_space<hbm>>) target(%arg6 : memref<128xi32, #tpu.memory_space<vmem>>) target_semaphore(%arg15 : memref<!tpu.dma_semaphore, #tpu.memory_space<semaphore_mem>>)
        %dma_start3A_113 = tpu.memref_slice %arg3[%add3A_110] : memref<327680xi32, #tpu.memory_space<hbm>> -> memref<128xi32, #tpu.memory_space<hbm>>
        %dma_start3A_114 = tpu.memref_slice %arg3[%add3A_110] : memref<327680xi32, #tpu.memory_space<hbm>> -> memref<128xi32, #tpu.memory_space<hbm>>
        tpu.enqueue_dma source(%dma_start3A_114 : memref<128xi32, #tpu.memory_space<hbm>>) target(%arg8 : memref<128xi32, #tpu.memory_space<vmem>>) target_semaphore(%arg15 : memref<!tpu.dma_semaphore, #tpu.memory_space<semaphore_mem>>)
      } else {
      }
      %dma_wait3A_94 = arith.constant 0 : i32
      %dma_wait3A_95 = arith.constant 0 : i32
      %dma_wait3A_96 = tpu.memref_slice %arg2[%dma_wait3A_94, %dma_wait3A_95] : memref<10240x128xf32, #tpu.memory_space<hbm>> -> memref<10240x128xf32, #tpu.memory_space<hbm>>
      tpu.wait_indirect_dma semaphore(%arg14 : memref<!tpu.dma_semaphore, #tpu.memory_space<semaphore_mem>>) src(%dma_wait3A_96 : memref<10240x128xf32, #tpu.memory_space<hbm>>) dst(%arg11 : memref<128x128xf32, #tpu.memory_space<vmem>>)
      %dma_start3A_97 = arith.constant 0 : i32
      %dma_start3A_98 = arith.constant 0 : i32
      %dma_start3A_99 = tpu.memref_slice %arg12[%dma_start3A_97, %dma_start3A_98] : memref<10240x128xf32, #tpu.memory_space<vmem_shared>> -> memref<10240x128xf32, #tpu.memory_space<vmem_shared>>
      tpu.enqueue_indirect_dma source(%arg11 : memref<128x128xf32, #tpu.memory_space<vmem>>) target(%dma_start3A_99 : memref<10240x128xf32, #tpu.memory_space<vmem_shared>>) offsets(%arg9 : memref<128xi32, #tpu.memory_space<vmem>>) semaphore(%arg18 : memref<!tpu.dma_semaphore, #tpu.memory_space<semaphore_mem>>) {add = true}
      %lt3A_100 = arith.constant 39 : i32
      %lt3A_101 = arith.cmpi slt, %scan3A_49, %lt3A_100 : i32
      %convert_element_type3A_102 = arith.extui %lt3A_101 : i1 to i32
      %cond3A_103 = arith.constant 0 : i32
      %cond3A_104 = arith.cmpi ne, %convert_element_type3A_102, %cond3A_103 : i32
      scf.if %cond3A_104 {
        %dma_wait3A_106 = arith.constant 0 : i32
        %dma_wait3A_107 = tpu.memref_slice %arg4[%dma_wait3A_106] : memref<327680xi32, #tpu.memory_space<hbm>> -> memref<128xi32, #tpu.memory_space<hbm>>
        %dma_wait3A_108 = arith.constant 0 : i32
        %dma_wait3A_109 = tpu.memref_slice %arg4[%dma_wait3A_108] : memref<327680xi32, #tpu.memory_space<hbm>> -> memref<128xi32, #tpu.memory_space<hbm>>
        tpu.wait_dma2 semaphore(%arg15 : memref<!tpu.dma_semaphore, #tpu.memory_space<semaphore_mem>>) src(%dma_wait3A_109 : memref<128xi32, #tpu.memory_space<hbm>>) dst(%arg6 : memref<128xi32, #tpu.memory_space<vmem>>)
        %dma_wait3A_110 = arith.constant 0 : i32
        %dma_wait3A_111 = tpu.memref_slice %arg3[%dma_wait3A_110] : memref<327680xi32, #tpu.memory_space<hbm>> -> memref<128xi32, #tpu.memory_space<hbm>>
        %dma_wait3A_112 = arith.constant 0 : i32
        %dma_wait3A_113 = tpu.memref_slice %arg3[%dma_wait3A_112] : memref<327680xi32, #tpu.memory_space<hbm>> -> memref<128xi32, #tpu.memory_space<hbm>>
        tpu.wait_dma2 semaphore(%arg15 : memref<!tpu.dma_semaphore, #tpu.memory_space<semaphore_mem>>) src(%dma_wait3A_113 : memref<128xi32, #tpu.memory_space<hbm>>) dst(%arg8 : memref<128xi32, #tpu.memory_space<vmem>>)
        %dma_start3A_114 = arith.constant 0 : i32
        %dma_start3A_115 = arith.constant 0 : i32
        %dma_start3A_116 = tpu.memref_slice %arg2[%dma_start3A_114, %dma_start3A_115] : memref<10240x128xf32, #tpu.memory_space<hbm>> -> memref<10240x128xf32, #tpu.memory_space<hbm>>
        tpu.enqueue_indirect_dma source(%dma_start3A_116 : memref<10240x128xf32, #tpu.memory_space<hbm>>) target(%arg10 : memref<128x128xf32, #tpu.memory_space<vmem>>) offsets(%arg6 : memref<128xi32, #tpu.memory_space<vmem>>) semaphore(%arg13 : memref<!tpu.dma_semaphore, #tpu.memory_space<semaphore_mem>>)
      } else {
      }
      %scan3A_105 = arith.constant 0 : i32
      scf.yield %scan3A_105 : i32
    }
    %scan3A_37 = arith.constant 40 : i32
    %dma_wait3A_38 = arith.constant 0 : i32
    %dma_wait3A_39 = arith.constant 0 : i32
    %dma_wait3A_40 = tpu.memref_slice %arg12[%dma_wait3A_38, %dma_wait3A_39] : memref<10240x128xf32, #tpu.memory_space<vmem_shared>> -> memref<10240x128xf32, #tpu.memory_space<vmem_shared>>
    tpu.wait_indirect_dma semaphore(%arg18 : memref<!tpu.dma_semaphore, #tpu.memory_space<semaphore_mem>>) src(%arg11 : memref<128x128xf32, #tpu.memory_space<vmem>>) dst(%dma_wait3A_40 : memref<10240x128xf32, #tpu.memory_space<vmem_shared>>)
    %barrier3A_41 = arith.constant 0 : index
    tpu.barrier barrier_id(%barrier3A_41)
    %scan3A_42 = arith.constant 0 : i32
    %scan3A_43 = arith.constant 0 : i32
    %scan3A_44 = arith.constant 5 : i32
    %scan3A_45 = arith.addi %scan3A_43, %scan3A_44 : i32
    %scan3A_46 = arith.constant 1 : i32
    %scan3A_47 = scf.for %scan3A_49 = %scan3A_43 to %scan3A_45 step %scan3A_46 iter_args(%scan3A_50 = %scan3A_42) -> (i32)  : i32 {
      %mul3A_51 = arith.constant 640 : i32
      %mul3A_52 = arith.muli %arg1, %mul3A_51 : i32
      %mul3A_53 = arith.constant 128 : i32
      %mul3A_54 = arith.muli %scan3A_49, %mul3A_53 : i32
      %add3A_55 = arith.addi %mul3A_52, %mul3A_54 : i32
      "tpu.region"() ({
        %run_scoped3A = tpu.sem_alloc : memref<!tpu.dma_semaphore, #tpu.memory_space<semaphore_mem>>
        %dma_start3A_57 = arith.constant 0 : i32
        %dma_start3A_58 = tpu.memref_slice %arg5[%arg0, %add3A_55, %dma_start3A_57] : memref<2x10240x128xf32, #tpu.memory_space<hbm>> -> memref<1x128x128xf32, #tpu.memory_space<hbm>>
        %dma_start3A_59 = tpu.memref_squeeze %dma_start3A_58 : memref<1x128x128xf32, #tpu.memory_space<hbm>> -> memref<128x128xf32, #tpu.memory_space<hbm>>
        %dma_start3A_60 = arith.constant 0 : i32
        %dma_start3A_61 = tpu.memref_slice %arg12[%add3A_55, %dma_start3A_60] : memref<10240x128xf32, #tpu.memory_space<vmem_shared>> -> memref<128x128xf32, #tpu.memory_space<vmem_shared>>
        tpu.enqueue_dma source(%dma_start3A_61 : memref<128x128xf32, #tpu.memory_space<vmem_shared>>) target(%dma_start3A_59 : memref<128x128xf32, #tpu.memory_space<hbm>>) target_semaphore(%run_scoped3A : memref<!tpu.dma_semaphore, #tpu.memory_space<semaphore_mem>>)
        %dma_wait3A_62 = arith.constant 0 : i32
        %dma_wait3A_63 = tpu.memref_slice %arg5[%arg0, %add3A_55, %dma_wait3A_62] : memref<2x10240x128xf32, #tpu.memory_space<hbm>> -> memref<1x128x128xf32, #tpu.memory_space<hbm>>
        %dma_wait3A_64 = tpu.memref_squeeze %dma_wait3A_63 : memref<1x128x128xf32, #tpu.memory_space<hbm>> -> memref<128x128xf32, #tpu.memory_space<hbm>>
        %dma_wait3A_65 = arith.constant 0 : i32
        %dma_wait3A_66 = tpu.memref_slice %arg12[%add3A_55, %dma_wait3A_65] : memref<10240x128xf32, #tpu.memory_space<vmem_shared>> -> memref<128x128xf32, #tpu.memory_space<vmem_shared>>
        tpu.wait_dma2 semaphore(%run_scoped3A : memref<!tpu.dma_semaphore, #tpu.memory_space<semaphore_mem>>) src(%dma_wait3A_66 : memref<128x128xf32, #tpu.memory_space<vmem_shared>>) dst(%dma_wait3A_64 : memref<128x128xf32, #tpu.memory_space<hbm>>)
        tpu.yield
      }) : () -> ()
      %scan3A_56 = arith.constant 0 : i32
      scf.yield %scan3A_56 : i32
    }
    %scan3A_48 = arith.constant 5 : i32
    return
  }
}

module attributes {stable_mosaic.version = 14 : i64} {
  func.func @body(%arg0: i32, %arg1: memref<1x1280x128xf32, #tpu.memory_space<vmem>>, %arg2: memref<128x128xf32, #tpu.memory_space<vmem>>, %arg3: memref<1x128xf32, #tpu.memory_space<vmem>>, %arg4: memref<2x1280x128xf32, #tpu.memory_space<vmem>>, %arg5: memref<1280x128xf32, #tpu.memory_space<vmem>>) attributes {dimension_semantics = [#tpu.dimension_semantics<arbitrary>], iteration_bounds = array<i64: 8>, scalar_prefetch = 0 : i64, scratch_operands = 0 : i64, tpu.core_type = #tpu.core_type<tc>, window_params = [{transform_indices = @transform_0, window_bounds = array<i64: 1, 1280, 128>}, {pipeline_mode = #tpu.pipeline_mode<synchronous>, transform_indices = @transform_1, window_bounds = array<i64: 128, 128>}, {pipeline_mode = #tpu.pipeline_mode<synchronous>, transform_indices = @transform_2, window_bounds = array<i64: 1, 128>}, {transform_indices = @transform_3, window_bounds = array<i64: 2, 1280, 128>}, {transform_indices = @transform_4, window_bounds = array<i64: 1280, 128>}]} {
    %get3A = arith.constant 0 : index
    %get3A_0 = arith.constant 0 : index
    %get3A_1 = arith.constant 0 : index
    %get3A_2 = vector.load %arg1[%get3A, %get3A_0, %get3A_1] : memref<1x1280x128xf32, #tpu.memory_space<vmem>>, vector<1x1280x128xf32>
    %get3A_3 = vector.shape_cast %get3A_2 : vector<1x1280x128xf32> to vector<1280x128xf32>
    %get3A_4 = arith.constant 0 : index
    %get3A_5 = arith.constant 0 : index
    %get3A_6 = vector.load %arg2[%get3A_4, %get3A_5] : memref<128x128xf32, #tpu.memory_space<vmem>>, vector<128x128xf32>
    %dot_general3A = arith.constant dense<0.000000e+00> : vector<1280x128xf32>
    %dot_general3A_7 = tpu.matmul %get3A_3, %get3A_6, %dot_general3A {dimension_numbers = #tpu.dot_dimension_numbers<[1], [0], [0], [1], [0, 0, 1, 1], [], []>, transpose_lhs_hint = false} : vector<1280x128xf32>, vector<128x128xf32>, vector<1280x128xf32> -> vector<1280x128xf32>
    %get3A_8 = arith.constant 0 : index
    %get3A_9 = arith.constant 0 : index
    %get3A_10 = vector.load %arg3[%get3A_8, %get3A_9] : memref<1x128xf32, #tpu.memory_space<vmem>>, vector<1x128xf32>
    %add3A = vector.broadcast %get3A_10 : vector<1x128xf32> to vector<1280x128xf32>
    %add3A_11 = arith.addf %dot_general3A_7, %add3A : vector<1280x128xf32>
    %max3A = arith.constant 0.000000e+00 : f32
    %max3A_12 = vector.broadcast %max3A : f32 to vector<1280x128xf32>
    %max3A_13 = arith.maximumf %add3A_11, %max3A_12 : vector<1280x128xf32>
    %get3A_14 = arith.constant 0 : index
    %get3A_15 = arith.constant 0 : index
    %get3A_16 = arith.constant 0 : index
    %get3A_17 = vector.load %arg4[%get3A_14, %get3A_15, %get3A_16] : memref<2x1280x128xf32, #tpu.memory_space<vmem>>, vector<1x1280x128xf32>
    %get3A_18 = vector.shape_cast %get3A_17 : vector<1x1280x128xf32> to vector<1280x128xf32>
    %get3A_19 = arith.constant 1 : index
    %get3A_20 = arith.constant 0 : index
    %get3A_21 = arith.constant 0 : index
    %get3A_22 = vector.load %arg4[%get3A_19, %get3A_20, %get3A_21] : memref<2x1280x128xf32, #tpu.memory_space<vmem>>, vector<1x1280x128xf32>
    %get3A_23 = vector.shape_cast %get3A_22 : vector<1x1280x128xf32> to vector<1280x128xf32>
    %add3A_24 = arith.addf %get3A_18, %get3A_23 : vector<1280x128xf32>
    %max3A_25 = arith.constant 1.000000e+00 : f32
    %max3A_26 = vector.broadcast %max3A_25 : f32 to vector<1280x128xf32>
    %max3A_27 = arith.maximumf %add3A_24, %max3A_26 : vector<1280x128xf32>
    %div3A = arith.divf %max3A_13, %max3A_27 : vector<1280x128xf32>
    %swap3A = arith.constant 0 : index
    %swap3A_28 = arith.constant 0 : index
    %swap3A_29 = vector.load %arg5[%swap3A, %swap3A_28] : memref<1280x128xf32, #tpu.memory_space<vmem>>, vector<1280x128xf32>
    tpu.vector_store %arg5[%swap3A, %swap3A_28], %div3A {strides = array<i32>} : memref<1280x128xf32, #tpu.memory_space<vmem>>, vector<1280x128xf32>,
    return
  }
  func.func @transform_0(%arg0: i32) -> (i32, i32, i32) {
    %c0_i32 = arith.constant 0 : i32
    %c0_i32_0 = arith.constant 0 : i32
    %c0_i32_1 = arith.constant 0 : i32
    return %c0_i32, %arg0, %c0_i32_0 : i32, i32, i32
  }
  func.func @transform_1(%arg0: i32) -> (i32, i32) {
    %c0_i32 = arith.constant 0 : i32
    %c0_i32_0 = arith.constant 0 : i32
    %c0_i32_1 = arith.constant 0 : i32
    return %c0_i32, %c0_i32_0 : i32, i32
  }
  func.func @transform_2(%arg0: i32) -> (i32, i32) {
    %c0_i32 = arith.constant 0 : i32
    %c0_i32_0 = arith.constant 0 : i32
    %c0_i32_1 = arith.constant 0 : i32
    return %c0_i32, %c0_i32_0 : i32, i32
  }
  func.func @transform_3(%arg0: i32) -> (i32, i32, i32) {
    %c0_i32 = arith.constant 0 : i32
    %c0_i32_0 = arith.constant 0 : i32
    %c0_i32_1 = arith.constant 0 : i32
    return %c0_i32, %arg0, %c0_i32_0 : i32, i32, i32
  }
  func.func @transform_4(%arg0: i32) -> (i32, i32) {
    %c0_i32 = arith.constant 0 : i32
    %c0_i32_0 = arith.constant 0 : i32
    return %arg0, %c0_i32 : i32, i32
  }
}

module attributes {stable_mosaic.version = 14 : i64} {
  func.func @body(%arg0: i32, %arg1: memref<2x1280x128xf32, #tpu.memory_space<vmem>>, %arg2: memref<128x128xf32, #tpu.memory_space<vmem>>, %arg3: memref<1x128xf32, #tpu.memory_space<vmem>>, %arg4: memref<2x1280x128xf32, #tpu.memory_space<vmem>>, %arg5: memref<1280x128xf32, #tpu.memory_space<vmem>>) attributes {dimension_semantics = [#tpu.dimension_semantics<arbitrary>], iteration_bounds = array<i64: 8>, scalar_prefetch = 0 : i64, scratch_operands = 0 : i64, tpu.core_type = #tpu.core_type<tc>, window_params = [{transform_indices = @transform_0, window_bounds = array<i64: 2, 1280, 128>}, {pipeline_mode = #tpu.pipeline_mode<synchronous>, transform_indices = @transform_1, window_bounds = array<i64: 128, 128>}, {pipeline_mode = #tpu.pipeline_mode<synchronous>, transform_indices = @transform_2, window_bounds = array<i64: 1, 128>}, {transform_indices = @transform_3, window_bounds = array<i64: 2, 1280, 128>}, {transform_indices = @transform_4, window_bounds = array<i64: 1280, 128>}]} {
    %get3A = arith.constant 0 : index
    %get3A_0 = arith.constant 0 : index
    %get3A_1 = arith.constant 0 : index
    %get3A_2 = vector.load %arg1[%get3A, %get3A_0, %get3A_1] : memref<2x1280x128xf32, #tpu.memory_space<vmem>>, vector<1x1280x128xf32>
    %get3A_3 = vector.shape_cast %get3A_2 : vector<1x1280x128xf32> to vector<1280x128xf32>
    %get3A_4 = arith.constant 1 : index
    %get3A_5 = arith.constant 0 : index
    %get3A_6 = arith.constant 0 : index
    %get3A_7 = vector.load %arg1[%get3A_4, %get3A_5, %get3A_6] : memref<2x1280x128xf32, #tpu.memory_space<vmem>>, vector<1x1280x128xf32>
    %get3A_8 = vector.shape_cast %get3A_7 : vector<1x1280x128xf32> to vector<1280x128xf32>
    %add3A = arith.addf %get3A_3, %get3A_8 : vector<1280x128xf32>
    %get3A_9 = arith.constant 0 : index
    %get3A_10 = arith.constant 0 : index
    %get3A_11 = vector.load %arg2[%get3A_9, %get3A_10] : memref<128x128xf32, #tpu.memory_space<vmem>>, vector<128x128xf32>
    %dot_general3A = arith.constant dense<0.000000e+00> : vector<1280x128xf32>
    %dot_general3A_12 = tpu.matmul %add3A, %get3A_11, %dot_general3A {dimension_numbers = #tpu.dot_dimension_numbers<[1], [0], [0], [1], [0, 0, 1, 1], [], []>, transpose_lhs_hint = false} : vector<1280x128xf32>, vector<128x128xf32>, vector<1280x128xf32> -> vector<1280x128xf32>
    %get3A_13 = arith.constant 0 : index
    %get3A_14 = arith.constant 0 : index
    %get3A_15 = vector.load %arg3[%get3A_13, %get3A_14] : memref<1x128xf32, #tpu.memory_space<vmem>>, vector<1x128xf32>
    %add3A_16 = vector.broadcast %get3A_15 : vector<1x128xf32> to vector<1280x128xf32>
    %add3A_17 = arith.addf %dot_general3A_12, %add3A_16 : vector<1280x128xf32>
    %max3A = arith.constant 0.000000e+00 : f32
    %max3A_18 = vector.broadcast %max3A : f32 to vector<1280x128xf32>
    %max3A_19 = arith.maximumf %add3A_17, %max3A_18 : vector<1280x128xf32>
    %get3A_20 = arith.constant 0 : index
    %get3A_21 = arith.constant 0 : index
    %get3A_22 = arith.constant 0 : index
    %get3A_23 = vector.load %arg4[%get3A_20, %get3A_21, %get3A_22] : memref<2x1280x128xf32, #tpu.memory_space<vmem>>, vector<1x1280x128xf32>
    %get3A_24 = vector.shape_cast %get3A_23 : vector<1x1280x128xf32> to vector<1280x128xf32>
    %get3A_25 = arith.constant 1 : index
    %get3A_26 = arith.constant 0 : index
    %get3A_27 = arith.constant 0 : index
    %get3A_28 = vector.load %arg4[%get3A_25, %get3A_26, %get3A_27] : memref<2x1280x128xf32, #tpu.memory_space<vmem>>, vector<1x1280x128xf32>
    %get3A_29 = vector.shape_cast %get3A_28 : vector<1x1280x128xf32> to vector<1280x128xf32>
    %add3A_30 = arith.addf %get3A_24, %get3A_29 : vector<1280x128xf32>
    %max3A_31 = arith.constant 1.000000e+00 : f32
    %max3A_32 = vector.broadcast %max3A_31 : f32 to vector<1280x128xf32>
    %max3A_33 = arith.maximumf %add3A_30, %max3A_32 : vector<1280x128xf32>
    %div3A = arith.divf %max3A_19, %max3A_33 : vector<1280x128xf32>
    %swap3A = arith.constant 0 : index
    %swap3A_34 = arith.constant 0 : index
    %swap3A_35 = vector.load %arg5[%swap3A, %swap3A_34] : memref<1280x128xf32, #tpu.memory_space<vmem>>, vector<1280x128xf32>
    tpu.vector_store %arg5[%swap3A, %swap3A_34], %div3A {strides = array<i32>} : memref<1280x128xf32, #tpu.memory_space<vmem>>, vector<1280x128xf32>,
    return
  }
  func.func @transform_0(%arg0: i32) -> (i32, i32, i32) {
    %c0_i32 = arith.constant 0 : i32
    %c0_i32_0 = arith.constant 0 : i32
    %c0_i32_1 = arith.constant 0 : i32
    return %c0_i32, %arg0, %c0_i32_0 : i32, i32, i32
  }
  func.func @transform_1(%arg0: i32) -> (i32, i32) {
    %c0_i32 = arith.constant 0 : i32
    %c0_i32_0 = arith.constant 0 : i32
    %c0_i32_1 = arith.constant 0 : i32
    return %c0_i32, %c0_i32_0 : i32, i32
  }
  func.func @transform_2(%arg0: i32) -> (i32, i32) {
    %c0_i32 = arith.constant 0 : i32
    %c0_i32_0 = arith.constant 0 : i32
    %c0_i32_1 = arith.constant 0 : i32
    return %c0_i32, %c0_i32_0 : i32, i32
  }
  func.func @transform_3(%arg0: i32) -> (i32, i32, i32) {
    %c0_i32 = arith.constant 0 : i32
    %c0_i32_0 = arith.constant 0 : i32
    %c0_i32_1 = arith.constant 0 : i32
    return %c0_i32, %arg0, %c0_i32_0 : i32, i32, i32
  }
  func.func @transform_4(%arg0: i32) -> (i32, i32) {
    %c0_i32 = arith.constant 0 : i32
    %c0_i32_0 = arith.constant 0 : i32
    return %arg0, %c0_i32 : i32, i32
  }
}

module attributes {stable_mosaic.version = 14 : i64} {
  func.func @_head_body(%arg0: i32, %arg1: memref<2x1280x128xf32, #tpu.memory_space<vmem>>, %arg2: memref<128x128xf32, #tpu.memory_space<vmem>>, %arg3: memref<1x128xf32, #tpu.memory_space<vmem>>, %arg4: memref<128x128xf32, #tpu.memory_space<vmem>>, %arg5: memref<1x128xf32, #tpu.memory_space<vmem>>, %arg6: memref<128x128xf32, #tpu.memory_space<vmem>>, %arg7: memref<1x128xf32, #tpu.memory_space<vmem>>, %arg8: memref<128x128xf32, #tpu.memory_space<vmem>>, %arg9: memref<1x128xf32, #tpu.memory_space<vmem>>, %arg10: memref<128x128xf32, #tpu.memory_space<vmem>>, %arg11: memref<1x128xf32, #tpu.memory_space<vmem>>, %arg12: memref<1280x128xf32, #tpu.memory_space<vmem>>) attributes {dimension_semantics = [#tpu.dimension_semantics<arbitrary>], iteration_bounds = array<i64: 8>, scalar_prefetch = 0 : i64, scratch_operands = 0 : i64, tpu.core_type = #tpu.core_type<tc>, window_params = [{transform_indices = @transform_0, window_bounds = array<i64: 2, 1280, 128>}, {pipeline_mode = #tpu.pipeline_mode<synchronous>, transform_indices = @transform_1, window_bounds = array<i64: 128, 128>}, {pipeline_mode = #tpu.pipeline_mode<synchronous>, transform_indices = @transform_2, window_bounds = array<i64: 1, 128>}, {pipeline_mode = #tpu.pipeline_mode<synchronous>, transform_indices = @transform_3, window_bounds = array<i64: 128, 128>}, {pipeline_mode = #tpu.pipeline_mode<synchronous>, transform_indices = @transform_4, window_bounds = array<i64: 1, 128>}, {pipeline_mode = #tpu.pipeline_mode<synchronous>, transform_indices = @transform_5, window_bounds = array<i64: 128, 128>}, {pipeline_mode = #tpu.pipeline_mode<synchronous>, transform_indices = @transform_6, window_bounds = array<i64: 1, 128>}, {pipeline_mode = #tpu.pipeline_mode<synchronous>, transform_indices = @transform_7, window_bounds = array<i64: 128, 128>}, {pipeline_mode = #tpu.pipeline_mode<synchronous>, transform_indices = @transform_8, window_bounds = array<i64: 1, 128>}, {pipeline_mode = #tpu.pipeline_mode<synchronous>, transform_indices = @transform_9, window_bounds = array<i64: 128, 128>}, {pipeline_mode = #tpu.pipeline_mode<synchronous>, transform_indices = @transform_10, window_bounds = array<i64: 1, 128>}, {transform_indices = @transform_11, window_bounds = array<i64: 1280, 128>}]} {
    %get3A = arith.constant 0 : index
    %get3A_0 = arith.constant 0 : index
    %get3A_1 = arith.constant 0 : index
    %get3A_2 = vector.load %arg1[%get3A, %get3A_0, %get3A_1] : memref<2x1280x128xf32, #tpu.memory_space<vmem>>, vector<1x1280x128xf32>
    %get3A_3 = vector.shape_cast %get3A_2 : vector<1x1280x128xf32> to vector<1280x128xf32>
    %get3A_4 = arith.constant 1 : index
    %get3A_5 = arith.constant 0 : index
    %get3A_6 = arith.constant 0 : index
    %get3A_7 = vector.load %arg1[%get3A_4, %get3A_5, %get3A_6] : memref<2x1280x128xf32, #tpu.memory_space<vmem>>, vector<1x1280x128xf32>
    %get3A_8 = vector.shape_cast %get3A_7 : vector<1x1280x128xf32> to vector<1280x128xf32>
    %add3A = arith.addf %get3A_3, %get3A_8 : vector<1280x128xf32>
    %get3A_9 = arith.constant 0 : index
    %get3A_10 = arith.constant 0 : index
    %get3A_11 = vector.load %arg2[%get3A_9, %get3A_10] : memref<128x128xf32, #tpu.memory_space<vmem>>, vector<128x128xf32>
    %dot_general3A = arith.constant dense<0.000000e+00> : vector<1280x128xf32>
    %dot_general3A_12 = tpu.matmul %add3A, %get3A_11, %dot_general3A {dimension_numbers = #tpu.dot_dimension_numbers<[1], [0], [0], [1], [0, 0, 1, 1], [], []>, transpose_lhs_hint = false} : vector<1280x128xf32>, vector<128x128xf32>, vector<1280x128xf32> -> vector<1280x128xf32>
    %get3A_13 = arith.constant 0 : index
    %get3A_14 = arith.constant 0 : index
    %get3A_15 = vector.load %arg3[%get3A_13, %get3A_14] : memref<1x128xf32, #tpu.memory_space<vmem>>, vector<1x128xf32>
    %add3A_16 = vector.broadcast %get3A_15 : vector<1x128xf32> to vector<1280x128xf32>
    %add3A_17 = arith.addf %dot_general3A_12, %add3A_16 : vector<1280x128xf32>
    %max3A = arith.constant 0.000000e+00 : f32
    %max3A_18 = vector.broadcast %max3A : f32 to vector<1280x128xf32>
    %max3A_19 = arith.maximumf %add3A, %max3A_18 : vector<1280x128xf32>
    %get3A_20 = arith.constant 0 : index
    %get3A_21 = arith.constant 0 : index
    %get3A_22 = vector.load %arg4[%get3A_20, %get3A_21] : memref<128x128xf32, #tpu.memory_space<vmem>>, vector<128x128xf32>
    %dot_general3A_23 = arith.constant dense<0.000000e+00> : vector<1280x128xf32>
    %dot_general3A_24 = tpu.matmul %max3A_19, %get3A_22, %dot_general3A_23 {dimension_numbers = #tpu.dot_dimension_numbers<[1], [0], [0], [1], [0, 0, 1, 1], [], []>, transpose_lhs_hint = false} : vector<1280x128xf32>, vector<128x128xf32>, vector<1280x128xf32> -> vector<1280x128xf32>
    %get3A_25 = arith.constant 0 : index
    %get3A_26 = arith.constant 0 : index
    %get3A_27 = vector.load %arg5[%get3A_25, %get3A_26] : memref<1x128xf32, #tpu.memory_space<vmem>>, vector<1x128xf32>
    %add3A_28 = vector.broadcast %get3A_27 : vector<1x128xf32> to vector<1280x128xf32>
    %add3A_29 = arith.addf %dot_general3A_24, %add3A_28 : vector<1280x128xf32>
    %add3A_30 = arith.addf %add3A_29, %add3A_17 : vector<1280x128xf32>
    %get3A_31 = arith.constant 0 : index
    %get3A_32 = arith.constant 0 : index
    %get3A_33 = vector.load %arg6[%get3A_31, %get3A_32] : memref<128x128xf32, #tpu.memory_space<vmem>>, vector<128x128xf32>
    %dot_general3A_34 = arith.constant dense<0.000000e+00> : vector<1280x128xf32>
    %dot_general3A_35 = tpu.matmul %add3A, %get3A_33, %dot_general3A_34 {dimension_numbers = #tpu.dot_dimension_numbers<[1], [0], [0], [1], [0, 0, 1, 1], [], []>, transpose_lhs_hint = false} : vector<1280x128xf32>, vector<128x128xf32>, vector<1280x128xf32> -> vector<1280x128xf32>
    %get3A_36 = arith.constant 0 : index
    %get3A_37 = arith.constant 0 : index
    %get3A_38 = vector.load %arg7[%get3A_36, %get3A_37] : memref<1x128xf32, #tpu.memory_space<vmem>>, vector<1x128xf32>
    %add3A_39 = vector.broadcast %get3A_38 : vector<1x128xf32> to vector<1280x128xf32>
    %add3A_40 = arith.addf %dot_general3A_35, %add3A_39 : vector<1280x128xf32>
    %max3A_41 = arith.constant 0.000000e+00 : f32
    %max3A_42 = vector.broadcast %max3A_41 : f32 to vector<1280x128xf32>
    %max3A_43 = arith.maximumf %add3A_30, %max3A_42 : vector<1280x128xf32>
    %get3A_44 = arith.constant 0 : index
    %get3A_45 = arith.constant 0 : index
    %get3A_46 = vector.load %arg8[%get3A_44, %get3A_45] : memref<128x128xf32, #tpu.memory_space<vmem>>, vector<128x128xf32>
    %dot_general3A_47 = arith.constant dense<0.000000e+00> : vector<1280x128xf32>
    %dot_general3A_48 = tpu.matmul %max3A_43, %get3A_46, %dot_general3A_47 {dimension_numbers = #tpu.dot_dimension_numbers<[1], [0], [0], [1], [0, 0, 1, 1], [], []>, transpose_lhs_hint = false} : vector<1280x128xf32>, vector<128x128xf32>, vector<1280x128xf32> -> vector<1280x128xf32>
    %get3A_49 = arith.constant 0 : index
    %get3A_50 = arith.constant 0 : index
    %get3A_51 = vector.load %arg9[%get3A_49, %get3A_50] : memref<1x128xf32, #tpu.memory_space<vmem>>, vector<1x128xf32>
    %add3A_52 = vector.broadcast %get3A_51 : vector<1x128xf32> to vector<1280x128xf32>
    %add3A_53 = arith.addf %dot_general3A_48, %add3A_52 : vector<1280x128xf32>
    %add3A_54 = arith.addf %add3A_53, %add3A_40 : vector<1280x128xf32>
    %get3A_55 = arith.constant 0 : index
    %get3A_56 = arith.constant 0 : index
    %get3A_57 = vector.load %arg10[%get3A_55, %get3A_56] : memref<128x128xf32, #tpu.memory_space<vmem>>, vector<128x128xf32>
    %dot_general3A_58 = arith.constant dense<0.000000e+00> : vector<1280x128xf32>
    %dot_general3A_59 = tpu.matmul %add3A_54, %get3A_57, %dot_general3A_58 {dimension_numbers = #tpu.dot_dimension_numbers<[1], [0], [0], [1], [0, 0, 1, 1], [], []>, transpose_lhs_hint = false} : vector<1280x128xf32>, vector<128x128xf32>, vector<1280x128xf32> -> vector<1280x128xf32>
    %get3A_60 = arith.constant 0 : index
    %get3A_61 = arith.constant 0 : index
    %get3A_62 = vector.load %arg11[%get3A_60, %get3A_61] : memref<1x128xf32, #tpu.memory_space<vmem>>, vector<1x128xf32>
    %add3A_63 = vector.broadcast %get3A_62 : vector<1x128xf32> to vector<1280x128xf32>
    %add3A_64 = arith.addf %dot_general3A_59, %add3A_63 : vector<1280x128xf32>
    %swap3A = arith.constant 0 : index
    %swap3A_65 = arith.constant 0 : index
    %swap3A_66 = vector.load %arg12[%swap3A, %swap3A_65] : memref<1280x128xf32, #tpu.memory_space<vmem>>, vector<1280x128xf32>
    tpu.vector_store %arg12[%swap3A, %swap3A_65], %add3A_64 {strides = array<i32>} : memref<1280x128xf32, #tpu.memory_space<vmem>>, vector<1280x128xf32>,
    return
  }
  func.func @transform_0(%arg0: i32) -> (i32, i32, i32) {
    %c0_i32 = arith.constant 0 : i32
    %c0_i32_0 = arith.constant 0 : i32
    %c0_i32_1 = arith.constant 0 : i32
    return %c0_i32, %arg0, %c0_i32_0 : i32, i32, i32
  }
  func.func @transform_1(%arg0: i32) -> (i32, i32) {
    %c0_i32 = arith.constant 0 : i32
    %c0_i32_0 = arith.constant 0 : i32
    %c0_i32_1 = arith.constant 0 : i32
    return %c0_i32, %c0_i32_0 : i32, i32
  }
  func.func @transform_2(%arg0: i32) -> (i32, i32) {
    %c0_i32 = arith.constant 0 : i32
    %c0_i32_0 = arith.constant 0 : i32
    %c0_i32_1 = arith.constant 0 : i32
    return %c0_i32, %c0_i32_0 : i32, i32
  }
  func.func @transform_3(%arg0: i32) -> (i32, i32) {
    %c0_i32 = arith.constant 0 : i32
    %c0_i32_0 = arith.constant 0 : i32
    %c0_i32_1 = arith.constant 0 : i32
    return %c0_i32, %c0_i32_0 : i32, i32
  }
  func.func @transform_4(%arg0: i32) -> (i32, i32) {
    %c0_i32 = arith.constant 0 : i32
    %c0_i32_0 = arith.constant 0 : i32
    %c0_i32_1 = arith.constant 0 : i32
    return %c0_i32, %c0_i32_0 : i32, i32
  }
  func.func @transform_5(%arg0: i32) -> (i32, i32) {
    %c0_i32 = arith.constant 0 : i32
    %c0_i32_0 = arith.constant 0 : i32
    %c0_i32_1 = arith.constant 0 : i32
    return %c0_i32, %c0_i32_0 : i32, i32
  }
  func.func @transform_6(%arg0: i32) -> (i32, i32) {
    %c0_i32 = arith.constant 0 : i32
    %c0_i32_0 = arith.constant 0 : i32
    %c0_i32_1 = arith.constant 0 : i32
    return %c0_i32, %c0_i32_0 : i32, i32
  }
  func.func @transform_7(%arg0: i32) -> (i32, i32) {
    %c0_i32 = arith.constant 0 : i32
    %c0_i32_0 = arith.constant 0 : i32
    %c0_i32_1 = arith.constant 0 : i32
    return %c0_i32, %c0_i32_0 : i32, i32
  }
  func.func @transform_8(%arg0: i32) -> (i32, i32) {
    %c0_i32 = arith.constant 0 : i32
    %c0_i32_0 = arith.constant 0 : i32
    %c0_i32_1 = arith.constant 0 : i32
    return %c0_i32, %c0_i32_0 : i32, i32
  }
  func.func @transform_9(%arg0: i32) -> (i32, i32) {
    %c0_i32 = arith.constant 0 : i32
    %c0_i32_0 = arith.constant 0 : i32
    %c0_i32_1 = arith.constant 0 : i32
    return %c0_i32, %c0_i32_0 : i32, i32
  }
  func.func @transform_10(%arg0: i32) -> (i32, i32) {
    %c0_i32 = arith.constant 0 : i32
    %c0_i32_0 = arith.constant 0 : i32
    %c0_i32_1 = arith.constant 0 : i32
    return %c0_i32, %c0_i32_0 : i32, i32
  }
  func.func @transform_11(%arg0: i32) -> (i32, i32) {
    %c0_i32 = arith.constant 0 : i32
    %c0_i32_0 = arith.constant 0 : i32
    return %arg0, %c0_i32 : i32, i32
  }
}

</mosaic_0001>

<sc_bundles>
// kernel: kernel.10.cloned.1.call-start
scs
__scs_entry_jumppad:
0x0: {  	(pc) =	sbr.rel $0x88, $3  }
0x1: {  	(tag) =	ssettag $0x0;
	lr =	simm.s32 $0x1  }
0x2: {  	[smem:$0x3F8E] =	sst lr;
	_ =	strace $0xD0000000  }
0x3: {  	_ = 	snop  }
0x4: {  	_ = 	snop  }
0x5: {  	_ = 	snop  }
0x6: {  	_ = 	snop  }
0x7: {  	_ = 	snop  }
__scs_overlays_trampoline_lowered:
0x8: {  	[smem:$0x3F9D] =	sst s0  }
0x9: {  	[smem:$0x3F9E] =	sst s1  }
0xa: {  	[smem:$0x3F9F] =	sst s2  }
0xb: {  	[smem:$0x3FA0] =	sst s3  }
0xc: {  	[smem:$0x3FA1] =	sst s4  }
0xd: {  	[smem:$0x3FA2] =	sst s5  }
0xe: {  	[smem:$0x3FA3] =	sst s6  }
0xf: {  	[smem:$0x3FA4] =	sst s7  }
0x10: {  	[smem:$0x3FA5] =	sst s8  }
0x11: {  	[smem:$0x3FA6] =	sst s9;
	s0 =	simm.s32 @!p0 $0x0  }
0x12: {  	s1 =	sld [smem:$0x3F8C];
	s0 =	simm.s32 @p0 $0x1  }
0x13: {  	[smem:$0x3FA7] =	sst s0;
	s0 =	simm.s32 @!p1 $0x0  }
0x14: {  	s2 =	sld [smem:$0x3F8B];
	s0 =	simm.s32 @p1 $0x1  }
0x15: {  	[smem:$0x3FA8] =	sst s0;
	s0 =	simm.s32 @!p2 $0x0  }
0x16: {  	s3 =	sld [smem:$0x3FDB];
	s0 =	simm.s32 @p2 $0x1  }
0x17: {  	s4 =	simm.s32 $0x1BF5;
	[smem:$0x3FAA] =	sst s0  }
0x18: {  	s0 =	sld [smem:$0x3F8D];
	_ =	swait.ge [sflag:s4], $0x0  }
0x19: {  	s7 =	sld [smem:$0x3F8E]  }
0x1a: {  	s8 =	sadd.s32 $0xFFFFE003, lr  }
0x1b: {  	s9 =	sadd.s32 $0xFFFFFEF7, lr;
	s5 =	simm.s32 $0xFFFFFFFF;
	p2 =	slt.u32 s8, $0xFFFFF086  }
0x1c: {  	p1 =	slt.u32 s9, $0xF7A;
	s5 =	simm.s32 @!p2 $0x0  }
0x1d: {  	s5 =	simm.s32 @p1 $0x1;
	p0 =	seq.s32 s7, s2  }
0x1e: {  	s7 =	smul.u32 @!p0 $0xF7A, s2;
	p2 =	seq.s32 @!p0 s5, $0x0  }
0x1f: {  	s9 =	smul.u32 $0xF7A, s1;
	s8 =	simm.s32 @!p0 $0x1BF5;
	p2 =	por !p2, p0  }
0x20: {  	[sflag:s8] =	ssyncset.s32 @!p0 $0xFFFFF086;
	s6 =	sadd.s32 @!p0 s3, s7;
	s7 =	simm.s32 @!p0 $0x108  }
0x21: {  	s3 =	sadd.s32 s3, s9;
	s6 =	sadd.s32 @!p0 $0x88, s6;
	s7 =	simm.s32 @p2 $0x1082  }
0x22: {  	[simem:s7], [sflag:s8] =	dma.local @!p0 [hbm:s6], $0xF7A  }
0x23: {  	s9 =	sor.u32 $0xD0000000, s2;
	s6 =	simm.s32 $0x108;
	_ =	swait.ge @!p0 [sflag:s8], $0x0  }
0x24: {  	s3 =	sadd.s32 $0x88, s3;
	s6 =	simm.s32 @!p1 $0x1082;
	[sflag:s4] =	ssyncset.s32 $0xFFFFF086  }
0x25: {  	[simem:s6], [sflag:s4] =	dma.local [hbm:s3], $0xF7A  }
0x26: {  	[smem:$0x3F8E] =	sst s1;
	(tag) =	ssettag s2;
	_ =	strace s9  }
0x27: {  	s1 =	sld [smem:$0x3F9E]  }
0x28: {  	s2 =	sld [smem:$0x3F9F]  }
0x29: {  	s4 =	sld [smem:$0x3FA1]  }
0x2a: {  	p0 =	seq.s32 s5, $0x0;
	s5 =	sld [smem:$0x3FA2]  }
0x2b: {  	s6 =	sld [smem:$0x3FA3]  }
0x2c: {  	s7 =	sld [smem:$0x3FA4]  }
0x2d: {  	s3 =	simm.s32 $0x108;
	s8 =	sld [smem:$0x3FA5]  }
0x2e: {  	s3 =	simm.s32 @!p0 $0x1082;
	s9 =	sld [smem:$0x3FA6]  }
0x2f: {  	lr =	sadd.s32 s0, s3;
	s0 =	sld [smem:$0x3F9D]  }
0x30: {  	s3 =	sld [smem:$0x3FA0]  }
0x31: {  	[smem:$0x3FA9] =	sst s10  }
0x32: {  	s10 =	sld [smem:$0x3FA7];
	_ =	sdelay $0x3  }
0x33: {  	p0 =	seq.s32 s10, $0x1;
	s10 =	sld [smem:$0x3FA9];
	_ =	sdelay $0x3  }
0x34: {  	[smem:$0x3FA9] =	sst s10  }
0x35: {  	s10 =	sld [smem:$0x3FA8];
	_ =	sdelay $0x3  }
0x36: {  	p1 =	seq.s32 s10, $0x1;
	s10 =	sld [smem:$0x3FA9];
	_ =	sdelay $0x3  }
0x37: {  	[smem:$0x3FA9] =	sst s10  }
0x38: {  	s10 =	sld [smem:$0x3FAA]  }
0x39: {  	_ = 	snop;
	(pc) =	sbr.ind lr, $3  }
0x3a: {  	_ = 	snop  }
0x3b: {  	_ = 	snop  }
0x3c: {  	p2 =	seq.s32 s10, $0x1;
	s10 =	sld [smem:$0x3FA9]  }
0x3d: {  	_ =	shalt  }
0x3e: {  	_ =	shalt  }
0x3f: {  	_ =	shalt  }
0x40: {  	_ =	shalt  }
0x41: {  	_ =	shalt  }
0x42: {  	_ =	shalt  }
0x43: {  	_ =	shalt  }
0x44: {  	_ =	shalt  }
0x45: {  	_ =	shalt  }
0x46: {  	_ =	shalt  }
0x47: {  	_ =	shalt  }
0x48: {  	_ =	shalt  }
0x49: {  	_ =	shalt  }
0x4a: {  	_ =	shalt  }
0x4b: {  	_ =	shalt  }
0x4c: {  	_ =	shalt  }
0x4d: {  	_ =	shalt  }
0x4e: {  	_ =	shalt  }
0x4f: {  	_ =	shalt  }
0x50: {  	_ =	shalt  }
0x51: {  	_ =	shalt  }
0x52: {  	_ =	shalt  }
0x53: {  	_ =	shalt  }
0x54: {  	_ =	shalt  }
0x55: {  	_ =	shalt  }
0x56: {  	_ =	shalt  }
0x57: {  	_ =	shalt  }
0x58: {  	_ =	shalt  }
0x59: {  	_ =	shalt  }
0x5a: {  	_ =	shalt  }
0x5b: {  	_ =	shalt  }
0x5c: {  	_ =	shalt  }
0x5d: {  	_ =	shalt  }
0x5e: {  	_ =	shalt  }
0x5f: {  	_ =	shalt  }
0x60: {  	_ =	shalt  }
0x61: {  	_ =	shalt  }
0x62: {  	_ =	shalt  }
0x63: {  	_ =	shalt  }
0x64: {  	_ =	shalt  }
0x65: {  	_ =	shalt  }
0x66: {  	_ =	shalt  }
0x67: {  	_ =	shalt  }
0x68: {  	_ =	shalt  }
0x69: {  	_ =	shalt  }
0x6a: {  	_ =	shalt  }
0x6b: {  	_ =	shalt  }
0x6c: {  	_ =	shalt  }
0x6d: {  	_ =	shalt  }
0x6e: {  	_ =	shalt  }
0x6f: {  	_ =	shalt  }
0x70: {  	_ =	shalt  }
0x71: {  	_ =	shalt  }
0x72: {  	_ =	shalt  }
0x73: {  	_ =	shalt  }
0x74: {  	_ =	shalt  }
0x75: {  	_ =	shalt  }
0x76: {  	_ =	shalt  }
0x77: {  	_ =	shalt  }
0x78: {  	_ =	shalt  }
0x79: {  	_ =	shalt  }
0x7a: {  	_ =	shalt  }
0x7b: {  	_ =	shalt  }
0x7c: {  	_ =	shalt  }
0x7d: {  	_ =	shalt  }
0x7e: {  	_ =	shalt  }
0x7f: {  	_ =	shalt  }
0x80: {  	_ =	shalt  }
0x81: {  	_ =	shalt  }
0x82: {  	_ =	shalt  }
0x83: {  	_ =	shalt  }
0x84: {  	_ =	shalt  }
0x85: {  	_ =	shalt  }
0x86: {  	_ =	shalt  }
0x87: {  	_ =	shalt  }
.Lfunc_end0:
.L_simem_size_0:
called_computation_lowered:
.L_overlay_start_0:
0x88: {  	s2 =	sld [smem:$0x3FD9]  }
0x89: {  	s3 =	sld [smem:$0x3FFE];
	_ =	sdelay $0x1  }
0x8a: {  	s1 =	srdreg.scid  }
0x8b: {  	s0 =	sand.u32 $0x1, s1  }
0x8c: {  	s17 =	sshll.u32 s0, $0xA;
	s2 =	sadd.s32 s3, s2  }
0x8d: {  	s2 =	sadd.s32 s2, s17  }
0x8e: {  	[smem:$0x3FB5] =	sst s2  }
0x8f: {  	_ = 	snop  }
0x90: {  	s2 =	sld [smem:$0x3FD0];
	(tm) =	ssettm $0x1  }
0x91: {  	s18 =	sld [smem:$0x3FFB];
	_ =	sdelay $0x3  }
0x92: {  	_ =	strace s18  }
0x93: {  	s3 =	sld [smem:$0x3FFC];
	_ =	sdelay $0x3  }
0x94: {  	_ =	strace s3  }
0x95: {  	s3 =	sld [smem:$0x3FFD];
	_ =	sdelay $0x3  }
0x96: {  	_ =	strace s3  }
0x97: {  	_ =	strace $0x8FFFFFFF  }
0x98: {  	s19 =	sld [smem:$0x3FDB];
	_ =	sdelay $0x1  }
0x99: {  	s4 =	simm.s32 $_scs_section_size  }
0x9a: {  	s5 =	simm.s32 $_size__tile_overlayer_lowered;
	s6 =	simm.s32 $_tile_overlayer_lowered  }
0x9b: {  	s22 =	simm.s32 $0x1BFF;
	s21 =	sshll.u32 s6, $0x1;
	s3 =	sadd.s32 s4, s19  }
0x9c: {  	s7 =	simm.s32 $0x0;
	s20 =	sshll.u32 s5, $0x1;
	s5 =	sadd.s32 s21, s3  }
0x9d: {  	[timem:s7], [sflag:s22] =	dma.local [hbm:s5], s20  }
0x9e: {  	_ =	swait.ge [sflag:s22], s20  }
0x9f: {  	s4 =	ssub.s32 $0x0, s20;
	[sflag:s22] =	ssyncset.done $0x0  }
0xa0: {  	[sflag:s22] =	ssyncadd.s32 s4;
	_ =	sdelay $0x1  }
0xa1: {  	s23 =	simm.s32 $0x1B8B  }
0xa2: {  	_ =	swait.ge [sflag:s23], $0x1  }
0xa3: {  	[sflag:s23] =	ssyncset.done $0x0  }
0xa4: {  	s25 =	simm.s32 $0x1B8E;
	s24 =	sld [smem:$0x3FFE];
	[sflag:s23] =	ssyncadd.s32 $0xFFFFFFFF  }
0xa5: {  	s26 =	simm.s32 $execute0_lowered;
	[smem:$0x3FD2] =	sst s25  }
0xa6: {  	s5 =	sshll.u32 s26, $0x1;
	_ =	strace $0x80000046;
	[dreg:$0x1] =	wrdreg $0xFFFFFFFF  }
0xa7: {  	s28 =	simm.s32 $_size_execute0_lowered;
	s3 =	sadd.s32 s3, s5;
	[dreg:$0x0] =	wrdreg $0x0  }
0xa8: {  	s5 =	sshll.u32 s28, $0x1;
	[dreg:$0x2] =	wrdreg s3  }
0xa9: {  	[dreg:$0x3] =	wrdreg s5  }
0xaa: {  	[dreg:$0x4] =	wrdreg $0xC0  }
0xab: {  	_ =	task [dreg:s7], $0x5FFFF  }
0xac: {  	[dreg:$0x1] =	wrdreg $0xFFFFFFFF  }
0xad: {  	[dreg:$0x0] =	wrdreg $0x60  }
0xae: {  	[dreg:$0x2] =	wrdreg s2  }
0xaf: {  	[dreg:$0x3] =	wrdreg s24  }
0xb0: {  	[dreg:$0x4] =	wrdreg $0x80800  }
0xb1: {  	[dreg:$0x5] =	wrdreg $0x9  }
0xb2: {  	_ =	task.clear_ibuf [dreg:s7], $0x6FFFF;
	_ =	strace $0x90000046  }
0xb3: {  	s29 =	simm.s32 $0x9;
	_ =	strace $0x80000048  }
0xb4: {  	_ =	swait.ge [sflag:s29], $0x1  }
0xb5: {  	[sflag:s29] =	ssyncadd.s32 $0xFFFFFFFF  }
0xb6: {  	_ =	strace $0x90000048  }
0xb7: {  	_ =	sfence  }
0xb8: {  	s30 =	sld [smem:$0x0];
	_ =	sdelay $0x2  }
0xb9: {  	s31 =	sshll.u32 s1, $0xD;
	s1 =	sshrl.u32 s1, $0x2  }
0xba: {  	s3 =	sand.u32 $0x4000, s31;
	s1 =	sadd.s32 s1, s30  }
0xbb: {  	s0 =	sor.u32 s3, s0;
	s1 =	sshll.u32 s1, $0x11  }
0xbc: {  	s0 =	sor.u32 s1, s0  }
0xbd: {  	s0 =	sadd.s32 $0x8F2B, s0  }
0xbe: {  	[sflag:s0] =	ssyncadd.remote.s32 $0x1  }
0xbf: {  	_ =	sfence.sel $0xFFFF  }
0xc0: {  	[dreg:$0x0] =	wrdreg $0xFFFFFFFF;
	(pc) =	sbr.abs _section_cstart, $3  }
0xc1: {  	[dreg:$0x1] =	wrdreg $0xFFFFFFFF  }
0xc2: {  	_ =	task.clear_ibuf [dreg:s7], $0x2FFFF;
	_ =	strace $0x9FFFFFFF  }
0xc3: {  	(tm) =	ssettm $0x7FFFFFFF  }
tec
execute0_lowered:
.L_overlay_start_1:
0x0: {  	(tag) =	ssettag $0x1  }
0x1: {  	s15 =	rddreg [dreg:$0x0]  }
0x2: {  	s4 =	rddreg [dreg:$0x1]  }
0x3: {  	s1 =	rddreg [dreg:$0x2];
	s2 =	srdreg.scid  }
0x4: {  	s0 =	rddreg [dreg:$0x3];
	s14 =	sand.u32 $0x1, s2  }
0x5: {  	s3 =	simm.s32 $0x0;
	s2 =	stileid.u32;
	s16 =	smul.u32 $0x140000, s14  }
0x6: {  	[smem:$0x7FF] =	sst s3;
	s13 =	smul.u32 $0x14000, s2  }
0x7: {  	s17 =	sadd.s32 $0x4400, s4;
	s5 =	ssub.s32 $0x2, s14;
	s6 =	smul.u32 $0x50000, s2  }
0x8: {  	_ =	strace $0x80000047;
	s30 =	smul.u32 $0xA00, s2;
	s23 =	sshrl.u32 s5, $0x1  }
0x9: {  	s31 =	smul.u32 $0x500, s14;
	s7 =	sadd.s32 s16, s13;
	s8 =	ssub.s32 s5, s23  }
0xa: {  	s24 =	sshrl.u32 s6, $0x2;
	s12 =	sadd.s32 $0x4000, s13;
	s18 =	sadd.s32 $0x8000, s13  }
0xb: {  	s20 =	sadd.s32 $0xC000, s13;
	s29 =	sadd.s32 $0x10000, s13;
	s15 =	sadd.s32 s30, s15  }
0xc: {  	s25 =	sshrl.u32 s7, $0x3;
	s4 =	sadd.s32 s24, s1;
	s6 =	smax.u32 s8, $0x1  }
0xd: {  	s11 =	sadd.s32 s16, s12;
	s19 =	sadd.s32 s16, s18;
	s21 =	sadd.s32 s12, s1  }
0xe: {  	s26 =	sadd.s32 s16, s20;
	s22 =	sadd.s32 s18, s1;
	s16 =	sadd.s32 s16, s29  }
0xf: {  	s23 =	sadd.s32 s20, s1;
	s24 =	sadd.s32 s29, s1;
	s15 =	sadd.s32 s31, s15  }
0x10: {  	s18 =	simm.s32 $0x80;
	s5 =	sadd.s32 s17, s25;
	s7 =	sadd.s32 $0x4000, s4  }
0x11: {  	s8 =	sadd.s32 $0x8000, s4;
	s9 =	sadd.s32 $0xC000, s4;
	s10 =	sadd.s32 $0x10000, s4  }
0x12: {  	s11 =	sshrl.u32 s11, $0x3;
	s19 =	sshrl.u32 s19, $0x3;
	s28 =	sshrl.u32 s26, $0x3  }
0x13: {  	s16 =	sshrl.u32 s16, $0x3;
	s20 =	sshrl.u32 s22, $0x3;
	s22 =	sshrl.u32 s24, $0x3  }
0x14: {  	s11 =	sadd.s32 s17, s11;
	s12 =	sadd.s32 s17, s19;
	s13 =	sadd.s32 s17, s28  }
0x15: {  	s14 =	sadd.s32 s17, s16;
	s16 =	simm.s32 $0x4080;
	s17 =	simm.s32 $0x1  }
0x16: {  	v0 =	vimm.f32 $0.0e+00;
	v1 =	vimm.f32 $1.000000000e+00;
	s19 =	sshrl.u32 s21, $0x3;
	s21 =	sshrl.u32 s23, $0x3;
	s23 =	simm.s32 $0x0  }
.LBB2_1:
0x17: {  	s24 =	simm.s32 $0x0;
	s25 =	simm.s32 $0x200  }
.LBB2_2:
0x18: {  	p0 =	sne.s32 s25, $0xFE00;
	[tilespmem:s24+$0x40F0] =	vst v0  }
0x19: {  	[tilespmem:s24+$0x4080] =	vst v0  }
0x1a: {  	[tilespmem:s24+$0x4090] =	vst v0  }
.Ltmp0:
0x1b: {  	[tilespmem:s24+$0x40A0] =	vst v0;
	(pc) =	sbr.rel @p0 .LBB2_2-.Ltmp0, $4  }
0x1c: {  	[tilespmem:s24+$0x40B0] =	vst v0  }
0x1d: {  	[tilespmem:s24+$0x40C0] =	vst v0  }
0x1e: {  	[tilespmem:s24+$0x40D0] =	vst v0  }
0x1f: {  	[tilespmem:s24+$0x40E0] =	vst v0;
	s24 =	sshra.s32 s25, $0x2;
	s25 =	sadd.s32 $0x200, s25  }
0x20: {  	[tilespmem:s24+$0x40F0] =	vst v0  }
0x21: {  	[tilespmem:s24+$0x4080] =	vst v0  }
0x22: {  	[tilespmem:s24+$0x4090] =	vst v0  }
0x23: {  	[tilespmem:s24+$0x40A0] =	vst v0  }
0x24: {  	[tilespmem:s24+$0x40B0] =	vst v0  }
0x25: {  	[tilespmem:s24+$0x40C0] =	vst v0  }
0x26: {  	[tilespmem:s24+$0x40D0] =	vst v0  }
0x27: {  	[tilespmem:s24+$0x40E0] =	vst v0;
	s24 =	simm.s32 $0x0;
	s25 =	simm.s32 $0x200  }
.LBB2_4:
0x28: {  	p0 =	sne.s32 s25, $0xFE00;
	[tilespmem:s24+$0xF0] =	vst v1  }
0x29: {  	[tilespmem:s24+$0x80] =	vst v1  }
0x2a: {  	[tilespmem:s24+$0x90] =	vst v1  }
.Ltmp1:
0x2b: {  	[tilespmem:s24+$0xA0] =	vst v1;
	(pc) =	sbr.rel @p0 .LBB2_4-.Ltmp1, $4  }
0x2c: {  	[tilespmem:s24+$0xB0] =	vst v1  }
0x2d: {  	[tilespmem:s24+$0xC0] =	vst v1  }
0x2e: {  	[tilespmem:s24+$0xD0] =	vst v1  }
0x2f: {  	[tilespmem:s24+$0xE0] =	vst v1;
	s24 =	sshra.s32 s25, $0x2;
	s25 =	sadd.s32 $0x200, s25  }
0x30: {  	[tilespmem:s24+$0xF0] =	vst v1  }
0x31: {  	[tilespmem:s24+$0x80] =	vst v1  }
0x32: {  	[tilespmem:s24+$0x90] =	vst v1  }
0x33: {  	[tilespmem:s24+$0xA0] =	vst v1  }
0x34: {  	[tilespmem:s24+$0xB0] =	vst v1  }
0x35: {  	[tilespmem:s24+$0xC0] =	vst v1  }
0x36: {  	[tilespmem:s24+$0xD0] =	vst v1  }
0x37: {  	[tilespmem:s24+$0xE0] =	vst v1  }
0x38: {  	[spmem:s4] =	stream.linear.scatter [tilespmem:s16], [sflag:$0x1], $0x4000, $0x38;
	[tilespmem:$0x1C080] =	vst v63  }
0x39: {  	_ =	swait.ge [sflag:s17], $0x4000  }
0x3a: {  	[sflag:s17] =	ssyncset.done $0x0  }
0x3b: {  	[sflag:s17] =	ssyncadd.s32 $0xFFFFC000  }
0x3c: {  	[spmem:s7] =	stream.linear.scatter [tilespmem:s16], [sflag:$0x1], $0x4000, $0x38;
	[tilespmem:$0x1C080] =	vst v63  }
0x3d: {  	_ =	swait.ge [sflag:s17], $0x4000  }
0x3e: {  	[sflag:s17] =	ssyncset.done $0x0  }
0x3f: {  	[sflag:s17] =	ssyncadd.s32 $0xFFFFC000  }
0x40: {  	[spmem:s8] =	stream.linear.scatter [tilespmem:s16], [sflag:$0x1], $0x4000, $0x38;
	[tilespmem:$0x1C080] =	vst v63  }
0x41: {  	_ =	swait.ge [sflag:s17], $0x4000  }
0x42: {  	[sflag:s17] =	ssyncset.done $0x0  }
0x43: {  	[sflag:s17] =	ssyncadd.s32 $0xFFFFC000  }
0x44: {  	[spmem:s9] =	stream.linear.scatter [tilespmem:s16], [sflag:$0x1], $0x4000, $0x38;
	[tilespmem:$0x1C080] =	vst v63  }
0x45: {  	_ =	swait.ge [sflag:s17], $0x4000  }
0x46: {  	[sflag:s17] =	ssyncset.done $0x0  }
0x47: {  	[sflag:s17] =	ssyncadd.s32 $0xFFFFC000  }
0x48: {  	[spmem:s10] =	stream.linear.scatter [tilespmem:s16], [sflag:$0x1], $0x4000, $0x38;
	[tilespmem:$0x1C080] =	vst v63  }
0x49: {  	_ =	swait.ge [sflag:s17], $0x4000  }
0x4a: {  	[sflag:s17] =	ssyncset.done $0x0  }
0x4b: {  	[sflag:s17] =	ssyncadd.s32 $0xFFFFC000  }
0x4c: {  	s31 =	sadd.s32 $0x0, s15;
	[bflag:$0x0] =	sbarrier.arrive $0xFFFF  }
0x4d: {  	[tilespmem:s3], [sflag:$0x1] =	stream.linear.gather [hbm4b:s31+s3], $0x80, $0x38;
	[tilespmem:$0x1C080] =	vst v63  }
0x4e: {  	_ =	swait.ge [sflag:s17], $0x80  }
0x4f: {  	[sflag:s17] =	ssyncset.done $0x0  }
0x50: {  	[sflag:s17] =	ssyncadd.s32 $0xFFFFFF80  }
0x51: {  	[spmem:s1] =	stream.indirect.scatter.add.f32 [tilespmem:s18], [sflag:$0x1], $0x80, s3, s18, $0xb8;
	[tilespmem:$0x1C080] =	vst v63  }
0x52: {  	_ =	swait.ge [sflag:s17], $0x4000  }
0x53: {  	s24 =	simm.s32 $0x10;
	s25 =	simm.s32 $0x20;
	[sflag:s17] =	ssyncset.done $0x0  }
.LBB2_6:
0x54: {  	s26 =	sadd.s32 s24, s15  }
0x55: {  	[sflag:s17] =	ssyncadd.s32 $0xFFFFC000;
	s24 =	smov.u32 s25;
	s28 =	sadd.s32 $0x10, s25  }
0x56: {  	[tilespmem:s3], [sflag:$0x1] =	stream.linear.gather [hbm4b:s26+s3], $0x80, $0x38;
	[tilespmem:$0x1C080] =	vst v63  }
0x57: {  	p0 =	sne.s32 s25, $0x4F0;
	_ =	swait.ge [sflag:s17], $0x80  }
.Ltmp2:
0x58: {  	[sflag:s17] =	ssyncset.done $0x0;
	(pc) =	sbr.rel @p0 .LBB2_6-.Ltmp2, $4  }
0x59: {  	[sflag:s17] =	ssyncadd.s32 $0xFFFFFF80  }
0x5a: {  	[spmem:s1] =	stream.indirect.scatter.add.f32 [tilespmem:s18], [sflag:$0x1], $0x80, s3, s18, $0xb8;
	[tilespmem:$0x1C080] =	vst v63  }
0x5b: {  	_ =	swait.ge [sflag:s17], $0x4000  }
0x5c: {  	s25 =	smov.u32 s28;
	[sflag:s17] =	ssyncset.done $0x0  }
0x5d: {  	s24 =	sadd.s32 s24, s15;
	[sflag:s17] =	ssyncadd.s32 $0xFFFFC000  }
0x5e: {  	[tilespmem:s3], [sflag:$0x1] =	stream.linear.gather [hbm4b:s24+s3], $0x80, $0x38;
	[tilespmem:$0x1C080] =	vst v63  }
0x5f: {  	_ =	swait.ge [sflag:s17], $0x80  }
0x60: {  	[sflag:s17] =	ssyncset.done $0x0  }
0x61: {  	[sflag:s17] =	ssyncadd.s32 $0xFFFFFF80  }
0x62: {  	[spmem:s1] =	stream.indirect.scatter.add.f32 [tilespmem:s18], [sflag:$0x1], $0x80, s3, s18, $0xb8;
	[tilespmem:$0x1C080] =	vst v63  }
0x63: {  	_ =	swait.ge [sflag:s17], $0x4000  }
0x64: {  	[sflag:s17] =	ssyncset.done $0x0  }
0x65: {  	s31 =	sshll.u32 s2, $0x6;
	[sflag:s17] =	ssyncadd.s32 $0xFFFFC000  }
0x66: {  	s25 =	sshrl.u32 s4, $0x3;
	s24 =	sor.u32 $0x1C01, s31;
	[bflag:$0x0] =	sbarrier.arrive $0xFFFF  }
0x67: {  	[hbm:s5], [sflag:s24] =	dma.local [spmem:s25], $0x800  }
0x68: {  	_ =	swait.ge [sflag:s17], $0x800  }
0x69: {  	[sflag:s17] =	ssyncset.done $0x0  }
0x6a: {  	[sflag:s17] =	ssyncadd.s32 $0xFFFFF800  }
0x6b: {  	[hbm:s11], [sflag:s24] =	dma.local [spmem:s19], $0x800  }
0x6c: {  	_ =	swait.ge [sflag:s17], $0x800  }
0x6d: {  	[sflag:s17] =	ssyncset.done $0x0  }
0x6e: {  	[sflag:s17] =	ssyncadd.s32 $0xFFFFF800  }
0x6f: {  	[hbm:s12], [sflag:s24] =	dma.local [spmem:s20], $0x800  }
0x70: {  	_ =	swait.ge [sflag:s17], $0x800  }
0x71: {  	[sflag:s17] =	ssyncset.done $0x0  }
0x72: {  	[sflag:s17] =	ssyncadd.s32 $0xFFFFF800  }
0x73: {  	[hbm:s13], [sflag:s24] =	dma.local [spmem:s21], $0x800  }
0x74: {  	s23 =	sadd.s32 $0x1, s23;
	_ =	swait.ge [sflag:s17], $0x800  }
0x75: {  	p0 =	sne.s32 s23, s6;
	[sflag:s17] =	ssyncset.done $0x0  }
.Ltmp3:
0x76: {  	[sflag:s17] =	ssyncadd.s32 $0xFFFFF800;
	(pc) =	sbr.rel @p0 .LBB2_1-.Ltmp3, $4  }
0x77: {  	[hbm:s14], [sflag:s24] =	dma.local [spmem:s22], $0x800  }
0x78: {  	_ =	swait.ge [sflag:s17], $0x800  }
0x79: {  	[sflag:s17] =	ssyncset.done $0x0  }
0x7a: {  	[sflag:s17] =	ssyncadd.s32 $0xFFFFF800  }
0x7b: {  	_ =	sfence.sel $0x180000  }
0x7c: {  	[bflag:$0x0] =	sbarrier.arrive $0xFFFF  }
0x7d: {  	p0 =	sne.s32 s2, $0x0;
	_ =	strace $0x90000047  }
0x7e: {  	s0 =	sadd.s32 @!p0 $0x100000, s0;
	[bflag:$0x2] =	sbarrier.arrive $0xFFFF  }
0x7f: {  	[sflag:s0] =	ssyncadd.tile.s32 @!p0 $0x1;
	_ =	shalt  }
.Lfunc_end2:
_tile_overlayer_lowered:
.L_overlay_start_2:
0x80: {  	(tag) =	ssettag $0x2  }
0x81: {  	s0 =	rddreg [dreg:$0x0];
	s2 =	stileid.u32  }
0x82: {  	s1 =	rddreg [dreg:$0x1];
	p0 =	sne.s32 s2, $0x0  }
0x83: {  	s3 =	rddreg [dreg:$0x2];
	[bflag:$0x3] =	sbarrier.arrive $0xFFFF;
	s2 =	simm.s32 @!p0 $0x1C01  }
0x84: {  	[timem:s3], [sflag:s2] =	dma.local @!p0 [hbm:s0], s1  }
0x85: {  	s0 =	simm.s32 @!p0 $0x1  }
0x86: {  	_ =	swait.ge @!p0 [sflag:s0], s1  }
0x87: {  	s1 =	ssub.s32 @!p0 $0x0, s1;
	[sflag:s0] =	ssyncset.done @!p0 $0x0  }
0x88: {  	[sflag:s0] =	ssyncadd.s32 @!p0 s1  }
0x89: {  	[bflag:$0x3] =	sbarrier.arrive $0xFFFF  }
0x8a: {  	_ =	shalt  }

// kernel: kernel.13.cloned.1.call-start
scs
__scs_entry_jumppad:
0x0: {  	(pc) =	sbr.rel $0x88, $3  }
0x1: {  	(tag) =	ssettag $0x0;
	lr =	simm.s32 $0x1  }
0x2: {  	[smem:$0x3F8E] =	sst lr;
	_ =	strace $0xD0000000  }
0x3: {  	_ = 	snop  }
0x4: {  	_ = 	snop  }
0x5: {  	_ = 	snop  }
0x6: {  	_ = 	snop  }
0x7: {  	_ = 	snop  }
__scs_overlays_trampoline_lowered:
0x8: {  	[smem:$0x3F9D] =	sst s0  }
0x9: {  	[smem:$0x3F9E] =	sst s1  }
0xa: {  	[smem:$0x3F9F] =	sst s2  }
0xb: {  	[smem:$0x3FA0] =	sst s3  }
0xc: {  	[smem:$0x3FA1] =	sst s4  }
0xd: {  	[smem:$0x3FA2] =	sst s5  }
0xe: {  	[smem:$0x3FA3] =	sst s6  }
0xf: {  	[smem:$0x3FA4] =	sst s7  }
0x10: {  	[smem:$0x3FA5] =	sst s8  }
0x11: {  	[smem:$0x3FA6] =	sst s9;
	s0 =	simm.s32 @!p0 $0x0  }
0x12: {  	s1 =	sld [smem:$0x3F8C];
	s0 =	simm.s32 @p0 $0x1  }
0x13: {  	[smem:$0x3FA7] =	sst s0;
	s0 =	simm.s32 @!p1 $0x0  }
0x14: {  	s2 =	sld [smem:$0x3F8B];
	s0 =	simm.s32 @p1 $0x1  }
0x15: {  	[smem:$0x3FA8] =	sst s0;
	s0 =	simm.s32 @!p2 $0x0  }
0x16: {  	s3 =	sld [smem:$0x3FDB];
	s0 =	simm.s32 @p2 $0x1  }
0x17: {  	s4 =	simm.s32 $0x1BF5;
	[smem:$0x3FAA] =	sst s0  }
0x18: {  	s0 =	sld [smem:$0x3F8D];
	_ =	swait.ge [sflag:s4], $0x0  }
0x19: {  	s7 =	sld [smem:$0x3F8E]  }
0x1a: {  	s8 =	sadd.s32 $0xFFFFE003, lr  }
0x1b: {  	s9 =	sadd.s32 $0xFFFFFEF7, lr;
	s5 =	simm.s32 $0xFFFFFFFF;
	p2 =	slt.u32 s8, $0xFFFFF086  }
0x1c: {  	p1 =	slt.u32 s9, $0xF7A;
	s5 =	simm.s32 @!p2 $0x0  }
0x1d: {  	s5 =	simm.s32 @p1 $0x1;
	p0 =	seq.s32 s7, s2  }
0x1e: {  	s7 =	smul.u32 @!p0 $0xF7A, s2;
	p2 =	seq.s32 @!p0 s5, $0x0  }
0x1f: {  	s9 =	smul.u32 $0xF7A, s1;
	s8 =	simm.s32 @!p0 $0x1BF5;
	p2 =	por !p2, p0  }
0x20: {  	[sflag:s8] =	ssyncset.s32 @!p0 $0xFFFFF086;
	s6 =	sadd.s32 @!p0 s3, s7;
	s7 =	simm.s32 @!p0 $0x108  }
0x21: {  	s3 =	sadd.s32 s3, s9;
	s6 =	sadd.s32 @!p0 $0x88, s6;
	s7 =	simm.s32 @p2 $0x1082  }
0x22: {  	[simem:s7], [sflag:s8] =	dma.local @!p0 [hbm:s6], $0xF7A  }
0x23: {  	s9 =	sor.u32 $0xD0000000, s2;
	s6 =	simm.s32 $0x108;
	_ =	swait.ge @!p0 [sflag:s8], $0x0  }
0x24: {  	s3 =	sadd.s32 $0x88, s3;
	s6 =	simm.s32 @!p1 $0x1082;
	[sflag:s4] =	ssyncset.s32 $0xFFFFF086  }
0x25: {  	[simem:s6], [sflag:s4] =	dma.local [hbm:s3], $0xF7A  }
0x26: {  	[smem:$0x3F8E] =	sst s1;
	(tag) =	ssettag s2;
	_ =	strace s9  }
0x27: {  	s1 =	sld [smem:$0x3F9E]  }
0x28: {  	s2 =	sld [smem:$0x3F9F]  }
0x29: {  	s4 =	sld [smem:$0x3FA1]  }
0x2a: {  	p0 =	seq.s32 s5, $0x0;
	s5 =	sld [smem:$0x3FA2]  }
0x2b: {  	s6 =	sld [smem:$0x3FA3]  }
0x2c: {  	s7 =	sld [smem:$0x3FA4]  }
0x2d: {  	s3 =	simm.s32 $0x108;
	s8 =	sld [smem:$0x3FA5]  }
0x2e: {  	s3 =	simm.s32 @!p0 $0x1082;
	s9 =	sld [smem:$0x3FA6]  }
0x2f: {  	lr =	sadd.s32 s0, s3;
	s0 =	sld [smem:$0x3F9D]  }
0x30: {  	s3 =	sld [smem:$0x3FA0]  }
0x31: {  	[smem:$0x3FA9] =	sst s10  }
0x32: {  	s10 =	sld [smem:$0x3FA7];
	_ =	sdelay $0x3  }
0x33: {  	p0 =	seq.s32 s10, $0x1;
	s10 =	sld [smem:$0x3FA9];
	_ =	sdelay $0x3  }
0x34: {  	[smem:$0x3FA9] =	sst s10  }
0x35: {  	s10 =	sld [smem:$0x3FA8];
	_ =	sdelay $0x3  }
0x36: {  	p1 =	seq.s32 s10, $0x1;
	s10 =	sld [smem:$0x3FA9];
	_ =	sdelay $0x3  }
0x37: {  	[smem:$0x3FA9] =	sst s10  }
0x38: {  	s10 =	sld [smem:$0x3FAA]  }
0x39: {  	_ = 	snop;
	(pc) =	sbr.ind lr, $3  }
0x3a: {  	_ = 	snop  }
0x3b: {  	_ = 	snop  }
0x3c: {  	p2 =	seq.s32 s10, $0x1;
	s10 =	sld [smem:$0x3FA9]  }
0x3d: {  	_ =	shalt  }
0x3e: {  	_ =	shalt  }
0x3f: {  	_ =	shalt  }
0x40: {  	_ =	shalt  }
0x41: {  	_ =	shalt  }
0x42: {  	_ =	shalt  }
0x43: {  	_ =	shalt  }
0x44: {  	_ =	shalt  }
0x45: {  	_ =	shalt  }
0x46: {  	_ =	shalt  }
0x47: {  	_ =	shalt  }
0x48: {  	_ =	shalt  }
0x49: {  	_ =	shalt  }
0x4a: {  	_ =	shalt  }
0x4b: {  	_ =	shalt  }
0x4c: {  	_ =	shalt  }
0x4d: {  	_ =	shalt  }
0x4e: {  	_ =	shalt  }
0x4f: {  	_ =	shalt  }
0x50: {  	_ =	shalt  }
0x51: {  	_ =	shalt  }
0x52: {  	_ =	shalt  }
0x53: {  	_ =	shalt  }
0x54: {  	_ =	shalt  }
0x55: {  	_ =	shalt  }
0x56: {  	_ =	shalt  }
0x57: {  	_ =	shalt  }
0x58: {  	_ =	shalt  }
0x59: {  	_ =	shalt  }
0x5a: {  	_ =	shalt  }
0x5b: {  	_ =	shalt  }
0x5c: {  	_ =	shalt  }
0x5d: {  	_ =	shalt  }
0x5e: {  	_ =	shalt  }
0x5f: {  	_ =	shalt  }
0x60: {  	_ =	shalt  }
0x61: {  	_ =	shalt  }
0x62: {  	_ =	shalt  }
0x63: {  	_ =	shalt  }
0x64: {  	_ =	shalt  }
0x65: {  	_ =	shalt  }
0x66: {  	_ =	shalt  }
0x67: {  	_ =	shalt  }
0x68: {  	_ =	shalt  }
0x69: {  	_ =	shalt  }
0x6a: {  	_ =	shalt  }
0x6b: {  	_ =	shalt  }
0x6c: {  	_ =	shalt  }
0x6d: {  	_ =	shalt  }
0x6e: {  	_ =	shalt  }
0x6f: {  	_ =	shalt  }
0x70: {  	_ =	shalt  }
0x71: {  	_ =	shalt  }
0x72: {  	_ =	shalt  }
0x73: {  	_ =	shalt  }
0x74: {  	_ =	shalt  }
0x75: {  	_ =	shalt  }
0x76: {  	_ =	shalt  }
0x77: {  	_ =	shalt  }
0x78: {  	_ =	shalt  }
0x79: {  	_ =	shalt  }
0x7a: {  	_ =	shalt  }
0x7b: {  	_ =	shalt  }
0x7c: {  	_ =	shalt  }
0x7d: {  	_ =	shalt  }
0x7e: {  	_ =	shalt  }
0x7f: {  	_ =	shalt  }
0x80: {  	_ =	shalt  }
0x81: {  	_ =	shalt  }
0x82: {  	_ =	shalt  }
0x83: {  	_ =	shalt  }
0x84: {  	_ =	shalt  }
0x85: {  	_ =	shalt  }
0x86: {  	_ =	shalt  }
0x87: {  	_ =	shalt  }
.Lfunc_end0:
.L_simem_size_0:
called_computation.1_lowered:
.L_overlay_start_0:
0x88: {  	s2 =	sld [smem:$0x3FD9]  }
0x89: {  	s3 =	sld [smem:$0x3FFE];
	_ =	sdelay $0x1  }
0x8a: {  	s1 =	srdreg.scid  }
0x8b: {  	s0 =	sand.u32 $0x1, s1  }
0x8c: {  	s17 =	sshll.u32 s0, $0xA;
	s2 =	sadd.s32 s3, s2  }
0x8d: {  	s2 =	sadd.s32 s2, s17  }
0x8e: {  	[smem:$0x3FB5] =	sst s2  }
0x8f: {  	_ = 	snop  }
0x90: {  	s2 =	sld [smem:$0x3FD0];
	(tm) =	ssettm $0x1  }
0x91: {  	s18 =	sld [smem:$0x3FFB];
	_ =	sdelay $0x3  }
0x92: {  	_ =	strace s18  }
0x93: {  	s3 =	sld [smem:$0x3FFC];
	_ =	sdelay $0x3  }
0x94: {  	_ =	strace s3  }
0x95: {  	s3 =	sld [smem:$0x3FFD];
	_ =	sdelay $0x3  }
0x96: {  	_ =	strace s3  }
0x97: {  	_ =	strace $0x8FFFFFFF  }
0x98: {  	s19 =	sld [smem:$0x3FDB];
	_ =	sdelay $0x1  }
0x99: {  	s4 =	simm.s32 $_scs_section_size  }
0x9a: {  	s5 =	simm.s32 $_size__tile_overlayer_lowered;
	s6 =	simm.s32 $_tile_overlayer_lowered  }
0x9b: {  	s22 =	simm.s32 $0x1BFF;
	s21 =	sshll.u32 s6, $0x1;
	s3 =	sadd.s32 s4, s19  }
0x9c: {  	s7 =	simm.s32 $0x0;
	s20 =	sshll.u32 s5, $0x1;
	s5 =	sadd.s32 s21, s3  }
0x9d: {  	[timem:s7], [sflag:s22] =	dma.local [hbm:s5], s20  }
0x9e: {  	_ =	swait.ge [sflag:s22], s20  }
0x9f: {  	s4 =	ssub.s32 $0x0, s20;
	[sflag:s22] =	ssyncset.done $0x0  }
0xa0: {  	[sflag:s22] =	ssyncadd.s32 s4;
	_ =	sdelay $0x1  }
0xa1: {  	s23 =	simm.s32 $0x1B8B  }
0xa2: {  	_ =	swait.ge [sflag:s23], $0x1  }
0xa3: {  	[sflag:s23] =	ssyncset.done $0x0  }
0xa4: {  	s25 =	simm.s32 $0x1B8E;
	s24 =	sld [smem:$0x3FFE];
	[sflag:s23] =	ssyncadd.s32 $0xFFFFFFFF  }
0xa5: {  	s26 =	simm.s32 $execute0_lowered;
	[smem:$0x3FD2] =	sst s25  }
0xa6: {  	s5 =	sshll.u32 s26, $0x1;
	_ =	strace $0x80000049;
	[dreg:$0x1] =	wrdreg $0xFFFFFFFF  }
0xa7: {  	s28 =	simm.s32 $_size_execute0_lowered;
	s3 =	sadd.s32 s3, s5;
	[dreg:$0x0] =	wrdreg $0x0  }
0xa8: {  	s5 =	sshll.u32 s28, $0x1;
	[dreg:$0x2] =	wrdreg s3  }
0xa9: {  	[dreg:$0x3] =	wrdreg s5  }
0xaa: {  	[dreg:$0x4] =	wrdreg $0xC0  }
0xab: {  	_ =	task [dreg:s7], $0x5FFFF  }
0xac: {  	[dreg:$0x1] =	wrdreg $0xFFFFFFFF  }
0xad: {  	[dreg:$0x0] =	wrdreg $0x60  }
0xae: {  	[dreg:$0x2] =	wrdreg s24  }
0xaf: {  	[dreg:$0x3] =	wrdreg s2  }
0xb0: {  	[dreg:$0x4] =	wrdreg $0x82000  }
0xb1: {  	[dreg:$0x5] =	wrdreg $0x9  }
0xb2: {  	_ =	task.clear_ibuf [dreg:s7], $0x6FFFF;
	_ =	strace $0x90000049  }
0xb3: {  	s29 =	simm.s32 $0x9;
	_ =	strace $0x8000004B  }
0xb4: {  	_ =	swait.ge [sflag:s29], $0x1  }
0xb5: {  	[sflag:s29] =	ssyncadd.s32 $0xFFFFFFFF  }
0xb6: {  	_ =	strace $0x9000004B  }
0xb7: {  	_ =	sfence  }
0xb8: {  	s30 =	sld [smem:$0x0];
	_ =	sdelay $0x2  }
0xb9: {  	s31 =	sshll.u32 s1, $0xD;
	s1 =	sshrl.u32 s1, $0x2  }
0xba: {  	s3 =	sand.u32 $0x4000, s31;
	s1 =	sadd.s32 s1, s30  }
0xbb: {  	s0 =	sor.u32 s3, s0;
	s1 =	sshll.u32 s1, $0x11  }
0xbc: {  	s0 =	sor.u32 s1, s0  }
0xbd: {  	s0 =	sadd.s32 $0x8F2B, s0  }
0xbe: {  	[sflag:s0] =	ssyncadd.remote.s32 $0x1  }
0xbf: {  	_ =	sfence.sel $0xFFFF  }
0xc0: {  	[dreg:$0x0] =	wrdreg $0xFFFFFFFF;
	(pc) =	sbr.abs _section_cstart, $3  }
0xc1: {  	[dreg:$0x1] =	wrdreg $0xFFFFFFFF  }
0xc2: {  	_ =	task.clear_ibuf [dreg:s7], $0x2FFFF;
	_ =	strace $0x9FFFFFFF  }
0xc3: {  	(tm) =	ssettm $0x7FFFFFFF  }
tec
execute0_lowered:
.L_overlay_start_1:
0x0: {  	(tag) =	ssettag $0x1  }
0x1: {  	s0 =	rddreg [dreg:$0x0]  }
0x2: {  	s1 =	srdreg.scid;
	s17 =	stileid.u32  }
0x3: {  	s4 =	rddreg [dreg:$0x1];
	s10 =	smul.u32 $0x14000, s17  }
0x4: {  	s2 =	rddreg [dreg:$0x2];
	s1 =	sand.u32 $0x1, s1;
	s14 =	smul.u32 $0x5000, s17  }
0x5: {  	s31 =	simm.s32 $0x200;
	s3 =	sshll.u32 s17, $0x1;
	s7 =	smul.u32 $0x140000, s1  }
0x6: {  	s3 =	sor.u32 s1, s3;
	s6 =	ssub.s32 $0x2, s1;
	s1 =	smul.u32 $0x2800, s1  }
0x7: {  	s8 =	sadd.s32 $0x54400, s0;
	s11 =	sadd.s32 $0x86400, s0;
	s5 =	smul.u32 $0x2800, s3  }
0x8: {  	s3 =	simm.s32 $0x0;
	s9 =	sshrl.u32 s6, $0x1;
	s23 =	sadd.s32 $0x4000, s10  }
0x9: {  	s26 =	sadd.s32 $0xC000, s10;
	s6 =	ssub.s32 s6, s9;
	s19 =	sadd.s32 s7, s10  }
0xa: {  	s24 =	sadd.s32 s7, s23;
	s1 =	sadd.s32 s1, s14;
	[smem:$0x7FF] =	sst s3  }
0xb: {  	s23 =	sadd.s32 s23, s2;
	s18 =	sshrl.u32 s5, $0x3;
	s20 =	sor.u32 $0x80, s5  }
0xc: {  	s5 =	sor.u32 $0x100, s5;
	s14 =	sor.u32 $0x200, s1;
	s1 =	sor.u32 $0x180, s1  }
0xd: {  	s12 =	sadd.s32 s4, s18;
	s9 =	sadd.s32 s8, s18;
	s21 =	sshrl.u32 s20, $0x3  }
0xe: {  	s5 =	sshrl.u32 s5, $0x3;
	s18 =	sadd.s32 s7, s26;
	[dreg:$0x4] =	wrdreg s12  }
0xf: {  	s1 =	sshrl.u32 s1, $0x3;
	s20 =	smul.u32 $0x50000, s17;
	[dreg:$0x5] =	wrdreg s9  }
0x10: {  	s9 =	sshrl.u32 s19, $0x3;
	s12 =	sadd.s32 s4, s21;
	s22 =	sadd.s32 s4, s5  }
0x11: {  	s5 =	sadd.s32 s8, s5;
	s19 =	sshrl.u32 s14, $0x3;
	[dreg:$0x7] =	wrdreg s12  }
0x12: {  	s17 =	sadd.s32 s1, s8;
	s9 =	sadd.s32 s11, s9;
	[dreg:$0x9] =	wrdreg s22  }
0x13: {  	[dreg:$0xa] =	wrdreg s5;
	s12 =	sshrl.u32 s24, $0x3;
	s15 =	sadd.s32 s19, s8  }
0x14: {  	s16 =	sadd.s32 s19, s4;
	s19 =	sadd.s32 $0x5E400, s0;
	s22 =	smax.u32 s6, $0x1  }
0x15: {  	s0 =	sshrl.u32 s23, $0x3;
	s5 =	simm.s32 $0x80;
	s6 =	simm.s32 $0x180  }
0x16: {  	[dreg:$0x6] =	wrdreg s9;
	s9 =	sadd.s32 s8, s21;
	s12 =	sadd.s32 s11, s12  }
0x17: {  	s21 =	sshrl.u32 s20, $0x2;
	s8 =	simm.s32 $0x4;
	[dreg:$0x8] =	wrdreg s9  }
0x18: {  	s9 =	sadd.s32 $0x8000, s10;
	[dreg:$0xb] =	wrdreg s12;
	s10 =	sadd.s32 $0x10000, s10  }
0x19: {  	s20 =	sadd.s32 s21, s2;
	s12 =	simm.s32 $0x6;
	s13 =	sadd.s32 s7, s9  }
0x1a: {  	s7 =	sadd.s32 s7, s10;
	s24 =	sadd.s32 s9, s2;
	s28 =	sadd.s32 $0x8000, s20  }
0x1b: {  	s29 =	sadd.s32 $0xC000, s20;
	s30 =	sadd.s32 $0x10000, s20;
	s9 =	simm.s32 $0x4200  }
0x1c: {  	s13 =	sshrl.u32 s13, $0x3;
	s7 =	sshrl.u32 s7, $0x3;
	s23 =	sshrl.u32 s24, $0x3  }
0x1d: {  	s25 =	sadd.s32 s11, s13;
	s13 =	sshrl.u32 s18, $0x3;
	s7 =	sadd.s32 s11, s7  }
0x1e: {  	s18 =	sadd.s32 s1, s4;
	s1 =	simm.s32 $0x7;
	[dreg:$0xc] =	wrdreg s25  }
0x1f: {  	s4 =	simm.s32 $0x3;
	s13 =	sadd.s32 s11, s13;
	[dreg:$0xe] =	wrdreg s7  }
.Ltmp0:
0x20: {  	s25 =	sadd.s32 s26, s2;
	s26 =	sadd.s32 s10, s2;
	(pc) =	sbr.rel .LBB2_1-.Ltmp0, $4  }
0x21: {  	s7 =	simm.s32 $0x1;
	s10 =	simm.s32 $0x5;
	s11 =	simm.s32 $0x2  }
0x22: {  	[dreg:$0xd] =	wrdreg s13;
	s24 =	sshrl.u32 s25, $0x3;
	s25 =	sshrl.u32 s26, $0x3  }
0x23: {  	s26 =	sadd.s32 $0x4000, s20;
	_ =	strace $0x8000004A;
	[dreg:$0xf] =	wrdreg s22  }
0x24: {  	v0 =	vimm.f32 $0.0e+00;
	s13 =	simm.s32 $0x0;
	[dreg:$0x10] =	wrdreg s0;
	s0 =	simm.s32 $0x100  }
.LBB2_6:
0x25: {  	_ =	swait.ge [sflag:s11], $0x4000  }
0x26: {  	[sflag:s11] =	ssyncset.done $0x0  }
0x27: {  	[sflag:s11] =	ssyncadd.s32 $0xFFFFC000  }
0x28: {  	[spmem:s2] =	stream.indirect.scatter.add.f32 [tilespmem:s9], [sflag:$0x6], $0x80, s6, s5, $0xb8;
	[tilespmem:$0x1C200] =	vst v63  }
0x29: {  	_ =	swait.ge [sflag:s12], $0x4000  }
0x2a: {  	[sflag:s12] =	ssyncset.done $0x0  }
0x2b: {  	s14 =	stileid.u32;
	[sflag:s12] =	ssyncadd.s32 $0xFFFFC000  }
0x2c: {  	s14 =	sshll.u32 s14, $0x6;
	[bflag:$0x0] =	sbarrier.arrive $0xFFFF  }
0x2d: {  	s21 =	sshrl.u32 s20, $0x3;
	s14 =	sor.u32 $0x1C07, s14;
	s22 =	rddreg [dreg:$0x6]  }
0x2e: {  	[hbm:s22], [sflag:s14] =	dma.local [spmem:s21], $0x800  }
0x2f: {  	_ =	swait.ge [sflag:s1], $0x800  }
0x30: {  	[sflag:s1] =	ssyncset.done $0x0;
	s21 =	rddreg [dreg:$0xb]  }
0x31: {  	s22 =	rddreg [dreg:$0x10];
	[sflag:s1] =	ssyncadd.s32 $0xFFFFF800  }
0x32: {  	[hbm:s21], [sflag:s14] =	dma.local [spmem:s22], $0x800  }
0x33: {  	_ =	swait.ge [sflag:s1], $0x800  }
0x34: {  	[sflag:s1] =	ssyncset.done $0x0  }
0x35: {  	s22 =	rddreg [dreg:$0xc];
	[sflag:s1] =	ssyncadd.s32 $0xFFFFF800  }
0x36: {  	[hbm:s22], [sflag:s14] =	dma.local [spmem:s23], $0x800  }
0x37: {  	_ =	swait.ge [sflag:s1], $0x800  }
0x38: {  	[sflag:s1] =	ssyncset.done $0x0  }
0x39: {  	s22 =	rddreg [dreg:$0xd];
	[sflag:s1] =	ssyncadd.s32 $0xFFFFF800  }
0x3a: {  	[hbm:s22], [sflag:s14] =	dma.local [spmem:s24], $0x800  }
0x3b: {  	_ =	swait.ge [sflag:s1], $0x800  }
0x3c: {  	[sflag:s1] =	ssyncset.done $0x0  }
0x3d: {  	s22 =	rddreg [dreg:$0xe];
	[sflag:s1] =	ssyncadd.s32 $0xFFFFF800  }
0x3e: {  	[hbm:s22], [sflag:s14] =	dma.local [spmem:s25], $0x800  }
0x3f: {  	_ =	swait.ge [sflag:s1], $0x800  }
0x40: {  	s13 =	sadd.s32 $0x1, s13;
	s22 =	rddreg [dreg:$0xf]  }
0x41: {  	p0 =	sne.s32 s13, s22  }
.Ltmp1:
0x42: {  	_ = 	snop;
	(pc) =	sbr.rel @!p0 .LBB2_7-.Ltmp1, $3  }
0x43: {  	_ =	sdelay $0x1  }
0x44: {  	[sflag:s1] =	ssyncset.done $0x0  }
0x45: {  	[sflag:s1] =	ssyncadd.s32 $0xFFFFF800  }
.LBB2_1:
0x46: {  	s14 =	simm.s32 $0x0;
	s21 =	simm.s32 $0x200  }
.LBB2_2:
0x47: {  	p0 =	sne.s32 s21, $0xFE00;
	[tilespmem:s14+$0x270] =	vst v0  }
0x48: {  	[tilespmem:s14+$0x200] =	vst v0  }
0x49: {  	[tilespmem:s14+$0x210] =	vst v0  }
.Ltmp2:
0x4a: {  	[tilespmem:s14+$0x220] =	vst v0;
	(pc) =	sbr.rel @p0 .LBB2_2-.Ltmp2, $4  }
0x4b: {  	[tilespmem:s14+$0x230] =	vst v0  }
0x4c: {  	[tilespmem:s14+$0x240] =	vst v0  }
0x4d: {  	[tilespmem:s14+$0x250] =	vst v0  }
0x4e: {  	[tilespmem:s14+$0x260] =	vst v0;
	s14 =	sshra.s32 s21, $0x2;
	s21 =	sadd.s32 $0x200, s21  }
0x4f: {  	[tilespmem:s14+$0x270] =	vst v0  }
0x50: {  	[tilespmem:s14+$0x200] =	vst v0  }
0x51: {  	[tilespmem:s14+$0x210] =	vst v0  }
0x52: {  	[tilespmem:s14+$0x220] =	vst v0  }
0x53: {  	[tilespmem:s14+$0x230] =	vst v0  }
0x54: {  	[tilespmem:s14+$0x240] =	vst v0  }
0x55: {  	[tilespmem:s14+$0x250] =	vst v0  }
0x56: {  	[tilespmem:s14+$0x260] =	vst v0  }
0x57: {  	[spmem:s20] =	stream.linear.scatter [tilespmem:s31], [sflag:$0x7], $0x4000, $0x38;
	[tilespmem:$0x1C200] =	vst v63  }
0x58: {  	_ =	swait.ge [sflag:s1], $0x4000  }
0x59: {  	[sflag:s1] =	ssyncset.done $0x0  }
0x5a: {  	[sflag:s1] =	ssyncadd.s32 $0xFFFFC000  }
0x5b: {  	[spmem:s26] =	stream.linear.scatter [tilespmem:s31], [sflag:$0x7], $0x4000, $0x38;
	[tilespmem:$0x1C200] =	vst v63  }
0x5c: {  	_ =	swait.ge [sflag:s1], $0x4000  }
0x5d: {  	[sflag:s1] =	ssyncset.done $0x0  }
0x5e: {  	[sflag:s1] =	ssyncadd.s32 $0xFFFFC000  }
0x5f: {  	[spmem:s28] =	stream.linear.scatter [tilespmem:s31], [sflag:$0x7], $0x4000, $0x38;
	[tilespmem:$0x1C200] =	vst v63  }
0x60: {  	_ =	swait.ge [sflag:s1], $0x4000  }
0x61: {  	[sflag:s1] =	ssyncset.done $0x0  }
0x62: {  	[sflag:s1] =	ssyncadd.s32 $0xFFFFC000  }
0x63: {  	[spmem:s29] =	stream.linear.scatter [tilespmem:s31], [sflag:$0x7], $0x4000, $0x38;
	[tilespmem:$0x1C200] =	vst v63  }
0x64: {  	_ =	swait.ge [sflag:s1], $0x4000  }
0x65: {  	[sflag:s1] =	ssyncset.done $0x0  }
0x66: {  	[sflag:s1] =	ssyncadd.s32 $0xFFFFC000  }
0x67: {  	[spmem:s30] =	stream.linear.scatter [tilespmem:s31], [sflag:$0x7], $0x4000, $0x38;
	[tilespmem:$0x1C200] =	vst v63  }
0x68: {  	_ =	swait.ge [sflag:s1], $0x4000  }
0x69: {  	[sflag:s1] =	ssyncset.done $0x0  }
0x6a: {  	[sflag:s1] =	ssyncadd.s32 $0xFFFFC000  }
0x6b: {  	[bflag:$0x0] =	sbarrier.arrive $0xFFFF  }
0x6c: {  	s14 =	simm.s32 $0x0;
	s21 =	rddreg [dreg:$0x4]  }
0x6d: {  	[tilespmem:s14], [sflag:$0x3] =	stream.linear.gather [hbm4b:s21+s14], $0x80, $0x38;
	[tilespmem:$0x1C200] =	vst v63  }
0x6e: {  	s22 =	rddreg [dreg:$0x5]  }
0x6f: {  	[tilespmem:s0], [sflag:$0x3] =	stream.linear.gather [hbm4b:s22+s14], $0x80, $0x38;
	[tilespmem:$0x1C200] =	vst v63  }
0x70: {  	_ =	swait.ge [sflag:s4], $0x80  }
0x71: {  	[sflag:s4] =	ssyncset.done $0x0  }
0x72: {  	[sflag:s4] =	ssyncadd.s32 $0xFFFFFF80  }
0x73: {  	_ =	swait.ge [sflag:s4], $0x80  }
0x74: {  	[sflag:s4] =	ssyncset.done $0x0  }
0x75: {  	[sflag:s4] =	ssyncadd.s32 $0xFFFFFF80  }
0x76: {  	[tilespmem:s31], [sflag:$0x1] =	stream.indirect.gather [hbm4b:s19+s5], $0x80, s14, s5, $0xb8;
	[tilespmem:$0x1C200] =	vst v63  }
0x77: {  	s22 =	rddreg [dreg:$0x7]  }
0x78: {  	[tilespmem:s5], [sflag:$0x4] =	stream.linear.gather [hbm4b:s22+s14], $0x80, $0x38;
	[tilespmem:$0x1C200] =	vst v63  }
0x79: {  	s22 =	rddreg [dreg:$0x8]  }
0x7a: {  	[tilespmem:s6], [sflag:$0x4] =	stream.linear.gather [hbm4b:s22+s14], $0x80, $0x38;
	[tilespmem:$0x1C200] =	vst v63  }
0x7b: {  	_ =	swait.ge [sflag:s7], $0x4000  }
0x7c: {  	[sflag:s7] =	ssyncset.done $0x0  }
0x7d: {  	[sflag:s7] =	ssyncadd.s32 $0xFFFFC000  }
0x7e: {  	[spmem:s2] =	stream.indirect.scatter.add.f32 [tilespmem:s31], [sflag:$0x5], $0x80, s0, s5, $0xb8;
	[tilespmem:$0x1C200] =	vst v63  }
0x7f: {  	_ =	swait.ge [sflag:s8], $0x80  }
0x80: {  	[sflag:s8] =	ssyncset.done $0x0  }
0x81: {  	[sflag:s8] =	ssyncadd.s32 $0xFFFFFF80  }
0x82: {  	_ =	swait.ge [sflag:s8], $0x80  }
0x83: {  	[sflag:s8] =	ssyncset.done $0x0  }
0x84: {  	[sflag:s8] =	ssyncadd.s32 $0xFFFFFF80  }
0x85: {  	[tilespmem:s9], [sflag:$0x2] =	stream.indirect.gather [hbm4b:s19+s5], $0x80, s5, s5, $0xb8;
	[tilespmem:$0x1C200] =	vst v63  }
0x86: {  	_ =	swait.ge [sflag:s10], $0x4000  }
0x87: {  	[sflag:s10] =	ssyncset.done $0x0  }
0x88: {  	s22 =	rddreg [dreg:$0x9];
	[sflag:s10] =	ssyncadd.s32 $0xFFFFC000  }
0x89: {  	[tilespmem:s14], [sflag:$0x3] =	stream.linear.gather [hbm4b:s22+s14], $0x80, $0x38;
	[tilespmem:$0x1C200] =	vst v63  }
0x8a: {  	s22 =	rddreg [dreg:$0xa]  }
0x8b: {  	[tilespmem:s0], [sflag:$0x3] =	stream.linear.gather [hbm4b:s22+s14], $0x80, $0x38;
	[tilespmem:$0x1C200] =	vst v63  }
0x8c: {  	_ =	swait.ge [sflag:s11], $0x4000  }
0x8d: {  	[sflag:s11] =	ssyncset.done $0x0  }
0x8e: {  	[sflag:s11] =	ssyncadd.s32 $0xFFFFC000  }
0x8f: {  	[spmem:s2] =	stream.indirect.scatter.add.f32 [tilespmem:s9], [sflag:$0x6], $0x80, s6, s5, $0xb8;
	[tilespmem:$0x1C200] =	vst v63  }
0x90: {  	_ =	swait.ge [sflag:s4], $0x80  }
0x91: {  	[sflag:s4] =	ssyncset.done $0x0  }
0x92: {  	[sflag:s4] =	ssyncadd.s32 $0xFFFFFF80  }
0x93: {  	_ =	swait.ge [sflag:s4], $0x80  }
0x94: {  	[sflag:s4] =	ssyncset.done $0x0  }
0x95: {  	[sflag:s4] =	ssyncadd.s32 $0xFFFFFF80  }
0x96: {  	[tilespmem:s31], [sflag:$0x1] =	stream.indirect.gather [hbm4b:s19+s5], $0x80, s14, s5, $0xb8;
	[tilespmem:$0x1C200] =	vst v63  }
.LBB2_4:
0x97: {  	_ =	swait.ge [sflag:s12], $0x4000  }
0x98: {  	[sflag:s12] =	ssyncset.done $0x0  }
0x99: {  	s21 =	sadd.s32 s14, s18;
	[sflag:s12] =	ssyncadd.s32 $0xFFFFC000  }
0x9a: {  	[tilespmem:s5], [sflag:$0x4] =	stream.linear.gather [hbm4b:s21+s3], $0x80, $0x38;
	[tilespmem:$0x1C200] =	vst v63  }
0x9b: {  	s22 =	sadd.s32 s14, s17  }
0x9c: {  	[tilespmem:s6], [sflag:$0x4] =	stream.linear.gather [hbm4b:s22+s3], $0x80, $0x38;
	[tilespmem:$0x1C200] =	vst v63  }
0x9d: {  	_ =	swait.ge [sflag:s7], $0x4000  }
0x9e: {  	[sflag:s7] =	ssyncset.done $0x0  }
0x9f: {  	[sflag:s7] =	ssyncadd.s32 $0xFFFFC000  }
0xa0: {  	[spmem:s2] =	stream.indirect.scatter.add.f32 [tilespmem:s31], [sflag:$0x5], $0x80, s0, s5, $0xb8;
	[tilespmem:$0x1C200] =	vst v63  }
0xa1: {  	_ =	swait.ge [sflag:s8], $0x80  }
0xa2: {  	[sflag:s8] =	ssyncset.done $0x0  }
0xa3: {  	[sflag:s8] =	ssyncadd.s32 $0xFFFFFF80  }
0xa4: {  	_ =	swait.ge [sflag:s8], $0x80  }
0xa5: {  	p0 =	seq.s32 s14, $0x4C0;
	[sflag:s8] =	ssyncset.done $0x0  }
.Ltmp3:
0xa6: {  	[sflag:s8] =	ssyncadd.s32 $0xFFFFFF80;
	(pc) =	sbr.rel @p0 .LBB2_6-.Ltmp3, $4  }
0xa7: {  	[tilespmem:s9], [sflag:$0x2] =	stream.indirect.gather [hbm4b:s19+s5], $0x80, s5, s5, $0xb8;
	[tilespmem:$0x1C200] =	vst v63  }
0xa8: {  	_ =	swait.ge [sflag:s10], $0x4000  }
0xa9: {  	[sflag:s10] =	ssyncset.done $0x0  }
0xaa: {  	[sflag:s10] =	ssyncadd.s32 $0xFFFFC000  }
0xab: {  	s21 =	sadd.s32 s14, s16  }
0xac: {  	[tilespmem:s3], [sflag:$0x3] =	stream.linear.gather [hbm4b:s21+s3], $0x80, $0x38;
	[tilespmem:$0x1C200] =	vst v63  }
0xad: {  	s22 =	sadd.s32 s14, s15  }
0xae: {  	[tilespmem:s0], [sflag:$0x3] =	stream.linear.gather [hbm4b:s22+s3], $0x80, $0x38;
	[tilespmem:$0x1C200] =	vst v63  }
0xaf: {  	_ =	swait.ge [sflag:s11], $0x4000  }
0xb0: {  	[sflag:s11] =	ssyncset.done $0x0  }
0xb1: {  	[sflag:s11] =	ssyncadd.s32 $0xFFFFC000  }
0xb2: {  	[spmem:s2] =	stream.indirect.scatter.add.f32 [tilespmem:s9], [sflag:$0x6], $0x80, s6, s5, $0xb8;
	[tilespmem:$0x1C200] =	vst v63  }
0xb3: {  	_ =	swait.ge [sflag:s4], $0x80  }
0xb4: {  	[sflag:s4] =	ssyncset.done $0x0  }
.Ltmp4:
0xb5: {  	[sflag:s4] =	ssyncadd.s32 $0xFFFFFF80;
	(pc) =	sbr.rel .LBB2_4-.Ltmp4, $4  }
0xb6: {  	_ =	swait.ge [sflag:s4], $0x80  }
0xb7: {  	[sflag:s4] =	ssyncset.done $0x0  }
0xb8: {  	s14 =	sadd.s32 $0x20, s14;
	[sflag:s4] =	ssyncadd.s32 $0xFFFFFF80  }
0xb9: {  	[tilespmem:s31], [sflag:$0x1] =	stream.indirect.gather [hbm4b:s19+s5], $0x80, s3, s5, $0xb8;
	[tilespmem:$0x1C200] =	vst v63  }
.LBB2_7:
0xba: {  	_ =	sfence.sel $0x180000  }
0xbb: {  	[bflag:$0x0] =	sbarrier.arrive $0xFFFF  }
0xbc: {  	_ =	strace $0x9000004A  }
0xbd: {  	s0 =	stileid.u32;
	[bflag:$0x2] =	sbarrier.arrive $0xFFFF  }
0xbe: {  	p0 =	sne.s32 s0, $0x0;
	s0 =	rddreg [dreg:$0x3]  }
0xbf: {  	s0 =	sadd.s32 @!p0 $0x100000, s0  }
0xc0: {  	[sflag:s0] =	ssyncadd.tile.s32 @!p0 $0x1;
	_ =	shalt  }
.Lfunc_end2:
_tile_overlayer_lowered:
.L_overlay_start_2:
0xc1: {  	(tag) =	ssettag $0x2  }
0xc2: {  	s0 =	rddreg [dreg:$0x0];
	s2 =	stileid.u32  }
0xc3: {  	s1 =	rddreg [dreg:$0x1];
	p0 =	sne.s32 s2, $0x0  }
0xc4: {  	s3 =	rddreg [dreg:$0x2];
	[bflag:$0x3] =	sbarrier.arrive $0xFFFF;
	s2 =	simm.s32 @!p0 $0x1C07  }
0xc5: {  	[timem:s3], [sflag:s2] =	dma.local @!p0 [hbm:s0], s1  }
0xc6: {  	s0 =	simm.s32 @!p0 $0x7  }
0xc7: {  	_ =	swait.ge @!p0 [sflag:s0], s1  }
0xc8: {  	s1 =	ssub.s32 @!p0 $0x0, s1;
	[sflag:s0] =	ssyncset.done @!p0 $0x0  }
0xc9: {  	[sflag:s0] =	ssyncadd.s32 @!p0 s1  }
0xca: {  	[bflag:$0x3] =	sbarrier.arrive $0xFFFF  }
0xcb: {  	_ =	shalt  }

// kernel: kernel.16.cloned.1.call-start
scs
__scs_entry_jumppad:
0x0: {  	(pc) =	sbr.rel $0x88, $3  }
0x1: {  	(tag) =	ssettag $0x0;
	lr =	simm.s32 $0x1  }
0x2: {  	[smem:$0x3F8E] =	sst lr;
	_ =	strace $0xD0000000  }
0x3: {  	_ = 	snop  }
0x4: {  	_ = 	snop  }
0x5: {  	_ = 	snop  }
0x6: {  	_ = 	snop  }
0x7: {  	_ = 	snop  }
__scs_overlays_trampoline_lowered:
0x8: {  	[smem:$0x3F9D] =	sst s0  }
0x9: {  	[smem:$0x3F9E] =	sst s1  }
0xa: {  	[smem:$0x3F9F] =	sst s2  }
0xb: {  	[smem:$0x3FA0] =	sst s3  }
0xc: {  	[smem:$0x3FA1] =	sst s4  }
0xd: {  	[smem:$0x3FA2] =	sst s5  }
0xe: {  	[smem:$0x3FA3] =	sst s6  }
0xf: {  	[smem:$0x3FA4] =	sst s7  }
0x10: {  	[smem:$0x3FA5] =	sst s8  }
0x11: {  	[smem:$0x3FA6] =	sst s9;
	s0 =	simm.s32 @!p0 $0x0  }
0x12: {  	s1 =	sld [smem:$0x3F8C];
	s0 =	simm.s32 @p0 $0x1  }
0x13: {  	[smem:$0x3FA7] =	sst s0;
	s0 =	simm.s32 @!p1 $0x0  }
0x14: {  	s2 =	sld [smem:$0x3F8B];
	s0 =	simm.s32 @p1 $0x1  }
0x15: {  	[smem:$0x3FA8] =	sst s0;
	s0 =	simm.s32 @!p2 $0x0  }
0x16: {  	s3 =	sld [smem:$0x3FDB];
	s0 =	simm.s32 @p2 $0x1  }
0x17: {  	s4 =	simm.s32 $0x1BF5;
	[smem:$0x3FAA] =	sst s0  }
0x18: {  	s0 =	sld [smem:$0x3F8D];
	_ =	swait.ge [sflag:s4], $0x0  }
0x19: {  	s7 =	sld [smem:$0x3F8E]  }
0x1a: {  	s8 =	sadd.s32 $0xFFFFE003, lr  }
0x1b: {  	s9 =	sadd.s32 $0xFFFFFEF7, lr;
	s5 =	simm.s32 $0xFFFFFFFF;
	p2 =	slt.u32 s8, $0xFFFFF086  }
0x1c: {  	p1 =	slt.u32 s9, $0xF7A;
	s5 =	simm.s32 @!p2 $0x0  }
0x1d: {  	s5 =	simm.s32 @p1 $0x1;
	p0 =	seq.s32 s7, s2  }
0x1e: {  	s7 =	smul.u32 @!p0 $0xF7A, s2;
	p2 =	seq.s32 @!p0 s5, $0x0  }
0x1f: {  	s9 =	smul.u32 $0xF7A, s1;
	s8 =	simm.s32 @!p0 $0x1BF5;
	p2 =	por !p2, p0  }
0x20: {  	[sflag:s8] =	ssyncset.s32 @!p0 $0xFFFFF086;
	s6 =	sadd.s32 @!p0 s3, s7;
	s7 =	simm.s32 @!p0 $0x108  }
0x21: {  	s3 =	sadd.s32 s3, s9;
	s6 =	sadd.s32 @!p0 $0x88, s6;
	s7 =	simm.s32 @p2 $0x1082  }
0x22: {  	[simem:s7], [sflag:s8] =	dma.local @!p0 [hbm:s6], $0xF7A  }
0x23: {  	s9 =	sor.u32 $0xD0000000, s2;
	s6 =	simm.s32 $0x108;
	_ =	swait.ge @!p0 [sflag:s8], $0x0  }
0x24: {  	s3 =	sadd.s32 $0x88, s3;
	s6 =	simm.s32 @!p1 $0x1082;
	[sflag:s4] =	ssyncset.s32 $0xFFFFF086  }
0x25: {  	[simem:s6], [sflag:s4] =	dma.local [hbm:s3], $0xF7A  }
0x26: {  	[smem:$0x3F8E] =	sst s1;
	(tag) =	ssettag s2;
	_ =	strace s9  }
0x27: {  	s1 =	sld [smem:$0x3F9E]  }
0x28: {  	s2 =	sld [smem:$0x3F9F]  }
0x29: {  	s4 =	sld [smem:$0x3FA1]  }
0x2a: {  	p0 =	seq.s32 s5, $0x0;
	s5 =	sld [smem:$0x3FA2]  }
0x2b: {  	s6 =	sld [smem:$0x3FA3]  }
0x2c: {  	s7 =	sld [smem:$0x3FA4]  }
0x2d: {  	s3 =	simm.s32 $0x108;
	s8 =	sld [smem:$0x3FA5]  }
0x2e: {  	s3 =	simm.s32 @!p0 $0x1082;
	s9 =	sld [smem:$0x3FA6]  }
0x2f: {  	lr =	sadd.s32 s0, s3;
	s0 =	sld [smem:$0x3F9D]  }
0x30: {  	s3 =	sld [smem:$0x3FA0]  }
0x31: {  	[smem:$0x3FA9] =	sst s10  }
0x32: {  	s10 =	sld [smem:$0x3FA7];
	_ =	sdelay $0x3  }
0x33: {  	p0 =	seq.s32 s10, $0x1;
	s10 =	sld [smem:$0x3FA9];
	_ =	sdelay $0x3  }
0x34: {  	[smem:$0x3FA9] =	sst s10  }
0x35: {  	s10 =	sld [smem:$0x3FA8];
	_ =	sdelay $0x3  }
0x36: {  	p1 =	seq.s32 s10, $0x1;
	s10 =	sld [smem:$0x3FA9];
	_ =	sdelay $0x3  }
0x37: {  	[smem:$0x3FA9] =	sst s10  }
0x38: {  	s10 =	sld [smem:$0x3FAA]  }
0x39: {  	_ = 	snop;
	(pc) =	sbr.ind lr, $3  }
0x3a: {  	_ = 	snop  }
0x3b: {  	_ = 	snop  }
0x3c: {  	p2 =	seq.s32 s10, $0x1;
	s10 =	sld [smem:$0x3FA9]  }
0x3d: {  	_ =	shalt  }
0x3e: {  	_ =	shalt  }
0x3f: {  	_ =	shalt  }
0x40: {  	_ =	shalt  }
0x41: {  	_ =	shalt  }
0x42: {  	_ =	shalt  }
0x43: {  	_ =	shalt  }
0x44: {  	_ =	shalt  }
0x45: {  	_ =	shalt  }
0x46: {  	_ =	shalt  }
0x47: {  	_ =	shalt  }
0x48: {  	_ =	shalt  }
0x49: {  	_ =	shalt  }
0x4a: {  	_ =	shalt  }
0x4b: {  	_ =	shalt  }
0x4c: {  	_ =	shalt  }
0x4d: {  	_ =	shalt  }
0x4e: {  	_ =	shalt  }
0x4f: {  	_ =	shalt  }
0x50: {  	_ =	shalt  }
0x51: {  	_ =	shalt  }
0x52: {  	_ =	shalt  }
0x53: {  	_ =	shalt  }
0x54: {  	_ =	shalt  }
0x55: {  	_ =	shalt  }
0x56: {  	_ =	shalt  }
0x57: {  	_ =	shalt  }
0x58: {  	_ =	shalt  }
0x59: {  	_ =	shalt  }
0x5a: {  	_ =	shalt  }
0x5b: {  	_ =	shalt  }
0x5c: {  	_ =	shalt  }
0x5d: {  	_ =	shalt  }
0x5e: {  	_ =	shalt  }
0x5f: {  	_ =	shalt  }
0x60: {  	_ =	shalt  }
0x61: {  	_ =	shalt  }
0x62: {  	_ =	shalt  }
0x63: {  	_ =	shalt  }
0x64: {  	_ =	shalt  }
0x65: {  	_ =	shalt  }
0x66: {  	_ =	shalt  }
0x67: {  	_ =	shalt  }
0x68: {  	_ =	shalt  }
0x69: {  	_ =	shalt  }
0x6a: {  	_ =	shalt  }
0x6b: {  	_ =	shalt  }
0x6c: {  	_ =	shalt  }
0x6d: {  	_ =	shalt  }
0x6e: {  	_ =	shalt  }
0x6f: {  	_ =	shalt  }
0x70: {  	_ =	shalt  }
0x71: {  	_ =	shalt  }
0x72: {  	_ =	shalt  }
0x73: {  	_ =	shalt  }
0x74: {  	_ =	shalt  }
0x75: {  	_ =	shalt  }
0x76: {  	_ =	shalt  }
0x77: {  	_ =	shalt  }
0x78: {  	_ =	shalt  }
0x79: {  	_ =	shalt  }
0x7a: {  	_ =	shalt  }
0x7b: {  	_ =	shalt  }
0x7c: {  	_ =	shalt  }
0x7d: {  	_ =	shalt  }
0x7e: {  	_ =	shalt  }
0x7f: {  	_ =	shalt  }
0x80: {  	_ =	shalt  }
0x81: {  	_ =	shalt  }
0x82: {  	_ =	shalt  }
0x83: {  	_ =	shalt  }
0x84: {  	_ =	shalt  }
0x85: {  	_ =	shalt  }
0x86: {  	_ =	shalt  }
0x87: {  	_ =	shalt  }
.Lfunc_end0:
.L_simem_size_0:
called_computation.2_lowered:
.L_overlay_start_0:
0x88: {  	s2 =	sld [smem:$0x3FD9]  }
0x89: {  	s3 =	sld [smem:$0x3FFE];
	_ =	sdelay $0x1  }
0x8a: {  	s1 =	srdreg.scid  }
0x8b: {  	s0 =	sand.u32 $0x1, s1  }
0x8c: {  	s17 =	sshll.u32 s0, $0xA;
	s2 =	sadd.s32 s3, s2  }
0x8d: {  	s2 =	sadd.s32 s2, s17  }
0x8e: {  	[smem:$0x3FB5] =	sst s2  }
0x8f: {  	_ = 	snop  }
0x90: {  	s2 =	sld [smem:$0x3FD0];
	(tm) =	ssettm $0x1  }
0x91: {  	s18 =	sld [smem:$0x3FFB];
	_ =	sdelay $0x3  }
0x92: {  	_ =	strace s18  }
0x93: {  	s3 =	sld [smem:$0x3FFC];
	_ =	sdelay $0x3  }
0x94: {  	_ =	strace s3  }
0x95: {  	s3 =	sld [smem:$0x3FFD];
	_ =	sdelay $0x3  }
0x96: {  	_ =	strace s3  }
0x97: {  	_ =	strace $0x8FFFFFFF  }
0x98: {  	s19 =	sld [smem:$0x3FDB];
	_ =	sdelay $0x1  }
0x99: {  	s4 =	simm.s32 $_scs_section_size  }
0x9a: {  	s5 =	simm.s32 $_size__tile_overlayer_lowered;
	s6 =	simm.s32 $_tile_overlayer_lowered  }
0x9b: {  	s22 =	simm.s32 $0x1BFF;
	s21 =	sshll.u32 s6, $0x1;
	s3 =	sadd.s32 s4, s19  }
0x9c: {  	s7 =	simm.s32 $0x0;
	s20 =	sshll.u32 s5, $0x1;
	s5 =	sadd.s32 s21, s3  }
0x9d: {  	[timem:s7], [sflag:s22] =	dma.local [hbm:s5], s20  }
0x9e: {  	_ =	swait.ge [sflag:s22], s20  }
0x9f: {  	s4 =	ssub.s32 $0x0, s20;
	[sflag:s22] =	ssyncset.done $0x0  }
0xa0: {  	[sflag:s22] =	ssyncadd.s32 s4;
	_ =	sdelay $0x1  }
0xa1: {  	s23 =	simm.s32 $0x1B8B  }
0xa2: {  	_ =	swait.ge [sflag:s23], $0x1  }
0xa3: {  	[sflag:s23] =	ssyncset.done $0x0  }
0xa4: {  	s25 =	simm.s32 $0x1B8E;
	s24 =	sld [smem:$0x3FFE];
	[sflag:s23] =	ssyncadd.s32 $0xFFFFFFFF  }
0xa5: {  	s26 =	simm.s32 $execute0_lowered;
	[smem:$0x3FD2] =	sst s25  }
0xa6: {  	s5 =	sshll.u32 s26, $0x1;
	_ =	strace $0x8000004C;
	[dreg:$0x1] =	wrdreg $0xFFFFFFFF  }
0xa7: {  	s28 =	simm.s32 $_size_execute0_lowered;
	s3 =	sadd.s32 s3, s5;
	[dreg:$0x0] =	wrdreg $0x0  }
0xa8: {  	s5 =	sshll.u32 s28, $0x1;
	[dreg:$0x2] =	wrdreg s3  }
0xa9: {  	[dreg:$0x3] =	wrdreg s5  }
0xaa: {  	[dreg:$0x4] =	wrdreg $0xC0  }
0xab: {  	_ =	task [dreg:s7], $0x5FFFF  }
0xac: {  	[dreg:$0x1] =	wrdreg $0xFFFFFFFF  }
0xad: {  	[dreg:$0x0] =	wrdreg $0x60  }
0xae: {  	[dreg:$0x2] =	wrdreg s24  }
0xaf: {  	[dreg:$0x3] =	wrdreg s2  }
0xb0: {  	[dreg:$0x4] =	wrdreg $0x82000  }
0xb1: {  	[dreg:$0x5] =	wrdreg $0x9  }
0xb2: {  	_ =	task.clear_ibuf [dreg:s7], $0x6FFFF;
	_ =	strace $0x9000004C  }
0xb3: {  	s29 =	simm.s32 $0x9;
	_ =	strace $0x8000004E  }
0xb4: {  	_ =	swait.ge [sflag:s29], $0x1  }
0xb5: {  	[sflag:s29] =	ssyncadd.s32 $0xFFFFFFFF  }
0xb6: {  	_ =	strace $0x9000004E  }
0xb7: {  	_ =	sfence  }
0xb8: {  	s30 =	sld [smem:$0x0];
	_ =	sdelay $0x2  }
0xb9: {  	s31 =	sshll.u32 s1, $0xD;
	s1 =	sshrl.u32 s1, $0x2  }
0xba: {  	s3 =	sand.u32 $0x4000, s31;
	s1 =	sadd.s32 s1, s30  }
0xbb: {  	s0 =	sor.u32 s3, s0;
	s1 =	sshll.u32 s1, $0x11  }
0xbc: {  	s0 =	sor.u32 s1, s0  }
0xbd: {  	s0 =	sadd.s32 $0x8F2B, s0  }
0xbe: {  	[sflag:s0] =	ssyncadd.remote.s32 $0x1  }
0xbf: {  	_ =	sfence.sel $0xFFFF  }
0xc0: {  	[dreg:$0x0] =	wrdreg $0xFFFFFFFF;
	(pc) =	sbr.abs _section_cstart, $3  }
0xc1: {  	[dreg:$0x1] =	wrdreg $0xFFFFFFFF  }
0xc2: {  	_ =	task.clear_ibuf [dreg:s7], $0x2FFFF;
	_ =	strace $0x9FFFFFFF  }
0xc3: {  	(tm) =	ssettm $0x7FFFFFFF  }
tec
execute0_lowered:
.L_overlay_start_1:
0x0: {  	(tag) =	ssettag $0x1  }
0x1: {  	s0 =	rddreg [dreg:$0x0]  }
0x2: {  	s1 =	srdreg.scid;
	s17 =	stileid.u32  }
0x3: {  	s4 =	rddreg [dreg:$0x1];
	s10 =	smul.u32 $0x14000, s17  }
0x4: {  	s2 =	rddreg [dreg:$0x2];
	s1 =	sand.u32 $0x1, s1;
	s14 =	smul.u32 $0x5000, s17  }
0x5: {  	s31 =	simm.s32 $0x200;
	s3 =	sshll.u32 s17, $0x1;
	s7 =	smul.u32 $0x140000, s1  }
0x6: {  	s3 =	sor.u32 s1, s3;
	s6 =	ssub.s32 $0x2, s1;
	s1 =	smul.u32 $0x2800, s1  }
0x7: {  	s8 =	sadd.s32 $0x54400, s0;
	s11 =	sadd.s32 $0x86400, s0;
	s5 =	smul.u32 $0x2800, s3  }
0x8: {  	s3 =	simm.s32 $0x0;
	s9 =	sshrl.u32 s6, $0x1;
	s23 =	sadd.s32 $0x4000, s10  }
0x9: {  	s26 =	sadd.s32 $0xC000, s10;
	s6 =	ssub.s32 s6, s9;
	s19 =	sadd.s32 s7, s10  }
0xa: {  	s24 =	sadd.s32 s7, s23;
	s1 =	sadd.s32 s1, s14;
	[smem:$0x7FF] =	sst s3  }
0xb: {  	s23 =	sadd.s32 s23, s2;
	s18 =	sshrl.u32 s5, $0x3;
	s20 =	sor.u32 $0x80, s5  }
0xc: {  	s5 =	sor.u32 $0x100, s5;
	s14 =	sor.u32 $0x200, s1;
	s1 =	sor.u32 $0x180, s1  }
0xd: {  	s12 =	sadd.s32 s4, s18;
	s9 =	sadd.s32 s8, s18;
	s21 =	sshrl.u32 s20, $0x3  }
0xe: {  	s5 =	sshrl.u32 s5, $0x3;
	s18 =	sadd.s32 s7, s26;
	[dreg:$0x4] =	wrdreg s12  }
0xf: {  	s1 =	sshrl.u32 s1, $0x3;
	s20 =	smul.u32 $0x50000, s17;
	[dreg:$0x5] =	wrdreg s9  }
0x10: {  	s9 =	sshrl.u32 s19, $0x3;
	s12 =	sadd.s32 s4, s21;
	s22 =	sadd.s32 s4, s5  }
0x11: {  	s5 =	sadd.s32 s8, s5;
	s19 =	sshrl.u32 s14, $0x3;
	[dreg:$0x7] =	wrdreg s12  }
0x12: {  	s17 =	sadd.s32 s1, s8;
	s9 =	sadd.s32 s11, s9;
	[dreg:$0x9] =	wrdreg s22  }
0x13: {  	[dreg:$0xa] =	wrdreg s5;
	s12 =	sshrl.u32 s24, $0x3;
	s15 =	sadd.s32 s19, s8  }
0x14: {  	s16 =	sadd.s32 s19, s4;
	s19 =	sadd.s32 $0x5E400, s0;
	s22 =	smax.u32 s6, $0x1  }
0x15: {  	s0 =	sshrl.u32 s23, $0x3;
	s5 =	simm.s32 $0x80;
	s6 =	simm.s32 $0x180  }
0x16: {  	[dreg:$0x6] =	wrdreg s9;
	s9 =	sadd.s32 s8, s21;
	s12 =	sadd.s32 s11, s12  }
0x17: {  	s21 =	sshrl.u32 s20, $0x2;
	s8 =	simm.s32 $0x4;
	[dreg:$0x8] =	wrdreg s9  }
0x18: {  	s9 =	sadd.s32 $0x8000, s10;
	[dreg:$0xb] =	wrdreg s12;
	s10 =	sadd.s32 $0x10000, s10  }
0x19: {  	s20 =	sadd.s32 s21, s2;
	s12 =	simm.s32 $0x6;
	s13 =	sadd.s32 s7, s9  }
0x1a: {  	s7 =	sadd.s32 s7, s10;
	s24 =	sadd.s32 s9, s2;
	s28 =	sadd.s32 $0x8000, s20  }
0x1b: {  	s29 =	sadd.s32 $0xC000, s20;
	s30 =	sadd.s32 $0x10000, s20;
	s9 =	simm.s32 $0x4200  }
0x1c: {  	s13 =	sshrl.u32 s13, $0x3;
	s7 =	sshrl.u32 s7, $0x3;
	s23 =	sshrl.u32 s24, $0x3  }
0x1d: {  	s25 =	sadd.s32 s11, s13;
	s13 =	sshrl.u32 s18, $0x3;
	s7 =	sadd.s32 s11, s7  }
0x1e: {  	s18 =	sadd.s32 s1, s4;
	s1 =	simm.s32 $0x7;
	[dreg:$0xc] =	wrdreg s25  }
0x1f: {  	s4 =	simm.s32 $0x3;
	s13 =	sadd.s32 s11, s13;
	[dreg:$0xe] =	wrdreg s7  }
.Ltmp0:
0x20: {  	s25 =	sadd.s32 s26, s2;
	s26 =	sadd.s32 s10, s2;
	(pc) =	sbr.rel .LBB2_1-.Ltmp0, $4  }
0x21: {  	s7 =	simm.s32 $0x1;
	s10 =	simm.s32 $0x5;
	s11 =	simm.s32 $0x2  }
0x22: {  	[dreg:$0xd] =	wrdreg s13;
	s24 =	sshrl.u32 s25, $0x3;
	s25 =	sshrl.u32 s26, $0x3  }
0x23: {  	s26 =	sadd.s32 $0x4000, s20;
	_ =	strace $0x8000004D;
	[dreg:$0xf] =	wrdreg s22  }
0x24: {  	v0 =	vimm.f32 $0.0e+00;
	s13 =	simm.s32 $0x0;
	[dreg:$0x10] =	wrdreg s0;
	s0 =	simm.s32 $0x100  }
.LBB2_6:
0x25: {  	_ =	swait.ge [sflag:s11], $0x4000  }
0x26: {  	[sflag:s11] =	ssyncset.done $0x0  }
0x27: {  	[sflag:s11] =	ssyncadd.s32 $0xFFFFC000  }
0x28: {  	[spmem:s2] =	stream.indirect.scatter.add.f32 [tilespmem:s9], [sflag:$0x6], $0x80, s6, s5, $0xb8;
	[tilespmem:$0x1C200] =	vst v63  }
0x29: {  	_ =	swait.ge [sflag:s12], $0x4000  }
0x2a: {  	[sflag:s12] =	ssyncset.done $0x0  }
0x2b: {  	s14 =	stileid.u32;
	[sflag:s12] =	ssyncadd.s32 $0xFFFFC000  }
0x2c: {  	s14 =	sshll.u32 s14, $0x6;
	[bflag:$0x0] =	sbarrier.arrive $0xFFFF  }
0x2d: {  	s21 =	sshrl.u32 s20, $0x3;
	s14 =	sor.u32 $0x1C07, s14;
	s22 =	rddreg [dreg:$0x6]  }
0x2e: {  	[hbm:s22], [sflag:s14] =	dma.local [spmem:s21], $0x800  }
0x2f: {  	_ =	swait.ge [sflag:s1], $0x800  }
0x30: {  	[sflag:s1] =	ssyncset.done $0x0;
	s21 =	rddreg [dreg:$0xb]  }
0x31: {  	s22 =	rddreg [dreg:$0x10];
	[sflag:s1] =	ssyncadd.s32 $0xFFFFF800  }
0x32: {  	[hbm:s21], [sflag:s14] =	dma.local [spmem:s22], $0x800  }
0x33: {  	_ =	swait.ge [sflag:s1], $0x800  }
0x34: {  	[sflag:s1] =	ssyncset.done $0x0  }
0x35: {  	s22 =	rddreg [dreg:$0xc];
	[sflag:s1] =	ssyncadd.s32 $0xFFFFF800  }
0x36: {  	[hbm:s22], [sflag:s14] =	dma.local [spmem:s23], $0x800  }
0x37: {  	_ =	swait.ge [sflag:s1], $0x800  }
0x38: {  	[sflag:s1] =	ssyncset.done $0x0  }
0x39: {  	s22 =	rddreg [dreg:$0xd];
	[sflag:s1] =	ssyncadd.s32 $0xFFFFF800  }
0x3a: {  	[hbm:s22], [sflag:s14] =	dma.local [spmem:s24], $0x800  }
0x3b: {  	_ =	swait.ge [sflag:s1], $0x800  }
0x3c: {  	[sflag:s1] =	ssyncset.done $0x0  }
0x3d: {  	s22 =	rddreg [dreg:$0xe];
	[sflag:s1] =	ssyncadd.s32 $0xFFFFF800  }
0x3e: {  	[hbm:s22], [sflag:s14] =	dma.local [spmem:s25], $0x800  }
0x3f: {  	_ =	swait.ge [sflag:s1], $0x800  }
0x40: {  	s13 =	sadd.s32 $0x1, s13;
	s22 =	rddreg [dreg:$0xf]  }
0x41: {  	p0 =	sne.s32 s13, s22  }
.Ltmp1:
0x42: {  	_ = 	snop;
	(pc) =	sbr.rel @!p0 .LBB2_7-.Ltmp1, $3  }
0x43: {  	_ =	sdelay $0x1  }
0x44: {  	[sflag:s1] =	ssyncset.done $0x0  }
0x45: {  	[sflag:s1] =	ssyncadd.s32 $0xFFFFF800  }
.LBB2_1:
0x46: {  	s14 =	simm.s32 $0x0;
	s21 =	simm.s32 $0x200  }
.LBB2_2:
0x47: {  	p0 =	sne.s32 s21, $0xFE00;
	[tilespmem:s14+$0x270] =	vst v0  }
0x48: {  	[tilespmem:s14+$0x200] =	vst v0  }
0x49: {  	[tilespmem:s14+$0x210] =	vst v0  }
.Ltmp2:
0x4a: {  	[tilespmem:s14+$0x220] =	vst v0;
	(pc) =	sbr.rel @p0 .LBB2_2-.Ltmp2, $4  }
0x4b: {  	[tilespmem:s14+$0x230] =	vst v0  }
0x4c: {  	[tilespmem:s14+$0x240] =	vst v0  }
0x4d: {  	[tilespmem:s14+$0x250] =	vst v0  }
0x4e: {  	[tilespmem:s14+$0x260] =	vst v0;
	s14 =	sshra.s32 s21, $0x2;
	s21 =	sadd.s32 $0x200, s21  }
0x4f: {  	[tilespmem:s14+$0x270] =	vst v0  }
0x50: {  	[tilespmem:s14+$0x200] =	vst v0  }
0x51: {  	[tilespmem:s14+$0x210] =	vst v0  }
0x52: {  	[tilespmem:s14+$0x220] =	vst v0  }
0x53: {  	[tilespmem:s14+$0x230] =	vst v0  }
0x54: {  	[tilespmem:s14+$0x240] =	vst v0  }
0x55: {  	[tilespmem:s14+$0x250] =	vst v0  }
0x56: {  	[tilespmem:s14+$0x260] =	vst v0  }
0x57: {  	[spmem:s20] =	stream.linear.scatter [tilespmem:s31], [sflag:$0x7], $0x4000, $0x38;
	[tilespmem:$0x1C200] =	vst v63  }
0x58: {  	_ =	swait.ge [sflag:s1], $0x4000  }
0x59: {  	[sflag:s1] =	ssyncset.done $0x0  }
0x5a: {  	[sflag:s1] =	ssyncadd.s32 $0xFFFFC000  }
0x5b: {  	[spmem:s26] =	stream.linear.scatter [tilespmem:s31], [sflag:$0x7], $0x4000, $0x38;
	[tilespmem:$0x1C200] =	vst v63  }
0x5c: {  	_ =	swait.ge [sflag:s1], $0x4000  }
0x5d: {  	[sflag:s1] =	ssyncset.done $0x0  }
0x5e: {  	[sflag:s1] =	ssyncadd.s32 $0xFFFFC000  }
0x5f: {  	[spmem:s28] =	stream.linear.scatter [tilespmem:s31], [sflag:$0x7], $0x4000, $0x38;
	[tilespmem:$0x1C200] =	vst v63  }
0x60: {  	_ =	swait.ge [sflag:s1], $0x4000  }
0x61: {  	[sflag:s1] =	ssyncset.done $0x0  }
0x62: {  	[sflag:s1] =	ssyncadd.s32 $0xFFFFC000  }
0x63: {  	[spmem:s29] =	stream.linear.scatter [tilespmem:s31], [sflag:$0x7], $0x4000, $0x38;
	[tilespmem:$0x1C200] =	vst v63  }
0x64: {  	_ =	swait.ge [sflag:s1], $0x4000  }
0x65: {  	[sflag:s1] =	ssyncset.done $0x0  }
0x66: {  	[sflag:s1] =	ssyncadd.s32 $0xFFFFC000  }
0x67: {  	[spmem:s30] =	stream.linear.scatter [tilespmem:s31], [sflag:$0x7], $0x4000, $0x38;
	[tilespmem:$0x1C200] =	vst v63  }
0x68: {  	_ =	swait.ge [sflag:s1], $0x4000  }
0x69: {  	[sflag:s1] =	ssyncset.done $0x0  }
0x6a: {  	[sflag:s1] =	ssyncadd.s32 $0xFFFFC000  }
0x6b: {  	[bflag:$0x0] =	sbarrier.arrive $0xFFFF  }
0x6c: {  	s14 =	simm.s32 $0x0;
	s21 =	rddreg [dreg:$0x4]  }
0x6d: {  	[tilespmem:s14], [sflag:$0x3] =	stream.linear.gather [hbm4b:s21+s14], $0x80, $0x38;
	[tilespmem:$0x1C200] =	vst v63  }
0x6e: {  	s22 =	rddreg [dreg:$0x5]  }
0x6f: {  	[tilespmem:s0], [sflag:$0x3] =	stream.linear.gather [hbm4b:s22+s14], $0x80, $0x38;
	[tilespmem:$0x1C200] =	vst v63  }
0x70: {  	_ =	swait.ge [sflag:s4], $0x80  }
0x71: {  	[sflag:s4] =	ssyncset.done $0x0  }
0x72: {  	[sflag:s4] =	ssyncadd.s32 $0xFFFFFF80  }
0x73: {  	_ =	swait.ge [sflag:s4], $0x80  }
0x74: {  	[sflag:s4] =	ssyncset.done $0x0  }
0x75: {  	[sflag:s4] =	ssyncadd.s32 $0xFFFFFF80  }
0x76: {  	[tilespmem:s31], [sflag:$0x1] =	stream.indirect.gather [hbm4b:s19+s5], $0x80, s14, s5, $0xb8;
	[tilespmem:$0x1C200] =	vst v63  }
0x77: {  	s22 =	rddreg [dreg:$0x7]  }
0x78: {  	[tilespmem:s5], [sflag:$0x4] =	stream.linear.gather [hbm4b:s22+s14], $0x80, $0x38;
	[tilespmem:$0x1C200] =	vst v63  }
0x79: {  	s22 =	rddreg [dreg:$0x8]  }
0x7a: {  	[tilespmem:s6], [sflag:$0x4] =	stream.linear.gather [hbm4b:s22+s14], $0x80, $0x38;
	[tilespmem:$0x1C200] =	vst v63  }
0x7b: {  	_ =	swait.ge [sflag:s7], $0x4000  }
0x7c: {  	[sflag:s7] =	ssyncset.done $0x0  }
0x7d: {  	[sflag:s7] =	ssyncadd.s32 $0xFFFFC000  }
0x7e: {  	[spmem:s2] =	stream.indirect.scatter.add.f32 [tilespmem:s31], [sflag:$0x5], $0x80, s0, s5, $0xb8;
	[tilespmem:$0x1C200] =	vst v63  }
0x7f: {  	_ =	swait.ge [sflag:s8], $0x80  }
0x80: {  	[sflag:s8] =	ssyncset.done $0x0  }
0x81: {  	[sflag:s8] =	ssyncadd.s32 $0xFFFFFF80  }
0x82: {  	_ =	swait.ge [sflag:s8], $0x80  }
0x83: {  	[sflag:s8] =	ssyncset.done $0x0  }
0x84: {  	[sflag:s8] =	ssyncadd.s32 $0xFFFFFF80  }
0x85: {  	[tilespmem:s9], [sflag:$0x2] =	stream.indirect.gather [hbm4b:s19+s5], $0x80, s5, s5, $0xb8;
	[tilespmem:$0x1C200] =	vst v63  }
0x86: {  	_ =	swait.ge [sflag:s10], $0x4000  }
0x87: {  	[sflag:s10] =	ssyncset.done $0x0  }
0x88: {  	s22 =	rddreg [dreg:$0x9];
	[sflag:s10] =	ssyncadd.s32 $0xFFFFC000  }
0x89: {  	[tilespmem:s14], [sflag:$0x3] =	stream.linear.gather [hbm4b:s22+s14], $0x80, $0x38;
	[tilespmem:$0x1C200] =	vst v63  }
0x8a: {  	s22 =	rddreg [dreg:$0xa]  }
0x8b: {  	[tilespmem:s0], [sflag:$0x3] =	stream.linear.gather [hbm4b:s22+s14], $0x80, $0x38;
	[tilespmem:$0x1C200] =	vst v63  }
0x8c: {  	_ =	swait.ge [sflag:s11], $0x4000  }
0x8d: {  	[sflag:s11] =	ssyncset.done $0x0  }
0x8e: {  	[sflag:s11] =	ssyncadd.s32 $0xFFFFC000  }
0x8f: {  	[spmem:s2] =	stream.indirect.scatter.add.f32 [tilespmem:s9], [sflag:$0x6], $0x80, s6, s5, $0xb8;
	[tilespmem:$0x1C200] =	vst v63  }
0x90: {  	_ =	swait.ge [sflag:s4], $0x80  }
0x91: {  	[sflag:s4] =	ssyncset.done $0x0  }
0x92: {  	[sflag:s4] =	ssyncadd.s32 $0xFFFFFF80  }
0x93: {  	_ =	swait.ge [sflag:s4], $0x80  }
0x94: {  	[sflag:s4] =	ssyncset.done $0x0  }
0x95: {  	[sflag:s4] =	ssyncadd.s32 $0xFFFFFF80  }
0x96: {  	[tilespmem:s31], [sflag:$0x1] =	stream.indirect.gather [hbm4b:s19+s5], $0x80, s14, s5, $0xb8;
	[tilespmem:$0x1C200] =	vst v63  }
.LBB2_4:
0x97: {  	_ =	swait.ge [sflag:s12], $0x4000  }
0x98: {  	[sflag:s12] =	ssyncset.done $0x0  }
0x99: {  	s21 =	sadd.s32 s14, s18;
	[sflag:s12] =	ssyncadd.s32 $0xFFFFC000  }
0x9a: {  	[tilespmem:s5], [sflag:$0x4] =	stream.linear.gather [hbm4b:s21+s3], $0x80, $0x38;
	[tilespmem:$0x1C200] =	vst v63  }
0x9b: {  	s22 =	sadd.s32 s14, s17  }
0x9c: {  	[tilespmem:s6], [sflag:$0x4] =	stream.linear.gather [hbm4b:s22+s3], $0x80, $0x38;
	[tilespmem:$0x1C200] =	vst v63  }
0x9d: {  	_ =	swait.ge [sflag:s7], $0x4000  }
0x9e: {  	[sflag:s7] =	ssyncset.done $0x0  }
0x9f: {  	[sflag:s7] =	ssyncadd.s32 $0xFFFFC000  }
0xa0: {  	[spmem:s2] =	stream.indirect.scatter.add.f32 [tilespmem:s31], [sflag:$0x5], $0x80, s0, s5, $0xb8;
	[tilespmem:$0x1C200] =	vst v63  }
0xa1: {  	_ =	swait.ge [sflag:s8], $0x80  }
0xa2: {  	[sflag:s8] =	ssyncset.done $0x0  }
0xa3: {  	[sflag:s8] =	ssyncadd.s32 $0xFFFFFF80  }
0xa4: {  	_ =	swait.ge [sflag:s8], $0x80  }
0xa5: {  	p0 =	seq.s32 s14, $0x4C0;
	[sflag:s8] =	ssyncset.done $0x0  }
.Ltmp3:
0xa6: {  	[sflag:s8] =	ssyncadd.s32 $0xFFFFFF80;
	(pc) =	sbr.rel @p0 .LBB2_6-.Ltmp3, $4  }
0xa7: {  	[tilespmem:s9], [sflag:$0x2] =	stream.indirect.gather [hbm4b:s19+s5], $0x80, s5, s5, $0xb8;
	[tilespmem:$0x1C200] =	vst v63  }
0xa8: {  	_ =	swait.ge [sflag:s10], $0x4000  }
0xa9: {  	[sflag:s10] =	ssyncset.done $0x0  }
0xaa: {  	[sflag:s10] =	ssyncadd.s32 $0xFFFFC000  }
0xab: {  	s21 =	sadd.s32 s14, s16  }
0xac: {  	[tilespmem:s3], [sflag:$0x3] =	stream.linear.gather [hbm4b:s21+s3], $0x80, $0x38;
	[tilespmem:$0x1C200] =	vst v63  }
0xad: {  	s22 =	sadd.s32 s14, s15  }
0xae: {  	[tilespmem:s0], [sflag:$0x3] =	stream.linear.gather [hbm4b:s22+s3], $0x80, $0x38;
	[tilespmem:$0x1C200] =	vst v63  }
0xaf: {  	_ =	swait.ge [sflag:s11], $0x4000  }
0xb0: {  	[sflag:s11] =	ssyncset.done $0x0  }
0xb1: {  	[sflag:s11] =	ssyncadd.s32 $0xFFFFC000  }
0xb2: {  	[spmem:s2] =	stream.indirect.scatter.add.f32 [tilespmem:s9], [sflag:$0x6], $0x80, s6, s5, $0xb8;
	[tilespmem:$0x1C200] =	vst v63  }
0xb3: {  	_ =	swait.ge [sflag:s4], $0x80  }
0xb4: {  	[sflag:s4] =	ssyncset.done $0x0  }
.Ltmp4:
0xb5: {  	[sflag:s4] =	ssyncadd.s32 $0xFFFFFF80;
	(pc) =	sbr.rel .LBB2_4-.Ltmp4, $4  }
0xb6: {  	_ =	swait.ge [sflag:s4], $0x80  }
0xb7: {  	[sflag:s4] =	ssyncset.done $0x0  }
0xb8: {  	s14 =	sadd.s32 $0x20, s14;
	[sflag:s4] =	ssyncadd.s32 $0xFFFFFF80  }
0xb9: {  	[tilespmem:s31], [sflag:$0x1] =	stream.indirect.gather [hbm4b:s19+s5], $0x80, s3, s5, $0xb8;
	[tilespmem:$0x1C200] =	vst v63  }
.LBB2_7:
0xba: {  	_ =	sfence.sel $0x180000  }
0xbb: {  	[bflag:$0x0] =	sbarrier.arrive $0xFFFF  }
0xbc: {  	_ =	strace $0x9000004D  }
0xbd: {  	s0 =	stileid.u32;
	[bflag:$0x2] =	sbarrier.arrive $0xFFFF  }
0xbe: {  	p0 =	sne.s32 s0, $0x0;
	s0 =	rddreg [dreg:$0x3]  }
0xbf: {  	s0 =	sadd.s32 @!p0 $0x100000, s0  }
0xc0: {  	[sflag:s0] =	ssyncadd.tile.s32 @!p0 $0x1;
	_ =	shalt  }
.Lfunc_end2:
_tile_overlayer_lowered:
.L_overlay_start_2:
0xc1: {  	(tag) =	ssettag $0x2  }
0xc2: {  	s0 =	rddreg [dreg:$0x0];
	s2 =	stileid.u32  }
0xc3: {  	s1 =	rddreg [dreg:$0x1];
	p0 =	sne.s32 s2, $0x0  }
0xc4: {  	s3 =	rddreg [dreg:$0x2];
	[bflag:$0x3] =	sbarrier.arrive $0xFFFF;
	s2 =	simm.s32 @!p0 $0x1C07  }
0xc5: {  	[timem:s3], [sflag:s2] =	dma.local @!p0 [hbm:s0], s1  }
0xc6: {  	s0 =	simm.s32 @!p0 $0x7  }
0xc7: {  	_ =	swait.ge @!p0 [sflag:s0], s1  }
0xc8: {  	s1 =	ssub.s32 @!p0 $0x0, s1;
	[sflag:s0] =	ssyncset.done @!p0 $0x0  }
0xc9: {  	[sflag:s0] =	ssyncadd.s32 @!p0 s1  }
0xca: {  	[bflag:$0x3] =	sbarrier.arrive $0xFFFF  }
0xcb: {  	_ =	shalt  }

// kernel: kernel.19.cloned.1.call-start
scs
__scs_entry_jumppad:
0x0: {  	(pc) =	sbr.rel $0x88, $3  }
0x1: {  	(tag) =	ssettag $0x0;
	lr =	simm.s32 $0x1  }
0x2: {  	[smem:$0x3F8E] =	sst lr;
	_ =	strace $0xD0000000  }
0x3: {  	_ = 	snop  }
0x4: {  	_ = 	snop  }
0x5: {  	_ = 	snop  }
0x6: {  	_ = 	snop  }
0x7: {  	_ = 	snop  }
__scs_overlays_trampoline_lowered:
0x8: {  	[smem:$0x3F9D] =	sst s0  }
0x9: {  	[smem:$0x3F9E] =	sst s1  }
0xa: {  	[smem:$0x3F9F] =	sst s2  }
0xb: {  	[smem:$0x3FA0] =	sst s3  }
0xc: {  	[smem:$0x3FA1] =	sst s4  }
0xd: {  	[smem:$0x3FA2] =	sst s5  }
0xe: {  	[smem:$0x3FA3] =	sst s6  }
0xf: {  	[smem:$0x3FA4] =	sst s7  }
0x10: {  	[smem:$0x3FA5] =	sst s8  }
0x11: {  	[smem:$0x3FA6] =	sst s9;
	s0 =	simm.s32 @!p0 $0x0  }
0x12: {  	s1 =	sld [smem:$0x3F8C];
	s0 =	simm.s32 @p0 $0x1  }
0x13: {  	[smem:$0x3FA7] =	sst s0;
	s0 =	simm.s32 @!p1 $0x0  }
0x14: {  	s2 =	sld [smem:$0x3F8B];
	s0 =	simm.s32 @p1 $0x1  }
0x15: {  	[smem:$0x3FA8] =	sst s0;
	s0 =	simm.s32 @!p2 $0x0  }
0x16: {  	s3 =	sld [smem:$0x3FDB];
	s0 =	simm.s32 @p2 $0x1  }
0x17: {  	s4 =	simm.s32 $0x1BF5;
	[smem:$0x3FAA] =	sst s0  }
0x18: {  	s0 =	sld [smem:$0x3F8D];
	_ =	swait.ge [sflag:s4], $0x0  }
0x19: {  	s7 =	sld [smem:$0x3F8E]  }
0x1a: {  	s8 =	sadd.s32 $0xFFFFE003, lr  }
0x1b: {  	s9 =	sadd.s32 $0xFFFFFEF7, lr;
	s5 =	simm.s32 $0xFFFFFFFF;
	p2 =	slt.u32 s8, $0xFFFFF086  }
0x1c: {  	p1 =	slt.u32 s9, $0xF7A;
	s5 =	simm.s32 @!p2 $0x0  }
0x1d: {  	s5 =	simm.s32 @p1 $0x1;
	p0 =	seq.s32 s7, s2  }
0x1e: {  	s7 =	smul.u32 @!p0 $0xF7A, s2;
	p2 =	seq.s32 @!p0 s5, $0x0  }
0x1f: {  	s9 =	smul.u32 $0xF7A, s1;
	s8 =	simm.s32 @!p0 $0x1BF5;
	p2 =	por !p2, p0  }
0x20: {  	[sflag:s8] =	ssyncset.s32 @!p0 $0xFFFFF086;
	s6 =	sadd.s32 @!p0 s3, s7;
	s7 =	simm.s32 @!p0 $0x108  }
0x21: {  	s3 =	sadd.s32 s3, s9;
	s6 =	sadd.s32 @!p0 $0x88, s6;
	s7 =	simm.s32 @p2 $0x1082  }
0x22: {  	[simem:s7], [sflag:s8] =	dma.local @!p0 [hbm:s6], $0xF7A  }
0x23: {  	s9 =	sor.u32 $0xD0000000, s2;
	s6 =	simm.s32 $0x108;
	_ =	swait.ge @!p0 [sflag:s8], $0x0  }
0x24: {  	s3 =	sadd.s32 $0x88, s3;
	s6 =	simm.s32 @!p1 $0x1082;
	[sflag:s4] =	ssyncset.s32 $0xFFFFF086  }
0x25: {  	[simem:s6], [sflag:s4] =	dma.local [hbm:s3], $0xF7A  }
0x26: {  	[smem:$0x3F8E] =	sst s1;
	(tag) =	ssettag s2;
	_ =	strace s9  }
0x27: {  	s1 =	sld [smem:$0x3F9E]  }
0x28: {  	s2 =	sld [smem:$0x3F9F]  }
0x29: {  	s4 =	sld [smem:$0x3FA1]  }
0x2a: {  	p0 =	seq.s32 s5, $0x0;
	s5 =	sld [smem:$0x3FA2]  }
0x2b: {  	s6 =	sld [smem:$0x3FA3]  }
0x2c: {  	s7 =	sld [smem:$0x3FA4]  }
0x2d: {  	s3 =	simm.s32 $0x108;
	s8 =	sld [smem:$0x3FA5]  }
0x2e: {  	s3 =	simm.s32 @!p0 $0x1082;
	s9 =	sld [smem:$0x3FA6]  }
0x2f: {  	lr =	sadd.s32 s0, s3;
	s0 =	sld [smem:$0x3F9D]  }
0x30: {  	s3 =	sld [smem:$0x3FA0]  }
0x31: {  	[smem:$0x3FA9] =	sst s10  }
0x32: {  	s10 =	sld [smem:$0x3FA7];
	_ =	sdelay $0x3  }
0x33: {  	p0 =	seq.s32 s10, $0x1;
	s10 =	sld [smem:$0x3FA9];
	_ =	sdelay $0x3  }
0x34: {  	[smem:$0x3FA9] =	sst s10  }
0x35: {  	s10 =	sld [smem:$0x3FA8];
	_ =	sdelay $0x3  }
0x36: {  	p1 =	seq.s32 s10, $0x1;
	s10 =	sld [smem:$0x3FA9];
	_ =	sdelay $0x3  }
0x37: {  	[smem:$0x3FA9] =	sst s10  }
0x38: {  	s10 =	sld [smem:$0x3FAA]  }
0x39: {  	_ = 	snop;
	(pc) =	sbr.ind lr, $3  }
0x3a: {  	_ = 	snop  }
0x3b: {  	_ = 	snop  }
0x3c: {  	p2 =	seq.s32 s10, $0x1;
	s10 =	sld [smem:$0x3FA9]  }
0x3d: {  	_ =	shalt  }
0x3e: {  	_ =	shalt  }
0x3f: {  	_ =	shalt  }
0x40: {  	_ =	shalt  }
0x41: {  	_ =	shalt  }
0x42: {  	_ =	shalt  }
0x43: {  	_ =	shalt  }
0x44: {  	_ =	shalt  }
0x45: {  	_ =	shalt  }
0x46: {  	_ =	shalt  }
0x47: {  	_ =	shalt  }
0x48: {  	_ =	shalt  }
0x49: {  	_ =	shalt  }
0x4a: {  	_ =	shalt  }
0x4b: {  	_ =	shalt  }
0x4c: {  	_ =	shalt  }
0x4d: {  	_ =	shalt  }
0x4e: {  	_ =	shalt  }
0x4f: {  	_ =	shalt  }
0x50: {  	_ =	shalt  }
0x51: {  	_ =	shalt  }
0x52: {  	_ =	shalt  }
0x53: {  	_ =	shalt  }
0x54: {  	_ =	shalt  }
0x55: {  	_ =	shalt  }
0x56: {  	_ =	shalt  }
0x57: {  	_ =	shalt  }
0x58: {  	_ =	shalt  }
0x59: {  	_ =	shalt  }
0x5a: {  	_ =	shalt  }
0x5b: {  	_ =	shalt  }
0x5c: {  	_ =	shalt  }
0x5d: {  	_ =	shalt  }
0x5e: {  	_ =	shalt  }
0x5f: {  	_ =	shalt  }
0x60: {  	_ =	shalt  }
0x61: {  	_ =	shalt  }
0x62: {  	_ =	shalt  }
0x63: {  	_ =	shalt  }
0x64: {  	_ =	shalt  }
0x65: {  	_ =	shalt  }
0x66: {  	_ =	shalt  }
0x67: {  	_ =	shalt  }
0x68: {  	_ =	shalt  }
0x69: {  	_ =	shalt  }
0x6a: {  	_ =	shalt  }
0x6b: {  	_ =	shalt  }
0x6c: {  	_ =	shalt  }
0x6d: {  	_ =	shalt  }
0x6e: {  	_ =	shalt  }
0x6f: {  	_ =	shalt  }
0x70: {  	_ =	shalt  }
0x71: {  	_ =	shalt  }
0x72: {  	_ =	shalt  }
0x73: {  	_ =	shalt  }
0x74: {  	_ =	shalt  }
0x75: {  	_ =	shalt  }
0x76: {  	_ =	shalt  }
0x77: {  	_ =	shalt  }
0x78: {  	_ =	shalt  }
0x79: {  	_ =	shalt  }
0x7a: {  	_ =	shalt  }
0x7b: {  	_ =	shalt  }
0x7c: {  	_ =	shalt  }
0x7d: {  	_ =	shalt  }
0x7e: {  	_ =	shalt  }
0x7f: {  	_ =	shalt  }
0x80: {  	_ =	shalt  }
0x81: {  	_ =	shalt  }
0x82: {  	_ =	shalt  }
0x83: {  	_ =	shalt  }
0x84: {  	_ =	shalt  }
0x85: {  	_ =	shalt  }
0x86: {  	_ =	shalt  }
0x87: {  	_ =	shalt  }
.Lfunc_end0:
.L_simem_size_0:
called_computation.3_lowered:
.L_overlay_start_0:
0x88: {  	s2 =	sld [smem:$0x3FD9]  }
0x89: {  	s3 =	sld [smem:$0x3FFE];
	_ =	sdelay $0x1  }
0x8a: {  	s1 =	srdreg.scid  }
0x8b: {  	s0 =	sand.u32 $0x1, s1  }
0x8c: {  	s17 =	sshll.u32 s0, $0xA;
	s2 =	sadd.s32 s3, s2  }
0x8d: {  	s2 =	sadd.s32 s2, s17  }
0x8e: {  	[smem:$0x3FB5] =	sst s2  }
0x8f: {  	_ = 	snop  }
0x90: {  	s2 =	sld [smem:$0x3FD0];
	(tm) =	ssettm $0x1  }
0x91: {  	s18 =	sld [smem:$0x3FFB];
	_ =	sdelay $0x3  }
0x92: {  	_ =	strace s18  }
0x93: {  	s3 =	sld [smem:$0x3FFC];
	_ =	sdelay $0x3  }
0x94: {  	_ =	strace s3  }
0x95: {  	s3 =	sld [smem:$0x3FFD];
	_ =	sdelay $0x3  }
0x96: {  	_ =	strace s3  }
0x97: {  	_ =	strace $0x8FFFFFFF  }
0x98: {  	s19 =	sld [smem:$0x3FDB];
	_ =	sdelay $0x1  }
0x99: {  	s4 =	simm.s32 $_scs_section_size  }
0x9a: {  	s5 =	simm.s32 $_size__tile_overlayer_lowered;
	s6 =	simm.s32 $_tile_overlayer_lowered  }
0x9b: {  	s22 =	simm.s32 $0x1BFF;
	s21 =	sshll.u32 s6, $0x1;
	s3 =	sadd.s32 s4, s19  }
0x9c: {  	s7 =	simm.s32 $0x0;
	s20 =	sshll.u32 s5, $0x1;
	s5 =	sadd.s32 s21, s3  }
0x9d: {  	[timem:s7], [sflag:s22] =	dma.local [hbm:s5], s20  }
0x9e: {  	_ =	swait.ge [sflag:s22], s20  }
0x9f: {  	s4 =	ssub.s32 $0x0, s20;
	[sflag:s22] =	ssyncset.done $0x0  }
0xa0: {  	[sflag:s22] =	ssyncadd.s32 s4;
	_ =	sdelay $0x1  }
0xa1: {  	s23 =	simm.s32 $0x1B8B  }
0xa2: {  	_ =	swait.ge [sflag:s23], $0x1  }
0xa3: {  	[sflag:s23] =	ssyncset.done $0x0  }
0xa4: {  	s25 =	simm.s32 $0x1B8E;
	s24 =	sld [smem:$0x3FFE];
	[sflag:s23] =	ssyncadd.s32 $0xFFFFFFFF  }
0xa5: {  	s26 =	simm.s32 $execute0_lowered;
	[smem:$0x3FD2] =	sst s25  }
0xa6: {  	s5 =	sshll.u32 s26, $0x1;
	_ =	strace $0x8000004F;
	[dreg:$0x1] =	wrdreg $0xFFFFFFFF  }
0xa7: {  	s28 =	simm.s32 $_size_execute0_lowered;
	s3 =	sadd.s32 s3, s5;
	[dreg:$0x0] =	wrdreg $0x0  }
0xa8: {  	s5 =	sshll.u32 s28, $0x1;
	[dreg:$0x2] =	wrdreg s3  }
0xa9: {  	[dreg:$0x3] =	wrdreg s5  }
0xaa: {  	[dreg:$0x4] =	wrdreg $0xC0  }
0xab: {  	_ =	task [dreg:s7], $0x5FFFF  }
0xac: {  	[dreg:$0x1] =	wrdreg $0xFFFFFFFF  }
0xad: {  	[dreg:$0x0] =	wrdreg $0x60  }
0xae: {  	[dreg:$0x2] =	wrdreg s24  }
0xaf: {  	[dreg:$0x3] =	wrdreg s2  }
0xb0: {  	[dreg:$0x4] =	wrdreg $0x82000  }
0xb1: {  	[dreg:$0x5] =	wrdreg $0x9  }
0xb2: {  	_ =	task.clear_ibuf [dreg:s7], $0x6FFFF;
	_ =	strace $0x9000004F  }
0xb3: {  	s29 =	simm.s32 $0x9;
	_ =	strace $0x80000051  }
0xb4: {  	_ =	swait.ge [sflag:s29], $0x1  }
0xb5: {  	[sflag:s29] =	ssyncadd.s32 $0xFFFFFFFF  }
0xb6: {  	_ =	strace $0x90000051  }
0xb7: {  	_ =	sfence  }
0xb8: {  	s30 =	sld [smem:$0x0];
	_ =	sdelay $0x2  }
0xb9: {  	s31 =	sshll.u32 s1, $0xD;
	s1 =	sshrl.u32 s1, $0x2  }
0xba: {  	s3 =	sand.u32 $0x4000, s31;
	s1 =	sadd.s32 s1, s30  }
0xbb: {  	s0 =	sor.u32 s3, s0;
	s1 =	sshll.u32 s1, $0x11  }
0xbc: {  	s0 =	sor.u32 s1, s0  }
0xbd: {  	s0 =	sadd.s32 $0x8F2B, s0  }
0xbe: {  	[sflag:s0] =	ssyncadd.remote.s32 $0x1  }
0xbf: {  	_ =	sfence.sel $0xFFFF  }
0xc0: {  	[dreg:$0x0] =	wrdreg $0xFFFFFFFF;
	(pc) =	sbr.abs _section_cstart, $3  }
0xc1: {  	[dreg:$0x1] =	wrdreg $0xFFFFFFFF  }
0xc2: {  	_ =	task.clear_ibuf [dreg:s7], $0x2FFFF;
	_ =	strace $0x9FFFFFFF  }
0xc3: {  	(tm) =	ssettm $0x7FFFFFFF  }
tec
execute0_lowered:
.L_overlay_start_1:
0x0: {  	(tag) =	ssettag $0x1  }
0x1: {  	s0 =	rddreg [dreg:$0x0]  }
0x2: {  	s1 =	srdreg.scid;
	s17 =	stileid.u32  }
0x3: {  	s4 =	rddreg [dreg:$0x1];
	s10 =	smul.u32 $0x14000, s17  }
0x4: {  	s2 =	rddreg [dreg:$0x2];
	s1 =	sand.u32 $0x1, s1;
	s14 =	smul.u32 $0x5000, s17  }
0x5: {  	s31 =	simm.s32 $0x200;
	s3 =	sshll.u32 s17, $0x1;
	s7 =	smul.u32 $0x140000, s1  }
0x6: {  	s3 =	sor.u32 s1, s3;
	s6 =	ssub.s32 $0x2, s1;
	s1 =	smul.u32 $0x2800, s1  }
0x7: {  	s8 =	sadd.s32 $0x54400, s0;
	s11 =	sadd.s32 $0x5E400, s0;
	s5 =	smul.u32 $0x2800, s3  }
0x8: {  	s3 =	simm.s32 $0x0;
	s9 =	sshrl.u32 s6, $0x1;
	s23 =	sadd.s32 $0x4000, s10  }
0x9: {  	s26 =	sadd.s32 $0xC000, s10;
	s6 =	ssub.s32 s6, s9;
	s19 =	sadd.s32 s7, s10  }
0xa: {  	s24 =	sadd.s32 s7, s23;
	s1 =	sadd.s32 s1, s14;
	[smem:$0x7FF] =	sst s3  }
0xb: {  	s23 =	sadd.s32 s23, s2;
	s18 =	sshrl.u32 s5, $0x3;
	s20 =	sor.u32 $0x80, s5  }
0xc: {  	s5 =	sor.u32 $0x100, s5;
	s14 =	sor.u32 $0x200, s1;
	s1 =	sor.u32 $0x180, s1  }
0xd: {  	s12 =	sadd.s32 s4, s18;
	s9 =	sadd.s32 s8, s18;
	s21 =	sshrl.u32 s20, $0x3  }
0xe: {  	s5 =	sshrl.u32 s5, $0x3;
	s18 =	sadd.s32 s7, s26;
	[dreg:$0x4] =	wrdreg s12  }
0xf: {  	s1 =	sshrl.u32 s1, $0x3;
	s20 =	smul.u32 $0x50000, s17;
	[dreg:$0x5] =	wrdreg s9  }
0x10: {  	s9 =	sshrl.u32 s19, $0x3;
	s12 =	sadd.s32 s4, s21;
	s22 =	sadd.s32 s4, s5  }
0x11: {  	s5 =	sadd.s32 s8, s5;
	s19 =	sshrl.u32 s14, $0x3;
	[dreg:$0x7] =	wrdreg s12  }
0x12: {  	s17 =	sadd.s32 s1, s8;
	s9 =	sadd.s32 s11, s9;
	[dreg:$0x9] =	wrdreg s22  }
0x13: {  	[dreg:$0xa] =	wrdreg s5;
	s12 =	sshrl.u32 s24, $0x3;
	s15 =	sadd.s32 s19, s8  }
0x14: {  	s16 =	sadd.s32 s19, s4;
	s19 =	sadd.s32 $0x4400, s0;
	s22 =	smax.u32 s6, $0x1  }
0x15: {  	s0 =	sshrl.u32 s23, $0x3;
	s5 =	simm.s32 $0x80;
	s6 =	simm.s32 $0x180  }
0x16: {  	[dreg:$0x6] =	wrdreg s9;
	s9 =	sadd.s32 s8, s21;
	s12 =	sadd.s32 s11, s12  }
0x17: {  	s21 =	sshrl.u32 s20, $0x2;
	s8 =	simm.s32 $0x4;
	[dreg:$0x8] =	wrdreg s9  }
0x18: {  	s9 =	sadd.s32 $0x8000, s10;
	[dreg:$0xb] =	wrdreg s12;
	s10 =	sadd.s32 $0x10000, s10  }
0x19: {  	s20 =	sadd.s32 s21, s2;
	s12 =	simm.s32 $0x6;
	s13 =	sadd.s32 s7, s9  }
0x1a: {  	s7 =	sadd.s32 s7, s10;
	s24 =	sadd.s32 s9, s2;
	s28 =	sadd.s32 $0x8000, s20  }
0x1b: {  	s29 =	sadd.s32 $0xC000, s20;
	s30 =	sadd.s32 $0x10000, s20;
	s9 =	simm.s32 $0x4200  }
0x1c: {  	s13 =	sshrl.u32 s13, $0x3;
	s7 =	sshrl.u32 s7, $0x3;
	s23 =	sshrl.u32 s24, $0x3  }
0x1d: {  	s25 =	sadd.s32 s11, s13;
	s13 =	sshrl.u32 s18, $0x3;
	s7 =	sadd.s32 s11, s7  }
0x1e: {  	s18 =	sadd.s32 s1, s4;
	s1 =	simm.s32 $0x7;
	[dreg:$0xc] =	wrdreg s25  }
0x1f: {  	s4 =	simm.s32 $0x3;
	s13 =	sadd.s32 s11, s13;
	[dreg:$0xe] =	wrdreg s7  }
.Ltmp0:
0x20: {  	s25 =	sadd.s32 s26, s2;
	s26 =	sadd.s32 s10, s2;
	(pc) =	sbr.rel .LBB2_1-.Ltmp0, $4  }
0x21: {  	s7 =	simm.s32 $0x1;
	s10 =	simm.s32 $0x5;
	s11 =	simm.s32 $0x2  }
0x22: {  	[dreg:$0xd] =	wrdreg s13;
	s24 =	sshrl.u32 s25, $0x3;
	s25 =	sshrl.u32 s26, $0x3  }
0x23: {  	s26 =	sadd.s32 $0x4000, s20;
	_ =	strace $0x80000050;
	[dreg:$0xf] =	wrdreg s22  }
0x24: {  	v0 =	vimm.f32 $0.0e+00;
	s13 =	simm.s32 $0x0;
	[dreg:$0x10] =	wrdreg s0;
	s0 =	simm.s32 $0x100  }
.LBB2_6:
0x25: {  	_ =	swait.ge [sflag:s11], $0x4000  }
0x26: {  	[sflag:s11] =	ssyncset.done $0x0  }
0x27: {  	[sflag:s11] =	ssyncadd.s32 $0xFFFFC000  }
0x28: {  	[spmem:s2] =	stream.indirect.scatter.add.f32 [tilespmem:s9], [sflag:$0x6], $0x80, s6, s5, $0xb8;
	[tilespmem:$0x1C200] =	vst v63  }
0x29: {  	_ =	swait.ge [sflag:s12], $0x4000  }
0x2a: {  	[sflag:s12] =	ssyncset.done $0x0  }
0x2b: {  	s14 =	stileid.u32;
	[sflag:s12] =	ssyncadd.s32 $0xFFFFC000  }
0x2c: {  	s14 =	sshll.u32 s14, $0x6;
	[bflag:$0x0] =	sbarrier.arrive $0xFFFF  }
0x2d: {  	s21 =	sshrl.u32 s20, $0x3;
	s14 =	sor.u32 $0x1C07, s14;
	s22 =	rddreg [dreg:$0x6]  }
0x2e: {  	[hbm:s22], [sflag:s14] =	dma.local [spmem:s21], $0x800  }
0x2f: {  	_ =	swait.ge [sflag:s1], $0x800  }
0x30: {  	[sflag:s1] =	ssyncset.done $0x0;
	s21 =	rddreg [dreg:$0xb]  }
0x31: {  	s22 =	rddreg [dreg:$0x10];
	[sflag:s1] =	ssyncadd.s32 $0xFFFFF800  }
0x32: {  	[hbm:s21], [sflag:s14] =	dma.local [spmem:s22], $0x800  }
0x33: {  	_ =	swait.ge [sflag:s1], $0x800  }
0x34: {  	[sflag:s1] =	ssyncset.done $0x0  }
0x35: {  	s22 =	rddreg [dreg:$0xc];
	[sflag:s1] =	ssyncadd.s32 $0xFFFFF800  }
0x36: {  	[hbm:s22], [sflag:s14] =	dma.local [spmem:s23], $0x800  }
0x37: {  	_ =	swait.ge [sflag:s1], $0x800  }
0x38: {  	[sflag:s1] =	ssyncset.done $0x0  }
0x39: {  	s22 =	rddreg [dreg:$0xd];
	[sflag:s1] =	ssyncadd.s32 $0xFFFFF800  }
0x3a: {  	[hbm:s22], [sflag:s14] =	dma.local [spmem:s24], $0x800  }
0x3b: {  	_ =	swait.ge [sflag:s1], $0x800  }
0x3c: {  	[sflag:s1] =	ssyncset.done $0x0  }
0x3d: {  	s22 =	rddreg [dreg:$0xe];
	[sflag:s1] =	ssyncadd.s32 $0xFFFFF800  }
0x3e: {  	[hbm:s22], [sflag:s14] =	dma.local [spmem:s25], $0x800  }
0x3f: {  	_ =	swait.ge [sflag:s1], $0x800  }
0x40: {  	s13 =	sadd.s32 $0x1, s13;
	s22 =	rddreg [dreg:$0xf]  }
0x41: {  	p0 =	sne.s32 s13, s22  }
.Ltmp1:
0x42: {  	_ = 	snop;
	(pc) =	sbr.rel @!p0 .LBB2_7-.Ltmp1, $3  }
0x43: {  	_ =	sdelay $0x1  }
0x44: {  	[sflag:s1] =	ssyncset.done $0x0  }
0x45: {  	[sflag:s1] =	ssyncadd.s32 $0xFFFFF800  }
.LBB2_1:
0x46: {  	s14 =	simm.s32 $0x0;
	s21 =	simm.s32 $0x200  }
.LBB2_2:
0x47: {  	p0 =	sne.s32 s21, $0xFE00;
	[tilespmem:s14+$0x270] =	vst v0  }
0x48: {  	[tilespmem:s14+$0x200] =	vst v0  }
0x49: {  	[tilespmem:s14+$0x210] =	vst v0  }
.Ltmp2:
0x4a: {  	[tilespmem:s14+$0x220] =	vst v0;
	(pc) =	sbr.rel @p0 .LBB2_2-.Ltmp2, $4  }
0x4b: {  	[tilespmem:s14+$0x230] =	vst v0  }
0x4c: {  	[tilespmem:s14+$0x240] =	vst v0  }
0x4d: {  	[tilespmem:s14+$0x250] =	vst v0  }
0x4e: {  	[tilespmem:s14+$0x260] =	vst v0;
	s14 =	sshra.s32 s21, $0x2;
	s21 =	sadd.s32 $0x200, s21  }
0x4f: {  	[tilespmem:s14+$0x270] =	vst v0  }
0x50: {  	[tilespmem:s14+$0x200] =	vst v0  }
0x51: {  	[tilespmem:s14+$0x210] =	vst v0  }
0x52: {  	[tilespmem:s14+$0x220] =	vst v0  }
0x53: {  	[tilespmem:s14+$0x230] =	vst v0  }
0x54: {  	[tilespmem:s14+$0x240] =	vst v0  }
0x55: {  	[tilespmem:s14+$0x250] =	vst v0  }
0x56: {  	[tilespmem:s14+$0x260] =	vst v0  }
0x57: {  	[spmem:s20] =	stream.linear.scatter [tilespmem:s31], [sflag:$0x7], $0x4000, $0x38;
	[tilespmem:$0x1C200] =	vst v63  }
0x58: {  	_ =	swait.ge [sflag:s1], $0x4000  }
0x59: {  	[sflag:s1] =	ssyncset.done $0x0  }
0x5a: {  	[sflag:s1] =	ssyncadd.s32 $0xFFFFC000  }
0x5b: {  	[spmem:s26] =	stream.linear.scatter [tilespmem:s31], [sflag:$0x7], $0x4000, $0x38;
	[tilespmem:$0x1C200] =	vst v63  }
0x5c: {  	_ =	swait.ge [sflag:s1], $0x4000  }
0x5d: {  	[sflag:s1] =	ssyncset.done $0x0  }
0x5e: {  	[sflag:s1] =	ssyncadd.s32 $0xFFFFC000  }
0x5f: {  	[spmem:s28] =	stream.linear.scatter [tilespmem:s31], [sflag:$0x7], $0x4000, $0x38;
	[tilespmem:$0x1C200] =	vst v63  }
0x60: {  	_ =	swait.ge [sflag:s1], $0x4000  }
0x61: {  	[sflag:s1] =	ssyncset.done $0x0  }
0x62: {  	[sflag:s1] =	ssyncadd.s32 $0xFFFFC000  }
0x63: {  	[spmem:s29] =	stream.linear.scatter [tilespmem:s31], [sflag:$0x7], $0x4000, $0x38;
	[tilespmem:$0x1C200] =	vst v63  }
0x64: {  	_ =	swait.ge [sflag:s1], $0x4000  }
0x65: {  	[sflag:s1] =	ssyncset.done $0x0  }
0x66: {  	[sflag:s1] =	ssyncadd.s32 $0xFFFFC000  }
0x67: {  	[spmem:s30] =	stream.linear.scatter [tilespmem:s31], [sflag:$0x7], $0x4000, $0x38;
	[tilespmem:$0x1C200] =	vst v63  }
0x68: {  	_ =	swait.ge [sflag:s1], $0x4000  }
0x69: {  	[sflag:s1] =	ssyncset.done $0x0  }
0x6a: {  	[sflag:s1] =	ssyncadd.s32 $0xFFFFC000  }
0x6b: {  	[bflag:$0x0] =	sbarrier.arrive $0xFFFF  }
0x6c: {  	s14 =	simm.s32 $0x0;
	s21 =	rddreg [dreg:$0x4]  }
0x6d: {  	[tilespmem:s14], [sflag:$0x3] =	stream.linear.gather [hbm4b:s21+s14], $0x80, $0x38;
	[tilespmem:$0x1C200] =	vst v63  }
0x6e: {  	s22 =	rddreg [dreg:$0x5]  }
0x6f: {  	[tilespmem:s0], [sflag:$0x3] =	stream.linear.gather [hbm4b:s22+s14], $0x80, $0x38;
	[tilespmem:$0x1C200] =	vst v63  }
0x70: {  	_ =	swait.ge [sflag:s4], $0x80  }
0x71: {  	[sflag:s4] =	ssyncset.done $0x0  }
0x72: {  	[sflag:s4] =	ssyncadd.s32 $0xFFFFFF80  }
0x73: {  	_ =	swait.ge [sflag:s4], $0x80  }
0x74: {  	[sflag:s4] =	ssyncset.done $0x0  }
0x75: {  	[sflag:s4] =	ssyncadd.s32 $0xFFFFFF80  }
0x76: {  	[tilespmem:s31], [sflag:$0x1] =	stream.indirect.gather [hbm4b:s19+s5], $0x80, s14, s5, $0xb8;
	[tilespmem:$0x1C200] =	vst v63  }
0x77: {  	s22 =	rddreg [dreg:$0x7]  }
0x78: {  	[tilespmem:s5], [sflag:$0x4] =	stream.linear.gather [hbm4b:s22+s14], $0x80, $0x38;
	[tilespmem:$0x1C200] =	vst v63  }
0x79: {  	s22 =	rddreg [dreg:$0x8]  }
0x7a: {  	[tilespmem:s6], [sflag:$0x4] =	stream.linear.gather [hbm4b:s22+s14], $0x80, $0x38;
	[tilespmem:$0x1C200] =	vst v63  }
0x7b: {  	_ =	swait.ge [sflag:s7], $0x4000  }
0x7c: {  	[sflag:s7] =	ssyncset.done $0x0  }
0x7d: {  	[sflag:s7] =	ssyncadd.s32 $0xFFFFC000  }
0x7e: {  	[spmem:s2] =	stream.indirect.scatter.add.f32 [tilespmem:s31], [sflag:$0x5], $0x80, s0, s5, $0xb8;
	[tilespmem:$0x1C200] =	vst v63  }
0x7f: {  	_ =	swait.ge [sflag:s8], $0x80  }
0x80: {  	[sflag:s8] =	ssyncset.done $0x0  }
0x81: {  	[sflag:s8] =	ssyncadd.s32 $0xFFFFFF80  }
0x82: {  	_ =	swait.ge [sflag:s8], $0x80  }
0x83: {  	[sflag:s8] =	ssyncset.done $0x0  }
0x84: {  	[sflag:s8] =	ssyncadd.s32 $0xFFFFFF80  }
0x85: {  	[tilespmem:s9], [sflag:$0x2] =	stream.indirect.gather [hbm4b:s19+s5], $0x80, s5, s5, $0xb8;
	[tilespmem:$0x1C200] =	vst v63  }
0x86: {  	_ =	swait.ge [sflag:s10], $0x4000  }
0x87: {  	[sflag:s10] =	ssyncset.done $0x0  }
0x88: {  	s22 =	rddreg [dreg:$0x9];
	[sflag:s10] =	ssyncadd.s32 $0xFFFFC000  }
0x89: {  	[tilespmem:s14], [sflag:$0x3] =	stream.linear.gather [hbm4b:s22+s14], $0x80, $0x38;
	[tilespmem:$0x1C200] =	vst v63  }
0x8a: {  	s22 =	rddreg [dreg:$0xa]  }
0x8b: {  	[tilespmem:s0], [sflag:$0x3] =	stream.linear.gather [hbm4b:s22+s14], $0x80, $0x38;
	[tilespmem:$0x1C200] =	vst v63  }
0x8c: {  	_ =	swait.ge [sflag:s11], $0x4000  }
0x8d: {  	[sflag:s11] =	ssyncset.done $0x0  }
0x8e: {  	[sflag:s11] =	ssyncadd.s32 $0xFFFFC000  }
0x8f: {  	[spmem:s2] =	stream.indirect.scatter.add.f32 [tilespmem:s9], [sflag:$0x6], $0x80, s6, s5, $0xb8;
	[tilespmem:$0x1C200] =	vst v63  }
0x90: {  	_ =	swait.ge [sflag:s4], $0x80  }
0x91: {  	[sflag:s4] =	ssyncset.done $0x0  }
0x92: {  	[sflag:s4] =	ssyncadd.s32 $0xFFFFFF80  }
0x93: {  	_ =	swait.ge [sflag:s4], $0x80  }
0x94: {  	[sflag:s4] =	ssyncset.done $0x0  }
0x95: {  	[sflag:s4] =	ssyncadd.s32 $0xFFFFFF80  }
0x96: {  	[tilespmem:s31], [sflag:$0x1] =	stream.indirect.gather [hbm4b:s19+s5], $0x80, s14, s5, $0xb8;
	[tilespmem:$0x1C200] =	vst v63  }
.LBB2_4:
0x97: {  	_ =	swait.ge [sflag:s12], $0x4000  }
0x98: {  	[sflag:s12] =	ssyncset.done $0x0  }
0x99: {  	s21 =	sadd.s32 s14, s18;
	[sflag:s12] =	ssyncadd.s32 $0xFFFFC000  }
0x9a: {  	[tilespmem:s5], [sflag:$0x4] =	stream.linear.gather [hbm4b:s21+s3], $0x80, $0x38;
	[tilespmem:$0x1C200] =	vst v63  }
0x9b: {  	s22 =	sadd.s32 s14, s17  }
0x9c: {  	[tilespmem:s6], [sflag:$0x4] =	stream.linear.gather [hbm4b:s22+s3], $0x80, $0x38;
	[tilespmem:$0x1C200] =	vst v63  }
0x9d: {  	_ =	swait.ge [sflag:s7], $0x4000  }
0x9e: {  	[sflag:s7] =	ssyncset.done $0x0  }
0x9f: {  	[sflag:s7] =	ssyncadd.s32 $0xFFFFC000  }
0xa0: {  	[spmem:s2] =	stream.indirect.scatter.add.f32 [tilespmem:s31], [sflag:$0x5], $0x80, s0, s5, $0xb8;
	[tilespmem:$0x1C200] =	vst v63  }
0xa1: {  	_ =	swait.ge [sflag:s8], $0x80  }
0xa2: {  	[sflag:s8] =	ssyncset.done $0x0  }
0xa3: {  	[sflag:s8] =	ssyncadd.s32 $0xFFFFFF80  }
0xa4: {  	_ =	swait.ge [sflag:s8], $0x80  }
0xa5: {  	p0 =	seq.s32 s14, $0x4C0;
	[sflag:s8] =	ssyncset.done $0x0  }
.Ltmp3:
0xa6: {  	[sflag:s8] =	ssyncadd.s32 $0xFFFFFF80;
	(pc) =	sbr.rel @p0 .LBB2_6-.Ltmp3, $4  }
0xa7: {  	[tilespmem:s9], [sflag:$0x2] =	stream.indirect.gather [hbm4b:s19+s5], $0x80, s5, s5, $0xb8;
	[tilespmem:$0x1C200] =	vst v63  }
0xa8: {  	_ =	swait.ge [sflag:s10], $0x4000  }
0xa9: {  	[sflag:s10] =	ssyncset.done $0x0  }
0xaa: {  	[sflag:s10] =	ssyncadd.s32 $0xFFFFC000  }
0xab: {  	s21 =	sadd.s32 s14, s16  }
0xac: {  	[tilespmem:s3], [sflag:$0x3] =	stream.linear.gather [hbm4b:s21+s3], $0x80, $0x38;
	[tilespmem:$0x1C200] =	vst v63  }
0xad: {  	s22 =	sadd.s32 s14, s15  }
0xae: {  	[tilespmem:s0], [sflag:$0x3] =	stream.linear.gather [hbm4b:s22+s3], $0x80, $0x38;
	[tilespmem:$0x1C200] =	vst v63  }
0xaf: {  	_ =	swait.ge [sflag:s11], $0x4000  }
0xb0: {  	[sflag:s11] =	ssyncset.done $0x0  }
0xb1: {  	[sflag:s11] =	ssyncadd.s32 $0xFFFFC000  }
0xb2: {  	[spmem:s2] =	stream.indirect.scatter.add.f32 [tilespmem:s9], [sflag:$0x6], $0x80, s6, s5, $0xb8;
	[tilespmem:$0x1C200] =	vst v63  }
0xb3: {  	_ =	swait.ge [sflag:s4], $0x80  }
0xb4: {  	[sflag:s4] =	ssyncset.done $0x0  }
.Ltmp4:
0xb5: {  	[sflag:s4] =	ssyncadd.s32 $0xFFFFFF80;
	(pc) =	sbr.rel .LBB2_4-.Ltmp4, $4  }
0xb6: {  	_ =	swait.ge [sflag:s4], $0x80  }
0xb7: {  	[sflag:s4] =	ssyncset.done $0x0  }
0xb8: {  	s14 =	sadd.s32 $0x20, s14;
	[sflag:s4] =	ssyncadd.s32 $0xFFFFFF80  }
0xb9: {  	[tilespmem:s31], [sflag:$0x1] =	stream.indirect.gather [hbm4b:s19+s5], $0x80, s3, s5, $0xb8;
	[tilespmem:$0x1C200] =	vst v63  }
.LBB2_7:
0xba: {  	_ =	sfence.sel $0x180000  }
0xbb: {  	[bflag:$0x0] =	sbarrier.arrive $0xFFFF  }
0xbc: {  	_ =	strace $0x90000050  }
0xbd: {  	s0 =	stileid.u32;
	[bflag:$0x2] =	sbarrier.arrive $0xFFFF  }
0xbe: {  	p0 =	sne.s32 s0, $0x0;
	s0 =	rddreg [dreg:$0x3]  }
0xbf: {  	s0 =	sadd.s32 @!p0 $0x100000, s0  }
0xc0: {  	[sflag:s0] =	ssyncadd.tile.s32 @!p0 $0x1;
	_ =	shalt  }
.Lfunc_end2:
_tile_overlayer_lowered:
.L_overlay_start_2:
0xc1: {  	(tag) =	ssettag $0x2  }
0xc2: {  	s0 =	rddreg [dreg:$0x0];
	s2 =	stileid.u32  }
0xc3: {  	s1 =	rddreg [dreg:$0x1];
	p0 =	sne.s32 s2, $0x0  }
0xc4: {  	s3 =	rddreg [dreg:$0x2];
	[bflag:$0x3] =	sbarrier.arrive $0xFFFF;
	s2 =	simm.s32 @!p0 $0x1C07  }
0xc5: {  	[timem:s3], [sflag:s2] =	dma.local @!p0 [hbm:s0], s1  }
0xc6: {  	s0 =	simm.s32 @!p0 $0x7  }
0xc7: {  	_ =	swait.ge @!p0 [sflag:s0], s1  }
0xc8: {  	s1 =	ssub.s32 @!p0 $0x0, s1;
	[sflag:s0] =	ssyncset.done @!p0 $0x0  }
0xc9: {  	[sflag:s0] =	ssyncadd.s32 @!p0 s1  }
0xca: {  	[bflag:$0x3] =	sbarrier.arrive $0xFFFF  }
0xcb: {  	_ =	shalt  }

</sc_bundles>
